<compile_context>
chip_gen: v7x
topology: tpu7x:2x2x1
jax: 0.10.2.dev20260603
libtpu: 0.0.44.dev20260713+nightly
codegen_flags: <defaults>
</compile_context>

<pallas_src>
import functools

import jax
import jax.numpy as jnp
from jax import lax
from jax.experimental import pallas as pl
from jax.experimental.pallas import tpu as pltpu
from jax.experimental.pallas import tpu_sc as plsc

_B = 4096
_N = 100000
_F = 128
_NC = 2
_NS = 16
_NW = _NC * _NS
_EW = _B // _NW
_TRS = 56
_TROWS = _TRS * _NS
_RNG = _TRS * 128

_mesh = plsc.VectorSubcoreMesh(core_axis_name="c", subcore_axis_name="s")
_params = pltpu.CompilerParams(needs_layout_passes=False)


@functools.partial(
    pl.kernel,
    out_type=[
        jax.ShapeDtypeStruct((_B, _F), jnp.float32),
        jax.ShapeDtypeStruct((_B, _F), jnp.float32),
        jax.ShapeDtypeStruct((_B, _F), jnp.float32),
        jax.ShapeDtypeStruct((_B,), jnp.float32),
    ],
    mesh=_mesh,
    compiler_params=_params,
    scratch_types=[
        pltpu.VMEM((_EW,), jnp.int32),
        pltpu.VMEM((_EW,), jnp.int32),
        pltpu.VMEM((_EW,), jnp.int32),
        pltpu.VMEM((_EW,), jnp.int32),
        pltpu.VMEM((_EW, _F), jnp.float32),
        pltpu.VMEM((_EW, _F), jnp.float32),
        pltpu.VMEM((_EW, _F), jnp.float32),
        pltpu.VMEM((_EW, 128), jnp.float32),
        pltpu.VMEM((_EW,), jnp.float32),
        pltpu.SemaphoreType.DMA,
        pltpu.SemaphoreType.DMA,
    ],
)
def _sc_gather_a(src_hbm, dst_hbm, eidx_hbm, nf_hbm, ef_hbm, mem_hbm,
                 lu2d_hbm, mems_o, nfd_o, ef_o, lus_o,
                 src_v, dst_v, eidx_v, row_v, rb0, rb1, rb2, lrx, lusb,
                 sem, sem2):
    c = lax.axis_index("c")
    s = lax.axis_index("s")
    base = (s * _NC + c) * _EW
    iota = lax.iota(jnp.int32, 16)
    pltpu.sync_copy(src_hbm.at[pl.ds(base, _EW)], src_v)
    pltpu.sync_copy(dst_hbm.at[pl.ds(base, _EW)], dst_v)
    pltpu.sync_copy(eidx_hbm.at[pl.ds(base, _EW)], eidx_v)
    cps = [
        pltpu.async_copy(mem_hbm.at[src_v], rb0, sem),
        pltpu.async_copy(nf_hbm.at[dst_v], rb1, sem),
        pltpu.async_copy(ef_hbm.at[eidx_v], rb2, sem),
    ]
    for t in range(_EW // 16):
        row_v[pl.ds(t * 16, 16)] = src_v[pl.ds(t * 16, 16)] >> 7
    pltpu.async_copy(lu2d_hbm.at[row_v], lrx, sem2).wait()
    for t in range(_EW // 16):
        sl = pl.ds(t * 16, 16)
        lusb[sl] = plsc.load_gather(lrx, [t * 16 + iota, src_v[sl] & 127])
    for cp in cps:
        cp.wait()
    pltpu.sync_copy(rb0, mems_o.at[pl.ds(base, _EW)])
    pltpu.sync_copy(rb1, nfd_o.at[pl.ds(base, _EW)])
    pltpu.sync_copy(rb2, ef_o.at[pl.ds(base, _EW)])
    pltpu.sync_copy(lusb, lus_o.at[pl.ds(base, _EW)])


@functools.partial(
    pl.kernel,
    out_type=[
        jax.ShapeDtypeStruct((_B, _F), jnp.float32),
        jax.ShapeDtypeStruct((_B, _F), jnp.float32),
        jax.ShapeDtypeStruct((_B,), jnp.float32),
        jax.ShapeDtypeStruct((_B,), jnp.int32),
        jax.ShapeDtypeStruct((_B,), jnp.int32),
        jax.ShapeDtypeStruct((_B,), jnp.int32),
    ],
    mesh=_mesh,
    compiler_params=_params,
    scratch_types=[
        pltpu.VMEM((_B,), jnp.int32),
        pltpu.VMEM((_TRS, 128), jnp.int32),
        pltpu.HBM((_TROWS, 128), jnp.int32),
        pltpu.VMEM((_EW,), jnp.int32),
        pltpu.VMEM((_EW,), jnp.int32),
        pltpu.VMEM((_EW,), jnp.int32),
        pltpu.VMEM((_EW, _F), jnp.float32),
        pltpu.VMEM((_EW, _F), jnp.float32),
        pltpu.VMEM((_EW, 128), jnp.float32),
        pltpu.VMEM((_EW, 128), jnp.int32),
        pltpu.VMEM((_EW,), jnp.float32),
        pltpu.VMEM((_EW,), jnp.int32),
        pltpu.VMEM((_EW,), jnp.int32),
        pltpu.VMEM((_EW,), jnp.int32),
        pltpu.SemaphoreType.DMA,
        pltpu.SemaphoreType.DMA,
    ],
)
def _sc_resolve_b(src_hbm, dst_hbm, nf_hbm, mem_hbm, lu2d_hbm,
                  nfs_o, memd_o, lud_o, js_o, jd_o, jdp_o,
                  src_all, tbl_loc, tbl_sh, src_v, dst_v, row_v,
                  rb0, rb1, lrx, trx, ludb, jsb, jdb, jdpb, sem, sem2):
    c = lax.axis_index("c")
    s = lax.axis_index("s")
    base = (s * _NC + c) * _EW
    lo = s * _RNG
    iota = lax.iota(jnp.int32, 16)

    pltpu.sync_copy(src_hbm.at[pl.ds(base, _EW)], src_v)
    pltpu.sync_copy(dst_hbm.at[pl.ds(base, _EW)], dst_v)
    cps = [
        pltpu.async_copy(nf_hbm.at[src_v], rb0, sem),
        pltpu.async_copy(mem_hbm.at[dst_v], rb1, sem),
    ]

    pltpu.sync_copy(src_hbm, src_all)

    def zero_body(k, _):
        for q in range(8):
            tbl_loc[k, pl.ds(q * 16, 16)] = jnp.zeros((16,), jnp.int32)
        return 0
    lax.fori_loop(0, _TRS, zero_body, 0)

    def scat_body(k4, _):
        for u in range(4):
            k = k4 * 4 + u
            ids = src_all[pl.ds(k * 16, 16)]
            inr = (ids >= lo) & (ids < lo + _RNG)
            ev1 = k * 16 + iota + 1
            loc = jnp.where(inr, ids - lo, 0)
            r = loc >> 7
            cc = loc & 127
            cnt = jnp.sum(inr.astype(jnp.int32))

            def fast(_, r=r, cc=cc, ev1=ev1, inr=inr):
                plsc.store_scatter(tbl_loc, [r, cc], ev1, mask=inr)
                return 0

            def slow(_, r=r, cc=cc, ev1=ev1, inr=inr):
                for l in range(16):
                    plsc.store_scatter(tbl_loc, [r, cc], ev1,
                                       mask=inr & (iota == l))
                return 0

            lax.cond(cnt > 1, slow, fast, 0)
        return 0
    lax.fori_loop(0, _B // 64, scat_body, 0)

    pltpu.sync_copy(tbl_loc, tbl_sh.at[pl.ds(s * _TRS, _TRS)])
    plsc.subcore_barrier()

    for t in range(_EW // 16):
        row_v[pl.ds(t * 16, 16)] = src_v[pl.ds(t * 16, 16)] >> 7
    l1 = pltpu.async_copy(tbl_sh.at[row_v], trx, sem2)
    l1.wait()
    for t in range(_EW // 16):
        sl = pl.ds(t * 16, 16)
        jsb[sl] = plsc.load_gather(trx, [t * 16 + iota, src_v[sl] & 127]) - 1
    for t in range(_EW // 16):
        row_v[pl.ds(t * 16, 16)] = dst_v[pl.ds(t * 16, 16)] >> 7
    l0 = pltpu.async_copy(lu2d_hbm.at[row_v], lrx, sem2)
    l1 = pltpu.async_copy(tbl_sh.at[row_v], trx, sem2)
    l0.wait()
    l1.wait()
    for t in range(_EW // 16):
        sl = pl.ds(t * 16, 16)
        cc = dst_v[sl] & 127
        ludb[sl] = plsc.load_gather(lrx, [t * 16 + iota, cc])
        jdp = plsc.load_gather(trx, [t * 16 + iota, cc])
        jdpb[sl] = jdp
        own = base + t * 16 + iota
        jdb[sl] = jnp.where(jdp > 0, jdp - 1, own)

    for cp in cps:
        cp.wait()
    pltpu.sync_copy(rb0, nfs_o.at[pl.ds(base, _EW)])
    pltpu.sync_copy(rb1, memd_o.at[pl.ds(base, _EW)])
    pltpu.sync_copy(ludb, lud_o.at[pl.ds(base, _EW)])
    pltpu.sync_copy(jsb, js_o.at[pl.ds(base, _EW)])
    pltpu.sync_copy(jdb, jd_o.at[pl.ds(base, _EW)])
    pltpu.sync_copy(jdpb, jdp_o.at[pl.ds(base, _EW)])


@functools.partial(
    pl.kernel,
    out_type=[
        jax.ShapeDtypeStruct((_B, _F), jnp.float32),
        jax.ShapeDtypeStruct((_B, _F), jnp.float32),
        jax.ShapeDtypeStruct((_B,), jnp.float32),
        jax.ShapeDtypeStruct((_B,), jnp.float32),
    ],
    mesh=_mesh,
    compiler_params=_params,
    scratch_types=[
        pltpu.VMEM((_EW,), jnp.int32),
        pltpu.VMEM((_EW,), jnp.int32),
        pltpu.VMEM((_B,), jnp.float32),
        pltpu.VMEM((_EW, _F), jnp.float32),
        pltpu.VMEM((_EW, _F), jnp.float32),
        pltpu.VMEM((_EW,), jnp.float32),
        pltpu.VMEM((_EW,), jnp.float32),
        pltpu.SemaphoreType.DMA,
    ],
)
def _sc_permute_rows(tab_hbm, ts_hbm, js_hbm, jd_hbm,
                     nhs_o, nhd_o, tjs_o, tjd_o,
                     js_v, jd_v, ts_v, rb0, rb1, tsb0, tsb1, sem):
    c = lax.axis_index("c")
    s = lax.axis_index("s")
    base = (s * _NC + c) * _EW
    pltpu.sync_copy(js_hbm.at[pl.ds(base, _EW)], js_v)
    pltpu.sync_copy(jd_hbm.at[pl.ds(base, _EW)], jd_v)
    pltpu.sync_copy(ts_hbm, ts_v)
    cps = [
        pltpu.async_copy(tab_hbm.at[js_v], rb0, sem),
        pltpu.async_copy(tab_hbm.at[jd_v], rb1, sem),
    ]
    for t in range(_EW // 16):
        sl = pl.ds(t * 16, 16)
        tsb0[sl] = plsc.load_gather(ts_v, [js_v[sl]])
        tsb1[sl] = plsc.load_gather(ts_v, [jd_v[sl]])
    for cp in cps:
        cp.wait()
    pltpu.sync_copy(rb0, nhs_o.at[pl.ds(base, _EW)])
    pltpu.sync_copy(rb1, nhd_o.at[pl.ds(base, _EW)])
    pltpu.sync_copy(tsb0, tjs_o.at[pl.ds(base, _EW)])
    pltpu.sync_copy(tsb1, tjd_o.at[pl.ds(base, _EW)])


def _tc_fold(wvT_r, bv_r, owT_r, ob_r, ewT_r, eb_r, pwT_r, pb_r,
             tw2T_r, tb2_r, aT_r, bT_r, lb1_r,
             ms_o, md_o, t2s_o, t2d_o, bias_o):
    C1 = jnp.dot(wvT_r[...], owT_r[...])
    C2 = jnp.dot(C1, ewT_r[...])
    C3 = jnp.dot(C2, pwT_r[...])
    cvec = (jnp.dot(jnp.dot(bv_r[...], owT_r[...]) + ob_r[...], ewT_r[...])
            + eb_r[...])
    cvec = jnp.dot(cvec, pwT_r[...]) + pb_r[...]
    Ms = jnp.dot(C3, aT_r[...])
    Md = jnp.dot(C3, bT_r[...])
    ms_o[...] = Ms
    md_o[...] = Md
    t2s_o[...] = jnp.dot(tw2T_r[...], Ms[256:384])
    t2d_o[...] = jnp.dot(tw2T_r[...], Md[256:384])
    bias_o[...] = (jnp.dot(cvec, aT_r[...]) + jnp.dot(cvec, bT_r[...])
                   + lb1_r[...] + jnp.dot(tb2_r[...], Ms[256:384])
                   + jnp.dot(tb2_r[...], Md[256:384]))


def _tc_msg_gru(mem_s_r, nfd_r, ef_r, ts_r, lu_r,
                w1a_r, w1b_r, w1c_r, wts_r, wdt_r, b1_r, w2_r, b2_r,
                wih_r, whh_r, bih_r, bhh_r, out_r):
    mem_s = mem_s_r[...]
    ts = ts_r[...]
    h = (jnp.dot(mem_s, w1a_r[...]) + jnp.dot(nfd_r[...], w1b_r[...])
         + jnp.dot(ef_r[...], w1c_r[...])
         + ts * wts_r[...] + (ts - lu_r[...]) * wdt_r[...] + b1_r[...])
    m = jnp.dot(jax.nn.relu(h), w2_r[...]) + b2_r[...]
    gi = jnp.dot(m, wih_r[...]) + bih_r[...]
    gh = jnp.dot(mem_s, whh_r[...]) + bhh_r[...]
    r = jax.nn.sigmoid(gi[:, :128] + gh[:, :128])
    z = jax.nn.sigmoid(gi[:, 128:256] + gh[:, 128:256])
    n = jnp.tanh(gi[:, 256:384] + r * gh[:, 256:384])
    out_r[...] = (1.0 - z) * n + z * mem_s


def _tc_embed_lp(nhs_r, nhd_r, tjs_r, tjd_r, jdp_r, memd_r, lud_r, nfs_r,
                 nfd_r, ts_r, ms_r, md_r, t2s_r, t2d_r, bias_r,
                 tw1_r, tb1_r, w2T_r, lb2_r, w3T_r, lb3_r, out_r):
    Ms = ms_r[...]
    Md = md_r[...]
    ts = ts_r[...]
    found = jdp_r[...] > 0
    mem2_s = nhs_r[...]
    lu2_s = tjs_r[...]
    mem2_d = jnp.where(found, nhd_r[...], memd_r[...])
    lu2_d = jnp.where(found, tjd_r[...], lud_r[...])
    te_s = jax.nn.relu((ts - lu2_s) * tw1_r[...] + tb1_r[...])
    te_d = jax.nn.relu((ts - lu2_d) * tw1_r[...] + tb1_r[...])
    x1 = jax.nn.relu(
        jnp.dot(mem2_s, Ms[:128]) + jnp.dot(nfs_r[...], Ms[128:256])
        + jnp.dot(te_s, t2s_r[...])
        + jnp.dot(mem2_d, Md[:128]) + jnp.dot(nfd_r[...], Md[128:256])
        + jnp.dot(te_d, t2d_r[...]) + bias_r[...])
    x2 = jax.nn.relu(jnp.dot(x1, w2T_r[...]) + lb2_r[...])
    out_r[...] = jnp.dot(x2, w3T_r[...]) + lb3_r[...]


def kernel(source_nodes, destination_nodes, timestamps, edge_idxs,
           node_features, edge_features, memory, last_update,
           t_w1, t_b1, t_w2, t_b2,
           msg_w1, msg_b1, msg_w2, msg_b2,
           gru_wih, gru_whh, gru_bih, gru_bhh,
           attn_in_w, attn_in_b, attn_out_w, attn_out_b,
           emb_w, emb_b, proj_w, proj_b,
           lp_w1, lp_b1, lp_w2, lp_b2, lp_w3, lp_b3):
    src = source_nodes.astype(jnp.int32)
    dst = destination_nodes.astype(jnp.int32)
    eidx = edge_idxs.astype(jnp.int32)
    ts = timestamps.astype(jnp.float32)
    lu2d = jnp.reshape(
        jnp.pad(last_update.astype(jnp.float32), (0, _TROWS * 128 - _N)),
        (_TROWS, 128))
    D = 384

    Ms, Md, T2s, T2d, bias = pl.pallas_call(
        _tc_fold,
        out_shape=[
            jax.ShapeDtypeStruct((D, _F), jnp.float32),
            jax.ShapeDtypeStruct((D, _F), jnp.float32),
            jax.ShapeDtypeStruct((_F, _F), jnp.float32),
            jax.ShapeDtypeStruct((_F, _F), jnp.float32),
            jax.ShapeDtypeStruct((1, _F), jnp.float32),
        ],
    )(attn_in_w[2 * D:].T, attn_in_b[2 * D:][None, :],
      attn_out_w.T, attn_out_b[None, :],
      emb_w.T, emb_b[None, :], proj_w.T, proj_b[None, :],
      t_w2.T, t_b2[None, :],
      lp_w1[:, :128].T, lp_w1[:, 128:].T, lp_b1[None, :])

    mem_s, nf_d, ef_g, lu_s = _sc_gather_a(
        src, dst, eidx, node_features, edge_features, memory, lu2d)
    nf_s, mem_d, lu_d, js, jd, jdp = _sc_resolve_b(
        src, dst, node_features, memory, lu2d)

    ts2 = ts[:, None]
    tab = pl.pallas_call(
        _tc_msg_gru,
        out_shape=jax.ShapeDtypeStruct((_B, _F), jnp.float32),
    )(mem_s, nf_d, ef_g, ts2, lu_s[:, None],
      msg_w1[:, 0:128].T, msg_w1[:, 128:256].T, msg_w1[:, 256:384].T,
      msg_w1[:, 384][None, :], msg_w1[:, 385][None, :], msg_b1[None, :],
      msg_w2.T, msg_b2[None, :],
      gru_wih.T, gru_whh.T, gru_bih[None, :], gru_bhh[None, :])

    nh_s, nh_d, tjs, tjd = _sc_permute_rows(tab, ts, js, jd)

    out = pl.pallas_call(
        _tc_embed_lp,
        out_shape=jax.ShapeDtypeStruct((_B, 1), jnp.float32),
    )(nh_s, nh_d, tjs[:, None], tjd[:, None], jdp[:, None], mem_d,
      lu_d[:, None], nf_s, nf_d, ts2, Ms, Md, T2s, T2d, bias,
      t_w1[:, 0][None, :], t_b1[None, :],
      lp_w2.T, lp_b2[None, :], lp_w3.T, lp_b3[None, :])
    return out

# --- scband reference (transcript-rebuilt; emitter-appended) ---
"""Pipeline reference for scband-tgnmodel-32547262169240 (READ-ONLY COPY).

The authoritative reference and input builder live on the scoring server;
editing this copy changes nothing except your own understanding.
"""

import jax, jax.numpy as jnp
import numpy as np

N = 100000   # n_nodes
FN = 128     # node feature dim
FE = 128     # edge feature dim
ER = 200000  # edge feature table rows
DM = 128     # memory_dimension (= message_dimension, output_dimension)
DT = 128     # time_dimension
D = DM + FN + DT  # embedding_dimension = 384
H = 4        # n_heads
B = 4096     # batch of temporal events
MSG = DM
IND = FN + FE + 1  # MemoryModule input_dimension = 257


def _mha(xq, xkv, in_w, in_b, out_w, out_b, n_heads):
    Bq, Lq, Dm_ = xq.shape
    Lk = xkv.shape[1]
    dh = Dm_ // n_heads
    wq, wk, wv = in_w[:Dm_], in_w[Dm_:2 * Dm_], in_w[2 * Dm_:]
    bq, bk, bv = in_b[:Dm_], in_b[Dm_:2 * Dm_], in_b[2 * Dm_:]
    q = (xq @ wq.T + bq).reshape(Bq, Lq, n_heads, dh).transpose(0, 2, 1, 3)
    k = (xkv @ wk.T + bk).reshape(Bq, Lk, n_heads, dh).transpose(0, 2, 1, 3)
    v = (xkv @ wv.T + bv).reshape(Bq, Lk, n_heads, dh).transpose(0, 2, 1, 3)
    a = jax.nn.softmax((q @ k.transpose(0, 1, 3, 2)) / jnp.sqrt(float(dh)), axis=-1)
    o = (a @ v).transpose(0, 2, 1, 3).reshape(Bq, Lq, Dm_)
    return o @ out_w.T + out_b


def setup_inputs(seed: int = 0):
    key = jax.random.key(seed)
    kk = lambda i: jax.random.fold_in(key, i)
    inp = {}
    inp["source_nodes"] = jax.random.randint(kk(1), (B,), 0, N)
    inp["destination_nodes"] = jax.random.randint(kk(2), (B,), 0, N)
    inp["timestamps"] = jax.random.uniform(kk(3), (B,), dtype=jnp.float32)
    inp["edge_idxs"] = jax.random.randint(kk(4), (B,), 0, ER)
    inp["node_features"] = jax.random.normal(kk(5), (N, FN), dtype=jnp.float32) * 0.1
    inp["edge_features"] = jax.random.normal(kk(6), (ER, FE), dtype=jnp.float32) * 0.1
    inp["memory"] = jnp.zeros((N, DM), dtype=jnp.float32)
    inp["last_update"] = jnp.zeros((N,), dtype=jnp.float32)
    w = lambda i, shp: jax.random.normal(kk(100 + i), shp, dtype=jnp.float32) * 0.05
    inp["t_w1"] = w(0, (DT, 1)); inp["t_b1"] = w(1, (DT,))
    inp["t_w2"] = w(2, (DT, DT)); inp["t_b2"] = w(3, (DT,))
    inp["msg_w1"] = w(4, (MSG, IND + DM + 1)); inp["msg_b1"] = w(5, (MSG,))
    inp["msg_w2"] = w(6, (MSG, MSG)); inp["msg_b2"] = w(7, (MSG,))
    inp["gru_wih"] = w(8, (3 * DM, MSG)); inp["gru_whh"] = w(9, (3 * DM, DM))
    inp["gru_bih"] = w(10, (3 * DM,)); inp["gru_bhh"] = w(11, (3 * DM,))
    inp["attn_in_w"] = w(12, (3 * D, D)); inp["attn_in_b"] = w(13, (3 * D,))
    inp["attn_out_w"] = w(14, (D, D)); inp["attn_out_b"] = w(15, (D,))
    inp["emb_w"] = w(16, (DM, D)); inp["emb_b"] = w(17, (DM,))
    inp["proj_w"] = w(18, (DM, DM)); inp["proj_b"] = w(19, (DM,))
    inp["lp_w1"] = w(20, (DM, 2 * DM)); inp["lp_b1"] = w(21, (DM,))
    inp["lp_w2"] = w(22, (DM // 2, DM)); inp["lp_b2"] = w(23, (DM // 2,))
    inp["lp_w3"] = w(24, (1, DM // 2)); inp["lp_b3"] = w(25, (1,))
    return inp


def reference(source_nodes, destination_nodes, timestamps, edge_idxs,
              node_features, edge_features, memory, last_update,
              t_w1, t_b1, t_w2, t_b2,
              msg_w1, msg_b1, msg_w2, msg_b2,
              gru_wih, gru_whh, gru_bih, gru_bhh,
              attn_in_w, attn_in_b, attn_out_w, attn_out_b,
              emb_w, emb_b, proj_w, proj_b,
              lp_w1, lp_b1, lp_w2, lp_b2, lp_w3, lp_b3):
    # --- 1. compute messages (gather from memory table) ---
    ef = edge_features[edge_idxs]
    raw = jnp.concatenate([node_features[destination_nodes], ef, timestamps[:, None]], axis=1)
    src_mem = memory[source_nodes]
    dt0 = timestamps - last_update[source_nodes]
    msg_in = jnp.concatenate([src_mem, raw, dt0[:, None]], axis=1)
    m = jax.nn.relu(msg_in @ msg_w1.T + msg_b1) @ msg_w2.T + msg_b2
    # --- 2. GRUCell memory update + scatter write ---
    gi = m @ gru_wih.T + gru_bih
    gh = src_mem @ gru_whh.T + gru_bhh
    i_r, i_z, i_n = jnp.split(gi, 3, axis=1)
    h_r, h_z, h_n = jnp.split(gh, 3, axis=1)
    r = jax.nn.sigmoid(i_r + h_r)
    z = jax.nn.sigmoid(i_z + h_z)
    n = jnp.tanh(i_n + r * h_n)
    new_h = (1.0 - z) * n + z * src_mem
    mem2 = memory.at[source_nodes].set(new_h)
    lu2 = last_update.at[source_nodes].set(timestamps)
    # --- 3. temporal embeddings ---
    def embed(nodes):
        mem = mem2[nodes]
        feats = node_features[nodes]
        td = timestamps - lu2[nodes]
        te = jax.nn.relu(td[:, None] @ t_w1.T + t_b1) @ t_w2.T + t_b2
        h0 = jnp.concatenate([mem, feats, te], axis=1)
        att = _mha(h0[:, None, :], h0[:, None, :], attn_in_w, attn_in_b, attn_out_w, attn_out_b, H)[:, 0, :]
        e = att @ emb_w.T + emb_b
        return e @ proj_w.T + proj_b
    se = embed(source_nodes)
    de = embed(destination_nodes)
    # --- 4. link predictor (dropout inactive in eval) ---
    x = jnp.concatenate([se, de], axis=1)
    x = jax.nn.relu(x @ lp_w1.T + lp_b1)
    x = jax.nn.relu(x @ lp_w2.T + lp_b2)
    return x @ lp_w3.T + lp_b3

if __name__ == "__main__":
    import jax
    _d = setup_inputs()
    print(jax.jit(kernel)(*tuple(_d.values())))

</pallas_src>

<mosaic_0001>
#map = affine_map<(d0, d1) -> (0)>
#map1 = affine_map<(d0, d1) -> (0, 0)>
module attributes {stable_mosaic.version = 14 : i64} {
  func.func @_sc_resolve_b(%arg0: i32, %arg1: i32, %arg2: memref<4096xi32, #tpu.memory_space<hbm>>, %arg3: memref<4096xi32, #tpu.memory_space<hbm>>, %arg4: memref<100000x128xf32, #tpu.memory_space<hbm>>, %arg5: memref<100000x128xf32, #tpu.memory_space<hbm>>, %arg6: memref<896x128xf32, #tpu.memory_space<hbm>>, %arg7: memref<4096x128xf32, #tpu.memory_space<hbm>>, %arg8: memref<4096x128xf32, #tpu.memory_space<hbm>>, %arg9: memref<4096xf32, #tpu.memory_space<hbm>>, %arg10: memref<4096xi32, #tpu.memory_space<hbm>>, %arg11: memref<4096xi32, #tpu.memory_space<hbm>>, %arg12: memref<4096xi32, #tpu.memory_space<hbm>>, %arg13: memref<4096xi32, #tpu.memory_space<vmem>>, %arg14: memref<56x128xi32, #tpu.memory_space<vmem>>, %arg15: memref<896x128xi32, #tpu.memory_space<hbm>>, %arg16: memref<128xi32, #tpu.memory_space<vmem>>, %arg17: memref<128xi32, #tpu.memory_space<vmem>>, %arg18: memref<128xi32, #tpu.memory_space<vmem>>, %arg19: memref<128x128xf32, #tpu.memory_space<vmem>>, %arg20: memref<128x128xf32, #tpu.memory_space<vmem>>, %arg21: memref<128x128xf32, #tpu.memory_space<vmem>>, %arg22: memref<128x128xi32, #tpu.memory_space<vmem>>, %arg23: memref<128xf32, #tpu.memory_space<vmem>>, %arg24: memref<128xi32, #tpu.memory_space<vmem>>, %arg25: memref<128xi32, #tpu.memory_space<vmem>>, %arg26: memref<128xi32, #tpu.memory_space<vmem>>, %arg27: memref<!tpu.dma_semaphore, #tpu.memory_space<semaphore_mem>>, %arg28: memref<!tpu.dma_semaphore, #tpu.memory_space<semaphore_mem>>) attributes {dimension_semantics = [#tpu.dimension_semantics<core_parallel>, #tpu.dimension_semantics<subcore_parallel>], iteration_bounds = array<i64: 2, 16>, scalar_prefetch = 0 : i64, scratch_operands = 16 : i64, tpu.core_type = #tpu.core_type<sc_vector_subcore>, window_params = [{transform_indices = #map}, {transform_indices = #map}, {transform_indices = #map1}, {transform_indices = #map1}, {transform_indices = #map1}, {transform_indices = #map1}, {transform_indices = #map1}, {transform_indices = #map}, {transform_indices = #map}, {transform_indices = #map}, {transform_indices = #map}]} {
    %mul3A = arith.constant 2 : i32
    %mul3A_0 = arith.muli %arg1, %mul3A : i32
    %add3A = arith.addi %mul3A_0, %arg0 : i32
    %mul3A_1 = arith.constant 128 : i32
    %mul3A_2 = arith.muli %add3A, %mul3A_1 : i32
    %mul3A_3 = arith.constant 7168 : i32
    %mul3A_4 = arith.muli %arg1, %mul3A_3 : i32
    %iota3A = tpu.iota {dimensions = array<i32: 0>} : vector<16xi32>
    "tpu.region"() ({
      %run_scoped3A = tpu.sem_alloc : memref<!tpu.dma_semaphore, #tpu.memory_space<semaphore_mem>>
      %dma_start3A_504 = tpu.memref_slice %arg2[%mul3A_2] : memref<4096xi32, #tpu.memory_space<hbm>> -> memref<128xi32, #tpu.memory_space<hbm>>
      %dma_start3A_505 = tpu.memref_slice %arg2[%mul3A_2] : memref<4096xi32, #tpu.memory_space<hbm>> -> memref<128xi32, #tpu.memory_space<hbm>>
      tpu.enqueue_dma source(%dma_start3A_505 : memref<128xi32, #tpu.memory_space<hbm>>) target(%arg16 : memref<128xi32, #tpu.memory_space<vmem>>) target_semaphore(%run_scoped3A : memref<!tpu.dma_semaphore, #tpu.memory_space<semaphore_mem>>)
      %dma_wait3A_506 = tpu.memref_slice %arg2[%mul3A_2] : memref<4096xi32, #tpu.memory_space<hbm>> -> memref<128xi32, #tpu.memory_space<hbm>>
      %dma_wait3A_507 = tpu.memref_slice %arg2[%mul3A_2] : memref<4096xi32, #tpu.memory_space<hbm>> -> memref<128xi32, #tpu.memory_space<hbm>>
      tpu.wait_dma2 semaphore(%run_scoped3A : memref<!tpu.dma_semaphore, #tpu.memory_space<semaphore_mem>>) src(%dma_wait3A_507 : memref<128xi32, #tpu.memory_space<hbm>>) dst(%arg16 : memref<128xi32, #tpu.memory_space<vmem>>)
      tpu.yield
    }) : () -> ()
    "tpu.region"() ({
      %run_scoped3A = tpu.sem_alloc : memref<!tpu.dma_semaphore, #tpu.memory_space<semaphore_mem>>
      %dma_start3A_504 = tpu.memref_slice %arg3[%mul3A_2] : memref<4096xi32, #tpu.memory_space<hbm>> -> memref<128xi32, #tpu.memory_space<hbm>>
      %dma_start3A_505 = tpu.memref_slice %arg3[%mul3A_2] : memref<4096xi32, #tpu.memory_space<hbm>> -> memref<128xi32, #tpu.memory_space<hbm>>
      tpu.enqueue_dma source(%dma_start3A_505 : memref<128xi32, #tpu.memory_space<hbm>>) target(%arg17 : memref<128xi32, #tpu.memory_space<vmem>>) target_semaphore(%run_scoped3A : memref<!tpu.dma_semaphore, #tpu.memory_space<semaphore_mem>>)
      %dma_wait3A_506 = tpu.memref_slice %arg3[%mul3A_2] : memref<4096xi32, #tpu.memory_space<hbm>> -> memref<128xi32, #tpu.memory_space<hbm>>
      %dma_wait3A_507 = tpu.memref_slice %arg3[%mul3A_2] : memref<4096xi32, #tpu.memory_space<hbm>> -> memref<128xi32, #tpu.memory_space<hbm>>
      tpu.wait_dma2 semaphore(%run_scoped3A : memref<!tpu.dma_semaphore, #tpu.memory_space<semaphore_mem>>) src(%dma_wait3A_507 : memref<128xi32, #tpu.memory_space<hbm>>) dst(%arg17 : memref<128xi32, #tpu.memory_space<vmem>>)
      tpu.yield
    }) : () -> ()
    %dma_start3A = arith.constant 0 : i32
    %dma_start3A_5 = arith.constant 0 : i32
    %dma_start3A_6 = tpu.memref_slice %arg4[%dma_start3A, %dma_start3A_5] : memref<100000x128xf32, #tpu.memory_space<hbm>> -> memref<100000x128xf32, #tpu.memory_space<hbm>>
    tpu.enqueue_indirect_dma source(%dma_start3A_6 : memref<100000x128xf32, #tpu.memory_space<hbm>>) target(%arg19 : memref<128x128xf32, #tpu.memory_space<vmem>>) offsets(%arg16 : memref<128xi32, #tpu.memory_space<vmem>>) semaphore(%arg27 : memref<!tpu.dma_semaphore, #tpu.memory_space<semaphore_mem>>)
    %dma_start3A_7 = arith.constant 0 : i32
    %dma_start3A_8 = arith.constant 0 : i32
    %dma_start3A_9 = tpu.memref_slice %arg5[%dma_start3A_7, %dma_start3A_8] : memref<100000x128xf32, #tpu.memory_space<hbm>> -> memref<100000x128xf32, #tpu.memory_space<hbm>>
    tpu.enqueue_indirect_dma source(%dma_start3A_9 : memref<100000x128xf32, #tpu.memory_space<hbm>>) target(%arg20 : memref<128x128xf32, #tpu.memory_space<vmem>>) offsets(%arg17 : memref<128xi32, #tpu.memory_space<vmem>>) semaphore(%arg27 : memref<!tpu.dma_semaphore, #tpu.memory_space<semaphore_mem>>)
    "tpu.region"() ({
      %run_scoped3A = tpu.sem_alloc : memref<!tpu.dma_semaphore, #tpu.memory_space<semaphore_mem>>
      tpu.enqueue_dma source(%arg2 : memref<4096xi32, #tpu.memory_space<hbm>>) target(%arg13 : memref<4096xi32, #tpu.memory_space<vmem>>) target_semaphore(%run_scoped3A : memref<!tpu.dma_semaphore, #tpu.memory_space<semaphore_mem>>)
      tpu.wait_dma2 semaphore(%run_scoped3A : memref<!tpu.dma_semaphore, #tpu.memory_space<semaphore_mem>>) src(%arg2 : memref<4096xi32, #tpu.memory_space<hbm>>) dst(%arg13 : memref<4096xi32, #tpu.memory_space<vmem>>)
      tpu.yield
    }) : () -> ()
    %scan3A = arith.constant 0 : i32
    %scan3A_10 = arith.constant 0 : i32
    %scan3A_11 = arith.constant 56 : i32
    %scan3A_12 = arith.addi %scan3A_10, %scan3A_11 : i32
    %scan3A_13 = arith.constant 1 : i32
    %scan3A_14 = scf.for %scan3A_504 = %scan3A_10 to %scan3A_12 step %scan3A_13 iter_args(%scan3A_505 = %scan3A) -> (i32)  : i32 {
      %broadcast_in_dim3A = arith.constant 0 : i32
      %broadcast_in_dim3A_506 = vector.broadcast %broadcast_in_dim3A : i32 to vector<16xi32>
      %swap3A_507 = arith.index_cast %scan3A_504 : i32 to index
      %swap3A_508 = arith.constant 0 : index
      %swap3A_509 = tpu.vector_load %arg14[%swap3A_507, %swap3A_508] {strides = array<i32>} : memref<56x128xi32, #tpu.memory_space<vmem>>, vector<16xi32>,
      tpu.vector_store %arg14[%swap3A_507, %swap3A_508], %broadcast_in_dim3A_506 {strides = array<i32>} : memref<56x128xi32, #tpu.memory_space<vmem>>, vector<16xi32>,
      %broadcast_in_dim3A_510 = arith.constant 0 : i32
      %broadcast_in_dim3A_511 = vector.broadcast %broadcast_in_dim3A_510 : i32 to vector<16xi32>
      %swap3A_512 = arith.index_cast %scan3A_504 : i32 to index
      %swap3A_513 = arith.constant 16 : index
      %swap3A_514 = tpu.vector_load %arg14[%swap3A_512, %swap3A_513] {strides = array<i32>} : memref<56x128xi32, #tpu.memory_space<vmem>>, vector<16xi32>,
      tpu.vector_store %arg14[%swap3A_512, %swap3A_513], %broadcast_in_dim3A_511 {strides = array<i32>} : memref<56x128xi32, #tpu.memory_space<vmem>>, vector<16xi32>,
      %broadcast_in_dim3A_515 = arith.constant 0 : i32
      %broadcast_in_dim3A_516 = vector.broadcast %broadcast_in_dim3A_515 : i32 to vector<16xi32>
      %swap3A_517 = arith.index_cast %scan3A_504 : i32 to index
      %swap3A_518 = arith.constant 32 : index
      %swap3A_519 = tpu.vector_load %arg14[%swap3A_517, %swap3A_518] {strides = array<i32>} : memref<56x128xi32, #tpu.memory_space<vmem>>, vector<16xi32>,
      tpu.vector_store %arg14[%swap3A_517, %swap3A_518], %broadcast_in_dim3A_516 {strides = array<i32>} : memref<56x128xi32, #tpu.memory_space<vmem>>, vector<16xi32>,
      %broadcast_in_dim3A_520 = arith.constant 0 : i32
      %broadcast_in_dim3A_521 = vector.broadcast %broadcast_in_dim3A_520 : i32 to vector<16xi32>
      %swap3A_522 = arith.index_cast %scan3A_504 : i32 to index
      %swap3A_523 = arith.constant 48 : index
      %swap3A_524 = tpu.vector_load %arg14[%swap3A_522, %swap3A_523] {strides = array<i32>} : memref<56x128xi32, #tpu.memory_space<vmem>>, vector<16xi32>,
      tpu.vector_store %arg14[%swap3A_522, %swap3A_523], %broadcast_in_dim3A_521 {strides = array<i32>} : memref<56x128xi32, #tpu.memory_space<vmem>>, vector<16xi32>,
      %broadcast_in_dim3A_525 = arith.constant 0 : i32
      %broadcast_in_dim3A_526 = vector.broadcast %broadcast_in_dim3A_525 : i32 to vector<16xi32>
      %swap3A_527 = arith.index_cast %scan3A_504 : i32 to index
      %swap3A_528 = arith.constant 64 : index
      %swap3A_529 = tpu.vector_load %arg14[%swap3A_527, %swap3A_528] {strides = array<i32>} : memref<56x128xi32, #tpu.memory_space<vmem>>, vector<16xi32>,
      tpu.vector_store %arg14[%swap3A_527, %swap3A_528], %broadcast_in_dim3A_526 {strides = array<i32>} : memref<56x128xi32, #tpu.memory_space<vmem>>, vector<16xi32>,
      %broadcast_in_dim3A_530 = arith.constant 0 : i32
      %broadcast_in_dim3A_531 = vector.broadcast %broadcast_in_dim3A_530 : i32 to vector<16xi32>
      %swap3A_532 = arith.index_cast %scan3A_504 : i32 to index
      %swap3A_533 = arith.constant 80 : index
      %swap3A_534 = tpu.vector_load %arg14[%swap3A_532, %swap3A_533] {strides = array<i32>} : memref<56x128xi32, #tpu.memory_space<vmem>>, vector<16xi32>,
      tpu.vector_store %arg14[%swap3A_532, %swap3A_533], %broadcast_in_dim3A_531 {strides = array<i32>} : memref<56x128xi32, #tpu.memory_space<vmem>>, vector<16xi32>,
      %broadcast_in_dim3A_535 = arith.constant 0 : i32
      %broadcast_in_dim3A_536 = vector.broadcast %broadcast_in_dim3A_535 : i32 to vector<16xi32>
      %swap3A_537 = arith.index_cast %scan3A_504 : i32 to index
      %swap3A_538 = arith.constant 96 : index
      %swap3A_539 = tpu.vector_load %arg14[%swap3A_537, %swap3A_538] {strides = array<i32>} : memref<56x128xi32, #tpu.memory_space<vmem>>, vector<16xi32>,
      tpu.vector_store %arg14[%swap3A_537, %swap3A_538], %broadcast_in_dim3A_536 {strides = array<i32>} : memref<56x128xi32, #tpu.memory_space<vmem>>, vector<16xi32>,
      %broadcast_in_dim3A_540 = arith.constant 0 : i32
      %broadcast_in_dim3A_541 = vector.broadcast %broadcast_in_dim3A_540 : i32 to vector<16xi32>
      %swap3A_542 = arith.index_cast %scan3A_504 : i32 to index
      %swap3A_543 = arith.constant 112 : index
      %swap3A_544 = tpu.vector_load %arg14[%swap3A_542, %swap3A_543] {strides = array<i32>} : memref<56x128xi32, #tpu.memory_space<vmem>>, vector<16xi32>,
      tpu.vector_store %arg14[%swap3A_542, %swap3A_543], %broadcast_in_dim3A_541 {strides = array<i32>} : memref<56x128xi32, #tpu.memory_space<vmem>>, vector<16xi32>,
      %scan3A_545 = arith.constant 0 : i32
      scf.yield %scan3A_545 : i32
    }
    %scan3A_15 = arith.constant 56 : i32
    %scan3A_16 = arith.constant 0 : i32
    %scan3A_17 = arith.constant 0 : i32
    %scan3A_18 = arith.constant 64 : i32
    %scan3A_19 = arith.addi %scan3A_17, %scan3A_18 : i32
    %scan3A_20 = arith.constant 1 : i32
    %scan3A_21 = scf.for %scan3A_504 = %scan3A_17 to %scan3A_19 step %scan3A_20 iter_args(%scan3A_505 = %scan3A_16) -> (i32)  : i32 {
      %mul3A_506 = arith.constant 4 : i32
      %mul3A_507 = arith.muli %scan3A_504, %mul3A_506 : i32
      %add3A_508 = arith.constant 0 : i32
      %add3A_509 = arith.addi %mul3A_507, %add3A_508 : i32
      %mul3A_510 = arith.constant 16 : i32
      %mul3A_511 = arith.muli %add3A_509, %mul3A_510 : i32
      %get3A_512 = arith.index_cast %mul3A_511 : i32 to index
      %get3A_513 = tpu.vector_load %arg13[%get3A_512] {strides = array<i32>} : memref<4096xi32, #tpu.memory_space<vmem>>, vector<16xi32>,
      %ge3A = vector.broadcast %mul3A_4 : i32 to vector<16xi32>
      %ge3A_514 = arith.cmpi sge, %get3A_513, %ge3A : vector<16xi32>
      %add3A_515 = arith.constant 7168 : i32
      %add3A_516 = arith.addi %mul3A_4, %add3A_515 : i32
      %lt3A = vector.broadcast %add3A_516 : i32 to vector<16xi32>
      %lt3A_517 = arith.cmpi slt, %get3A_513, %lt3A : vector<16xi32>
      %and3A_518 = arith.andi %ge3A_514, %lt3A_517 : vector<16xi1>
      %mul3A_519 = arith.constant 16 : i32
      %mul3A_520 = arith.muli %add3A_509, %mul3A_519 : i32
      %add3A_521 = vector.broadcast %mul3A_520 : i32 to vector<16xi32>
      %add3A_522 = arith.addi %add3A_521, %iota3A : vector<16xi32>
      %add3A_523 = arith.constant 1 : i32
      %add3A_524 = vector.broadcast %add3A_523 : i32 to vector<16xi32>
      %add3A_525 = arith.addi %add3A_522, %add3A_524 : vector<16xi32>
      %sub3A_526 = vector.broadcast %mul3A_4 : i32 to vector<16xi32>
      %sub3A_527 = arith.subi %get3A_513, %sub3A_526 : vector<16xi32>
      %jit3A = arith.constant 0 : i32
      %broadcast_in_dim3A = vector.broadcast %jit3A : i32 to vector<16xi32>
      %select_n3A_528 = arith.select %and3A_518, %sub3A_527, %broadcast_in_dim3A : vector<16xi1>, vector<16xi32>
      %shift_right_arithmetic3A_529 = arith.constant 7 : i32
      %shift_right_arithmetic3A_530 = vector.broadcast %shift_right_arithmetic3A_529 : i32 to vector<16xi32>
      %shift_right_arithmetic3A_531 = arith.shrsi %select_n3A_528, %shift_right_arithmetic3A_530 : vector<16xi32>
      %and3A_532 = arith.constant 127 : i32
      %and3A_533 = vector.broadcast %and3A_532 : i32 to vector<16xi32>
      %and3A_534 = arith.andi %select_n3A_528, %and3A_533 : vector<16xi32>
      %convert_element_type3A = arith.extui %and3A_518 : vector<16xi1> to vector<16xi32>
      %reduce_sum3A = arith.constant true
      %reduce_sum3A_535 = vector.broadcast %reduce_sum3A : i1 to vector<16xi1>
      %reduce_sum3A_536 = tpu.scan <sum>, %convert_element_type3A masked %reduce_sum3A_535 : vector<16xi32>, vector<16xi1> -> vector<16xi32>
      %reduce_sum3A_537 = vector.extract %reduce_sum3A_536[15] : i32 from vector<16xi32>
      %gt3A_538 = arith.constant 1 : i32
      %gt3A_539 = arith.cmpi sgt, %reduce_sum3A_537, %gt3A_538 : i32
      %convert_element_type3A_540 = arith.extui %gt3A_539 : i1 to i32
      %cond3A = arith.constant 0 : i32
      %cond3A_541 = arith.constant 0 : i32
      %cond3A_542 = arith.cmpi ne, %convert_element_type3A_540, %cond3A_541 : i32
      %cond3A_543 = scf.if %cond3A_542 -> (i32) {
        %eq3A = arith.constant 0 : i32
        %eq3A_680 = vector.broadcast %eq3A : i32 to vector<16xi32>
        %eq3A_681 = arith.cmpi eq, %iota3A, %eq3A_680 : vector<16xi32>
        %and3A_682 = arith.andi %and3A_518, %eq3A_681 : vector<16xi1>
        tpu.vector_store_idx %arg14[%shift_right_arithmetic3A_531, %and3A_534], %add3A_525 masked %and3A_682 : memref<56x128xi32, #tpu.memory_space<vmem>>[vector<16xi32>, vector<16xi32>], vector<16xi32>, vector<16xi1>
        %eq3A_683 = arith.constant 1 : i32
        %eq3A_684 = vector.broadcast %eq3A_683 : i32 to vector<16xi32>
        %eq3A_685 = arith.cmpi eq, %iota3A, %eq3A_684 : vector<16xi32>
        %and3A_686 = arith.andi %and3A_518, %eq3A_685 : vector<16xi1>
        tpu.vector_store_idx %arg14[%shift_right_arithmetic3A_531, %and3A_534], %add3A_525 masked %and3A_686 : memref<56x128xi32, #tpu.memory_space<vmem>>[vector<16xi32>, vector<16xi32>], vector<16xi32>, vector<16xi1>
        %eq3A_687 = arith.constant 2 : i32
        %eq3A_688 = vector.broadcast %eq3A_687 : i32 to vector<16xi32>
        %eq3A_689 = arith.cmpi eq, %iota3A, %eq3A_688 : vector<16xi32>
        %and3A_690 = arith.andi %and3A_518, %eq3A_689 : vector<16xi1>
        tpu.vector_store_idx %arg14[%shift_right_arithmetic3A_531, %and3A_534], %add3A_525 masked %and3A_690 : memref<56x128xi32, #tpu.memory_space<vmem>>[vector<16xi32>, vector<16xi32>], vector<16xi32>, vector<16xi1>
        %eq3A_691 = arith.constant 3 : i32
        %eq3A_692 = vector.broadcast %eq3A_691 : i32 to vector<16xi32>
        %eq3A_693 = arith.cmpi eq, %iota3A, %eq3A_692 : vector<16xi32>
        %and3A_694 = arith.andi %and3A_518, %eq3A_693 : vector<16xi1>
        tpu.vector_store_idx %arg14[%shift_right_arithmetic3A_531, %and3A_534], %add3A_525 masked %and3A_694 : memref<56x128xi32, #tpu.memory_space<vmem>>[vector<16xi32>, vector<16xi32>], vector<16xi32>, vector<16xi1>
        %eq3A_695 = arith.constant 4 : i32
        %eq3A_696 = vector.broadcast %eq3A_695 : i32 to vector<16xi32>
        %eq3A_697 = arith.cmpi eq, %iota3A, %eq3A_696 : vector<16xi32>
        %and3A_698 = arith.andi %and3A_518, %eq3A_697 : vector<16xi1>
        tpu.vector_store_idx %arg14[%shift_right_arithmetic3A_531, %and3A_534], %add3A_525 masked %and3A_698 : memref<56x128xi32, #tpu.memory_space<vmem>>[vector<16xi32>, vector<16xi32>], vector<16xi32>, vector<16xi1>
        %eq3A_699 = arith.constant 5 : i32
        %eq3A_700 = vector.broadcast %eq3A_699 : i32 to vector<16xi32>
        %eq3A_701 = arith.cmpi eq, %iota3A, %eq3A_700 : vector<16xi32>
        %and3A_702 = arith.andi %and3A_518, %eq3A_701 : vector<16xi1>
        tpu.vector_store_idx %arg14[%shift_right_arithmetic3A_531, %and3A_534], %add3A_525 masked %and3A_702 : memref<56x128xi32, #tpu.memory_space<vmem>>[vector<16xi32>, vector<16xi32>], vector<16xi32>, vector<16xi1>
        %eq3A_703 = arith.constant 6 : i32
        %eq3A_704 = vector.broadcast %eq3A_703 : i32 to vector<16xi32>
        %eq3A_705 = arith.cmpi eq, %iota3A, %eq3A_704 : vector<16xi32>
        %and3A_706 = arith.andi %and3A_518, %eq3A_705 : vector<16xi1>
        tpu.vector_store_idx %arg14[%shift_right_arithmetic3A_531, %and3A_534], %add3A_525 masked %and3A_706 : memref<56x128xi32, #tpu.memory_space<vmem>>[vector<16xi32>, vector<16xi32>], vector<16xi32>, vector<16xi1>
        %eq3A_707 = arith.constant 7 : i32
        %eq3A_708 = vector.broadcast %eq3A_707 : i32 to vector<16xi32>
        %eq3A_709 = arith.cmpi eq, %iota3A, %eq3A_708 : vector<16xi32>
        %and3A_710 = arith.andi %and3A_518, %eq3A_709 : vector<16xi1>
        tpu.vector_store_idx %arg14[%shift_right_arithmetic3A_531, %and3A_534], %add3A_525 masked %and3A_710 : memref<56x128xi32, #tpu.memory_space<vmem>>[vector<16xi32>, vector<16xi32>], vector<16xi32>, vector<16xi1>
        %eq3A_711 = arith.constant 8 : i32
        %eq3A_712 = vector.broadcast %eq3A_711 : i32 to vector<16xi32>
        %eq3A_713 = arith.cmpi eq, %iota3A, %eq3A_712 : vector<16xi32>
        %and3A_714 = arith.andi %and3A_518, %eq3A_713 : vector<16xi1>
        tpu.vector_store_idx %arg14[%shift_right_arithmetic3A_531, %and3A_534], %add3A_525 masked %and3A_714 : memref<56x128xi32, #tpu.memory_space<vmem>>[vector<16xi32>, vector<16xi32>], vector<16xi32>, vector<16xi1>
        %eq3A_715 = arith.constant 9 : i32
        %eq3A_716 = vector.broadcast %eq3A_715 : i32 to vector<16xi32>
        %eq3A_717 = arith.cmpi eq, %iota3A, %eq3A_716 : vector<16xi32>
        %and3A_718 = arith.andi %and3A_518, %eq3A_717 : vector<16xi1>
        tpu.vector_store_idx %arg14[%shift_right_arithmetic3A_531, %and3A_534], %add3A_525 masked %and3A_718 : memref<56x128xi32, #tpu.memory_space<vmem>>[vector<16xi32>, vector<16xi32>], vector<16xi32>, vector<16xi1>
        %eq3A_719 = arith.constant 10 : i32
        %eq3A_720 = vector.broadcast %eq3A_719 : i32 to vector<16xi32>
        %eq3A_721 = arith.cmpi eq, %iota3A, %eq3A_720 : vector<16xi32>
        %and3A_722 = arith.andi %and3A_518, %eq3A_721 : vector<16xi1>
        tpu.vector_store_idx %arg14[%shift_right_arithmetic3A_531, %and3A_534], %add3A_525 masked %and3A_722 : memref<56x128xi32, #tpu.memory_space<vmem>>[vector<16xi32>, vector<16xi32>], vector<16xi32>, vector<16xi1>
        %eq3A_723 = arith.constant 11 : i32
        %eq3A_724 = vector.broadcast %eq3A_723 : i32 to vector<16xi32>
        %eq3A_725 = arith.cmpi eq, %iota3A, %eq3A_724 : vector<16xi32>
        %and3A_726 = arith.andi %and3A_518, %eq3A_725 : vector<16xi1>
        tpu.vector_store_idx %arg14[%shift_right_arithmetic3A_531, %and3A_534], %add3A_525 masked %and3A_726 : memref<56x128xi32, #tpu.memory_space<vmem>>[vector<16xi32>, vector<16xi32>], vector<16xi32>, vector<16xi1>
        %eq3A_727 = arith.constant 12 : i32
        %eq3A_728 = vector.broadcast %eq3A_727 : i32 to vector<16xi32>
        %eq3A_729 = arith.cmpi eq, %iota3A, %eq3A_728 : vector<16xi32>
        %and3A_730 = arith.andi %and3A_518, %eq3A_729 : vector<16xi1>
        tpu.vector_store_idx %arg14[%shift_right_arithmetic3A_531, %and3A_534], %add3A_525 masked %and3A_730 : memref<56x128xi32, #tpu.memory_space<vmem>>[vector<16xi32>, vector<16xi32>], vector<16xi32>, vector<16xi1>
        %eq3A_731 = arith.constant 13 : i32
        %eq3A_732 = vector.broadcast %eq3A_731 : i32 to vector<16xi32>
        %eq3A_733 = arith.cmpi eq, %iota3A, %eq3A_732 : vector<16xi32>
        %and3A_734 = arith.andi %and3A_518, %eq3A_733 : vector<16xi1>
        tpu.vector_store_idx %arg14[%shift_right_arithmetic3A_531, %and3A_534], %add3A_525 masked %and3A_734 : memref<56x128xi32, #tpu.memory_space<vmem>>[vector<16xi32>, vector<16xi32>], vector<16xi32>, vector<16xi1>
        %eq3A_735 = arith.constant 14 : i32
        %eq3A_736 = vector.broadcast %eq3A_735 : i32 to vector<16xi32>
        %eq3A_737 = arith.cmpi eq, %iota3A, %eq3A_736 : vector<16xi32>
        %and3A_738 = arith.andi %and3A_518, %eq3A_737 : vector<16xi1>
        tpu.vector_store_idx %arg14[%shift_right_arithmetic3A_531, %and3A_534], %add3A_525 masked %and3A_738 : memref<56x128xi32, #tpu.memory_space<vmem>>[vector<16xi32>, vector<16xi32>], vector<16xi32>, vector<16xi1>
        %eq3A_739 = arith.constant 15 : i32
        %eq3A_740 = vector.broadcast %eq3A_739 : i32 to vector<16xi32>
        %eq3A_741 = arith.cmpi eq, %iota3A, %eq3A_740 : vector<16xi32>
        %and3A_742 = arith.andi %and3A_518, %eq3A_741 : vector<16xi1>
        tpu.vector_store_idx %arg14[%shift_right_arithmetic3A_531, %and3A_534], %add3A_525 masked %and3A_742 : memref<56x128xi32, #tpu.memory_space<vmem>>[vector<16xi32>, vector<16xi32>], vector<16xi32>, vector<16xi1>
        %cond3A_743 = arith.constant 0 : i32
        scf.yield %cond3A_743 : i32
      } else {
        tpu.vector_store_idx %arg14[%shift_right_arithmetic3A_531, %and3A_534], %add3A_525 masked %and3A_518 : memref<56x128xi32, #tpu.memory_space<vmem>>[vector<16xi32>, vector<16xi32>], vector<16xi32>, vector<16xi1>
        %cond3A_680 = arith.constant 0 : i32
        scf.yield %cond3A_680 : i32
      }
      %mul3A_544 = arith.constant 4 : i32
      %mul3A_545 = arith.muli %scan3A_504, %mul3A_544 : i32
      %add3A_546 = arith.constant 1 : i32
      %add3A_547 = arith.addi %mul3A_545, %add3A_546 : i32
      %mul3A_548 = arith.constant 16 : i32
      %mul3A_549 = arith.muli %add3A_547, %mul3A_548 : i32
      %get3A_550 = arith.index_cast %mul3A_549 : i32 to index
      %get3A_551 = tpu.vector_load %arg13[%get3A_550] {strides = array<i32>} : memref<4096xi32, #tpu.memory_space<vmem>>, vector<16xi32>,
      %ge3A_552 = vector.broadcast %mul3A_4 : i32 to vector<16xi32>
      %ge3A_553 = arith.cmpi sge, %get3A_551, %ge3A_552 : vector<16xi32>
      %add3A_554 = arith.constant 7168 : i32
      %add3A_555 = arith.addi %mul3A_4, %add3A_554 : i32
      %lt3A_556 = vector.broadcast %add3A_555 : i32 to vector<16xi32>
      %lt3A_557 = arith.cmpi slt, %get3A_551, %lt3A_556 : vector<16xi32>
      %and3A_558 = arith.andi %ge3A_553, %lt3A_557 : vector<16xi1>
      %mul3A_559 = arith.constant 16 : i32
      %mul3A_560 = arith.muli %add3A_547, %mul3A_559 : i32
      %add3A_561 = vector.broadcast %mul3A_560 : i32 to vector<16xi32>
      %add3A_562 = arith.addi %add3A_561, %iota3A : vector<16xi32>
      %add3A_563 = arith.constant 1 : i32
      %add3A_564 = vector.broadcast %add3A_563 : i32 to vector<16xi32>
      %add3A_565 = arith.addi %add3A_562, %add3A_564 : vector<16xi32>
      %sub3A_566 = vector.broadcast %mul3A_4 : i32 to vector<16xi32>
      %sub3A_567 = arith.subi %get3A_551, %sub3A_566 : vector<16xi32>
      %jit3A_568 = arith.constant 0 : i32
      %broadcast_in_dim3A_569 = vector.broadcast %jit3A_568 : i32 to vector<16xi32>
      %select_n3A_570 = arith.select %and3A_558, %sub3A_567, %broadcast_in_dim3A_569 : vector<16xi1>, vector<16xi32>
      %shift_right_arithmetic3A_571 = arith.constant 7 : i32
      %shift_right_arithmetic3A_572 = vector.broadcast %shift_right_arithmetic3A_571 : i32 to vector<16xi32>
      %shift_right_arithmetic3A_573 = arith.shrsi %select_n3A_570, %shift_right_arithmetic3A_572 : vector<16xi32>
      %and3A_574 = arith.constant 127 : i32
      %and3A_575 = vector.broadcast %and3A_574 : i32 to vector<16xi32>
      %and3A_576 = arith.andi %select_n3A_570, %and3A_575 : vector<16xi32>
      %convert_element_type3A_577 = arith.extui %and3A_558 : vector<16xi1> to vector<16xi32>
      %reduce_sum3A_578 = arith.constant true
      %reduce_sum3A_579 = vector.broadcast %reduce_sum3A_578 : i1 to vector<16xi1>
      %reduce_sum3A_580 = tpu.scan <sum>, %convert_element_type3A_577 masked %reduce_sum3A_579 : vector<16xi32>, vector<16xi1> -> vector<16xi32>
      %reduce_sum3A_581 = vector.extract %reduce_sum3A_580[15] : i32 from vector<16xi32>
      %gt3A_582 = arith.constant 1 : i32
      %gt3A_583 = arith.cmpi sgt, %reduce_sum3A_581, %gt3A_582 : i32
      %convert_element_type3A_584 = arith.extui %gt3A_583 : i1 to i32
      %cond3A_585 = arith.constant 0 : i32
      %cond3A_586 = arith.constant 0 : i32
      %cond3A_587 = arith.cmpi ne, %convert_element_type3A_584, %cond3A_586 : i32
      %cond3A_588 = scf.if %cond3A_587 -> (i32) {
        %eq3A = arith.constant 0 : i32
        %eq3A_680 = vector.broadcast %eq3A : i32 to vector<16xi32>
        %eq3A_681 = arith.cmpi eq, %iota3A, %eq3A_680 : vector<16xi32>
        %and3A_682 = arith.andi %and3A_558, %eq3A_681 : vector<16xi1>
        tpu.vector_store_idx %arg14[%shift_right_arithmetic3A_573, %and3A_576], %add3A_565 masked %and3A_682 : memref<56x128xi32, #tpu.memory_space<vmem>>[vector<16xi32>, vector<16xi32>], vector<16xi32>, vector<16xi1>
        %eq3A_683 = arith.constant 1 : i32
        %eq3A_684 = vector.broadcast %eq3A_683 : i32 to vector<16xi32>
        %eq3A_685 = arith.cmpi eq, %iota3A, %eq3A_684 : vector<16xi32>
        %and3A_686 = arith.andi %and3A_558, %eq3A_685 : vector<16xi1>
        tpu.vector_store_idx %arg14[%shift_right_arithmetic3A_573, %and3A_576], %add3A_565 masked %and3A_686 : memref<56x128xi32, #tpu.memory_space<vmem>>[vector<16xi32>, vector<16xi32>], vector<16xi32>, vector<16xi1>
        %eq3A_687 = arith.constant 2 : i32
        %eq3A_688 = vector.broadcast %eq3A_687 : i32 to vector<16xi32>
        %eq3A_689 = arith.cmpi eq, %iota3A, %eq3A_688 : vector<16xi32>
        %and3A_690 = arith.andi %and3A_558, %eq3A_689 : vector<16xi1>
        tpu.vector_store_idx %arg14[%shift_right_arithmetic3A_573, %and3A_576], %add3A_565 masked %and3A_690 : memref<56x128xi32, #tpu.memory_space<vmem>>[vector<16xi32>, vector<16xi32>], vector<16xi32>, vector<16xi1>
        %eq3A_691 = arith.constant 3 : i32
        %eq3A_692 = vector.broadcast %eq3A_691 : i32 to vector<16xi32>
        %eq3A_693 = arith.cmpi eq, %iota3A, %eq3A_692 : vector<16xi32>
        %and3A_694 = arith.andi %and3A_558, %eq3A_693 : vector<16xi1>
        tpu.vector_store_idx %arg14[%shift_right_arithmetic3A_573, %and3A_576], %add3A_565 masked %and3A_694 : memref<56x128xi32, #tpu.memory_space<vmem>>[vector<16xi32>, vector<16xi32>], vector<16xi32>, vector<16xi1>
        %eq3A_695 = arith.constant 4 : i32
        %eq3A_696 = vector.broadcast %eq3A_695 : i32 to vector<16xi32>
        %eq3A_697 = arith.cmpi eq, %iota3A, %eq3A_696 : vector<16xi32>
        %and3A_698 = arith.andi %and3A_558, %eq3A_697 : vector<16xi1>
        tpu.vector_store_idx %arg14[%shift_right_arithmetic3A_573, %and3A_576], %add3A_565 masked %and3A_698 : memref<56x128xi32, #tpu.memory_space<vmem>>[vector<16xi32>, vector<16xi32>], vector<16xi32>, vector<16xi1>
        %eq3A_699 = arith.constant 5 : i32
        %eq3A_700 = vector.broadcast %eq3A_699 : i32 to vector<16xi32>
        %eq3A_701 = arith.cmpi eq, %iota3A, %eq3A_700 : vector<16xi32>
        %and3A_702 = arith.andi %and3A_558, %eq3A_701 : vector<16xi1>
        tpu.vector_store_idx %arg14[%shift_right_arithmetic3A_573, %and3A_576], %add3A_565 masked %and3A_702 : memref<56x128xi32, #tpu.memory_space<vmem>>[vector<16xi32>, vector<16xi32>], vector<16xi32>, vector<16xi1>
        %eq3A_703 = arith.constant 6 : i32
        %eq3A_704 = vector.broadcast %eq3A_703 : i32 to vector<16xi32>
        %eq3A_705 = arith.cmpi eq, %iota3A, %eq3A_704 : vector<16xi32>
        %and3A_706 = arith.andi %and3A_558, %eq3A_705 : vector<16xi1>
        tpu.vector_store_idx %arg14[%shift_right_arithmetic3A_573, %and3A_576], %add3A_565 masked %and3A_706 : memref<56x128xi32, #tpu.memory_space<vmem>>[vector<16xi32>, vector<16xi32>], vector<16xi32>, vector<16xi1>
        %eq3A_707 = arith.constant 7 : i32
        %eq3A_708 = vector.broadcast %eq3A_707 : i32 to vector<16xi32>
        %eq3A_709 = arith.cmpi eq, %iota3A, %eq3A_708 : vector<16xi32>
        %and3A_710 = arith.andi %and3A_558, %eq3A_709 : vector<16xi1>
        tpu.vector_store_idx %arg14[%shift_right_arithmetic3A_573, %and3A_576], %add3A_565 masked %and3A_710 : memref<56x128xi32, #tpu.memory_space<vmem>>[vector<16xi32>, vector<16xi32>], vector<16xi32>, vector<16xi1>
        %eq3A_711 = arith.constant 8 : i32
        %eq3A_712 = vector.broadcast %eq3A_711 : i32 to vector<16xi32>
        %eq3A_713 = arith.cmpi eq, %iota3A, %eq3A_712 : vector<16xi32>
        %and3A_714 = arith.andi %and3A_558, %eq3A_713 : vector<16xi1>
        tpu.vector_store_idx %arg14[%shift_right_arithmetic3A_573, %and3A_576], %add3A_565 masked %and3A_714 : memref<56x128xi32, #tpu.memory_space<vmem>>[vector<16xi32>, vector<16xi32>], vector<16xi32>, vector<16xi1>
        %eq3A_715 = arith.constant 9 : i32
        %eq3A_716 = vector.broadcast %eq3A_715 : i32 to vector<16xi32>
        %eq3A_717 = arith.cmpi eq, %iota3A, %eq3A_716 : vector<16xi32>
        %and3A_718 = arith.andi %and3A_558, %eq3A_717 : vector<16xi1>
        tpu.vector_store_idx %arg14[%shift_right_arithmetic3A_573, %and3A_576], %add3A_565 masked %and3A_718 : memref<56x128xi32, #tpu.memory_space<vmem>>[vector<16xi32>, vector<16xi32>], vector<16xi32>, vector<16xi1>
        %eq3A_719 = arith.constant 10 : i32
        %eq3A_720 = vector.broadcast %eq3A_719 : i32 to vector<16xi32>
        %eq3A_721 = arith.cmpi eq, %iota3A, %eq3A_720 : vector<16xi32>
        %and3A_722 = arith.andi %and3A_558, %eq3A_721 : vector<16xi1>
        tpu.vector_store_idx %arg14[%shift_right_arithmetic3A_573, %and3A_576], %add3A_565 masked %and3A_722 : memref<56x128xi32, #tpu.memory_space<vmem>>[vector<16xi32>, vector<16xi32>], vector<16xi32>, vector<16xi1>
        %eq3A_723 = arith.constant 11 : i32
        %eq3A_724 = vector.broadcast %eq3A_723 : i32 to vector<16xi32>
        %eq3A_725 = arith.cmpi eq, %iota3A, %eq3A_724 : vector<16xi32>
        %and3A_726 = arith.andi %and3A_558, %eq3A_725 : vector<16xi1>
        tpu.vector_store_idx %arg14[%shift_right_arithmetic3A_573, %and3A_576], %add3A_565 masked %and3A_726 : memref<56x128xi32, #tpu.memory_space<vmem>>[vector<16xi32>, vector<16xi32>], vector<16xi32>, vector<16xi1>
        %eq3A_727 = arith.constant 12 : i32
        %eq3A_728 = vector.broadcast %eq3A_727 : i32 to vector<16xi32>
        %eq3A_729 = arith.cmpi eq, %iota3A, %eq3A_728 : vector<16xi32>
        %and3A_730 = arith.andi %and3A_558, %eq3A_729 : vector<16xi1>
        tpu.vector_store_idx %arg14[%shift_right_arithmetic3A_573, %and3A_576], %add3A_565 masked %and3A_730 : memref<56x128xi32, #tpu.memory_space<vmem>>[vector<16xi32>, vector<16xi32>], vector<16xi32>, vector<16xi1>
        %eq3A_731 = arith.constant 13 : i32
        %eq3A_732 = vector.broadcast %eq3A_731 : i32 to vector<16xi32>
        %eq3A_733 = arith.cmpi eq, %iota3A, %eq3A_732 : vector<16xi32>
        %and3A_734 = arith.andi %and3A_558, %eq3A_733 : vector<16xi1>
        tpu.vector_store_idx %arg14[%shift_right_arithmetic3A_573, %and3A_576], %add3A_565 masked %and3A_734 : memref<56x128xi32, #tpu.memory_space<vmem>>[vector<16xi32>, vector<16xi32>], vector<16xi32>, vector<16xi1>
        %eq3A_735 = arith.constant 14 : i32
        %eq3A_736 = vector.broadcast %eq3A_735 : i32 to vector<16xi32>
        %eq3A_737 = arith.cmpi eq, %iota3A, %eq3A_736 : vector<16xi32>
        %and3A_738 = arith.andi %and3A_558, %eq3A_737 : vector<16xi1>
        tpu.vector_store_idx %arg14[%shift_right_arithmetic3A_573, %and3A_576], %add3A_565 masked %and3A_738 : memref<56x128xi32, #tpu.memory_space<vmem>>[vector<16xi32>, vector<16xi32>], vector<16xi32>, vector<16xi1>
        %eq3A_739 = arith.constant 15 : i32
        %eq3A_740 = vector.broadcast %eq3A_739 : i32 to vector<16xi32>
        %eq3A_741 = arith.cmpi eq, %iota3A, %eq3A_740 : vector<16xi32>
        %and3A_742 = arith.andi %and3A_558, %eq3A_741 : vector<16xi1>
        tpu.vector_store_idx %arg14[%shift_right_arithmetic3A_573, %and3A_576], %add3A_565 masked %and3A_742 : memref<56x128xi32, #tpu.memory_space<vmem>>[vector<16xi32>, vector<16xi32>], vector<16xi32>, vector<16xi1>
        %cond3A_743 = arith.constant 0 : i32
        scf.yield %cond3A_743 : i32
      } else {
        tpu.vector_store_idx %arg14[%shift_right_arithmetic3A_573, %and3A_576], %add3A_565 masked %and3A_558 : memref<56x128xi32, #tpu.memory_space<vmem>>[vector<16xi32>, vector<16xi32>], vector<16xi32>, vector<16xi1>
        %cond3A_680 = arith.constant 0 : i32
        scf.yield %cond3A_680 : i32
      }
      %mul3A_589 = arith.constant 4 : i32
      %mul3A_590 = arith.muli %scan3A_504, %mul3A_589 : i32
      %add3A_591 = arith.constant 2 : i32
      %add3A_592 = arith.addi %mul3A_590, %add3A_591 : i32
      %mul3A_593 = arith.constant 16 : i32
      %mul3A_594 = arith.muli %add3A_592, %mul3A_593 : i32
      %get3A_595 = arith.index_cast %mul3A_594 : i32 to index
      %get3A_596 = tpu.vector_load %arg13[%get3A_595] {strides = array<i32>} : memref<4096xi32, #tpu.memory_space<vmem>>, vector<16xi32>,
      %ge3A_597 = vector.broadcast %mul3A_4 : i32 to vector<16xi32>
      %ge3A_598 = arith.cmpi sge, %get3A_596, %ge3A_597 : vector<16xi32>
      %add3A_599 = arith.constant 7168 : i32
      %add3A_600 = arith.addi %mul3A_4, %add3A_599 : i32
      %lt3A_601 = vector.broadcast %add3A_600 : i32 to vector<16xi32>
      %lt3A_602 = arith.cmpi slt, %get3A_596, %lt3A_601 : vector<16xi32>
      %and3A_603 = arith.andi %ge3A_598, %lt3A_602 : vector<16xi1>
      %mul3A_604 = arith.constant 16 : i32
      %mul3A_605 = arith.muli %add3A_592, %mul3A_604 : i32
      %add3A_606 = vector.broadcast %mul3A_605 : i32 to vector<16xi32>
      %add3A_607 = arith.addi %add3A_606, %iota3A : vector<16xi32>
      %add3A_608 = arith.constant 1 : i32
      %add3A_609 = vector.broadcast %add3A_608 : i32 to vector<16xi32>
      %add3A_610 = arith.addi %add3A_607, %add3A_609 : vector<16xi32>
      %sub3A_611 = vector.broadcast %mul3A_4 : i32 to vector<16xi32>
      %sub3A_612 = arith.subi %get3A_596, %sub3A_611 : vector<16xi32>
      %jit3A_613 = arith.constant 0 : i32
      %broadcast_in_dim3A_614 = vector.broadcast %jit3A_613 : i32 to vector<16xi32>
      %select_n3A_615 = arith.select %and3A_603, %sub3A_612, %broadcast_in_dim3A_614 : vector<16xi1>, vector<16xi32>
      %shift_right_arithmetic3A_616 = arith.constant 7 : i32
      %shift_right_arithmetic3A_617 = vector.broadcast %shift_right_arithmetic3A_616 : i32 to vector<16xi32>
      %shift_right_arithmetic3A_618 = arith.shrsi %select_n3A_615, %shift_right_arithmetic3A_617 : vector<16xi32>
      %and3A_619 = arith.constant 127 : i32
      %and3A_620 = vector.broadcast %and3A_619 : i32 to vector<16xi32>
      %and3A_621 = arith.andi %select_n3A_615, %and3A_620 : vector<16xi32>
      %convert_element_type3A_622 = arith.extui %and3A_603 : vector<16xi1> to vector<16xi32>
      %reduce_sum3A_623 = arith.constant true
      %reduce_sum3A_624 = vector.broadcast %reduce_sum3A_623 : i1 to vector<16xi1>
      %reduce_sum3A_625 = tpu.scan <sum>, %convert_element_type3A_622 masked %reduce_sum3A_624 : vector<16xi32>, vector<16xi1> -> vector<16xi32>
      %reduce_sum3A_626 = vector.extract %reduce_sum3A_625[15] : i32 from vector<16xi32>
      %gt3A_627 = arith.constant 1 : i32
      %gt3A_628 = arith.cmpi sgt, %reduce_sum3A_626, %gt3A_627 : i32
      %convert_element_type3A_629 = arith.extui %gt3A_628 : i1 to i32
      %cond3A_630 = arith.constant 0 : i32
      %cond3A_631 = arith.constant 0 : i32
      %cond3A_632 = arith.cmpi ne, %convert_element_type3A_629, %cond3A_631 : i32
      %cond3A_633 = scf.if %cond3A_632 -> (i32) {
        %eq3A = arith.constant 0 : i32
        %eq3A_680 = vector.broadcast %eq3A : i32 to vector<16xi32>
        %eq3A_681 = arith.cmpi eq, %iota3A, %eq3A_680 : vector<16xi32>
        %and3A_682 = arith.andi %and3A_603, %eq3A_681 : vector<16xi1>
        tpu.vector_store_idx %arg14[%shift_right_arithmetic3A_618, %and3A_621], %add3A_610 masked %and3A_682 : memref<56x128xi32, #tpu.memory_space<vmem>>[vector<16xi32>, vector<16xi32>], vector<16xi32>, vector<16xi1>
        %eq3A_683 = arith.constant 1 : i32
        %eq3A_684 = vector.broadcast %eq3A_683 : i32 to vector<16xi32>
        %eq3A_685 = arith.cmpi eq, %iota3A, %eq3A_684 : vector<16xi32>
        %and3A_686 = arith.andi %and3A_603, %eq3A_685 : vector<16xi1>
        tpu.vector_store_idx %arg14[%shift_right_arithmetic3A_618, %and3A_621], %add3A_610 masked %and3A_686 : memref<56x128xi32, #tpu.memory_space<vmem>>[vector<16xi32>, vector<16xi32>], vector<16xi32>, vector<16xi1>
        %eq3A_687 = arith.constant 2 : i32
        %eq3A_688 = vector.broadcast %eq3A_687 : i32 to vector<16xi32>
        %eq3A_689 = arith.cmpi eq, %iota3A, %eq3A_688 : vector<16xi32>
        %and3A_690 = arith.andi %and3A_603, %eq3A_689 : vector<16xi1>
        tpu.vector_store_idx %arg14[%shift_right_arithmetic3A_618, %and3A_621], %add3A_610 masked %and3A_690 : memref<56x128xi32, #tpu.memory_space<vmem>>[vector<16xi32>, vector<16xi32>], vector<16xi32>, vector<16xi1>
        %eq3A_691 = arith.constant 3 : i32
        %eq3A_692 = vector.broadcast %eq3A_691 : i32 to vector<16xi32>
        %eq3A_693 = arith.cmpi eq, %iota3A, %eq3A_692 : vector<16xi32>
        %and3A_694 = arith.andi %and3A_603, %eq3A_693 : vector<16xi1>
        tpu.vector_store_idx %arg14[%shift_right_arithmetic3A_618, %and3A_621], %add3A_610 masked %and3A_694 : memref<56x128xi32, #tpu.memory_space<vmem>>[vector<16xi32>, vector<16xi32>], vector<16xi32>, vector<16xi1>
        %eq3A_695 = arith.constant 4 : i32
        %eq3A_696 = vector.broadcast %eq3A_695 : i32 to vector<16xi32>
        %eq3A_697 = arith.cmpi eq, %iota3A, %eq3A_696 : vector<16xi32>
        %and3A_698 = arith.andi %and3A_603, %eq3A_697 : vector<16xi1>
        tpu.vector_store_idx %arg14[%shift_right_arithmetic3A_618, %and3A_621], %add3A_610 masked %and3A_698 : memref<56x128xi32, #tpu.memory_space<vmem>>[vector<16xi32>, vector<16xi32>], vector<16xi32>, vector<16xi1>
        %eq3A_699 = arith.constant 5 : i32
        %eq3A_700 = vector.broadcast %eq3A_699 : i32 to vector<16xi32>
        %eq3A_701 = arith.cmpi eq, %iota3A, %eq3A_700 : vector<16xi32>
        %and3A_702 = arith.andi %and3A_603, %eq3A_701 : vector<16xi1>
        tpu.vector_store_idx %arg14[%shift_right_arithmetic3A_618, %and3A_621], %add3A_610 masked %and3A_702 : memref<56x128xi32, #tpu.memory_space<vmem>>[vector<16xi32>, vector<16xi32>], vector<16xi32>, vector<16xi1>
        %eq3A_703 = arith.constant 6 : i32
        %eq3A_704 = vector.broadcast %eq3A_703 : i32 to vector<16xi32>
        %eq3A_705 = arith.cmpi eq, %iota3A, %eq3A_704 : vector<16xi32>
        %and3A_706 = arith.andi %and3A_603, %eq3A_705 : vector<16xi1>
        tpu.vector_store_idx %arg14[%shift_right_arithmetic3A_618, %and3A_621], %add3A_610 masked %and3A_706 : memref<56x128xi32, #tpu.memory_space<vmem>>[vector<16xi32>, vector<16xi32>], vector<16xi32>, vector<16xi1>
        %eq3A_707 = arith.constant 7 : i32
        %eq3A_708 = vector.broadcast %eq3A_707 : i32 to vector<16xi32>
        %eq3A_709 = arith.cmpi eq, %iota3A, %eq3A_708 : vector<16xi32>
        %and3A_710 = arith.andi %and3A_603, %eq3A_709 : vector<16xi1>
        tpu.vector_store_idx %arg14[%shift_right_arithmetic3A_618, %and3A_621], %add3A_610 masked %and3A_710 : memref<56x128xi32, #tpu.memory_space<vmem>>[vector<16xi32>, vector<16xi32>], vector<16xi32>, vector<16xi1>
        %eq3A_711 = arith.constant 8 : i32
        %eq3A_712 = vector.broadcast %eq3A_711 : i32 to vector<16xi32>
        %eq3A_713 = arith.cmpi eq, %iota3A, %eq3A_712 : vector<16xi32>
        %and3A_714 = arith.andi %and3A_603, %eq3A_713 : vector<16xi1>
        tpu.vector_store_idx %arg14[%shift_right_arithmetic3A_618, %and3A_621], %add3A_610 masked %and3A_714 : memref<56x128xi32, #tpu.memory_space<vmem>>[vector<16xi32>, vector<16xi32>], vector<16xi32>, vector<16xi1>
        %eq3A_715 = arith.constant 9 : i32
        %eq3A_716 = vector.broadcast %eq3A_715 : i32 to vector<16xi32>
        %eq3A_717 = arith.cmpi eq, %iota3A, %eq3A_716 : vector<16xi32>
        %and3A_718 = arith.andi %and3A_603, %eq3A_717 : vector<16xi1>
        tpu.vector_store_idx %arg14[%shift_right_arithmetic3A_618, %and3A_621], %add3A_610 masked %and3A_718 : memref<56x128xi32, #tpu.memory_space<vmem>>[vector<16xi32>, vector<16xi32>], vector<16xi32>, vector<16xi1>
        %eq3A_719 = arith.constant 10 : i32
        %eq3A_720 = vector.broadcast %eq3A_719 : i32 to vector<16xi32>
        %eq3A_721 = arith.cmpi eq, %iota3A, %eq3A_720 : vector<16xi32>
        %and3A_722 = arith.andi %and3A_603, %eq3A_721 : vector<16xi1>
        tpu.vector_store_idx %arg14[%shift_right_arithmetic3A_618, %and3A_621], %add3A_610 masked %and3A_722 : memref<56x128xi32, #tpu.memory_space<vmem>>[vector<16xi32>, vector<16xi32>], vector<16xi32>, vector<16xi1>
        %eq3A_723 = arith.constant 11 : i32
        %eq3A_724 = vector.broadcast %eq3A_723 : i32 to vector<16xi32>
        %eq3A_725 = arith.cmpi eq, %iota3A, %eq3A_724 : vector<16xi32>
        %and3A_726 = arith.andi %and3A_603, %eq3A_725 : vector<16xi1>
        tpu.vector_store_idx %arg14[%shift_right_arithmetic3A_618, %and3A_621], %add3A_610 masked %and3A_726 : memref<56x128xi32, #tpu.memory_space<vmem>>[vector<16xi32>, vector<16xi32>], vector<16xi32>, vector<16xi1>
        %eq3A_727 = arith.constant 12 : i32
        %eq3A_728 = vector.broadcast %eq3A_727 : i32 to vector<16xi32>
        %eq3A_729 = arith.cmpi eq, %iota3A, %eq3A_728 : vector<16xi32>
        %and3A_730 = arith.andi %and3A_603, %eq3A_729 : vector<16xi1>
        tpu.vector_store_idx %arg14[%shift_right_arithmetic3A_618, %and3A_621], %add3A_610 masked %and3A_730 : memref<56x128xi32, #tpu.memory_space<vmem>>[vector<16xi32>, vector<16xi32>], vector<16xi32>, vector<16xi1>
        %eq3A_731 = arith.constant 13 : i32
        %eq3A_732 = vector.broadcast %eq3A_731 : i32 to vector<16xi32>
        %eq3A_733 = arith.cmpi eq, %iota3A, %eq3A_732 : vector<16xi32>
        %and3A_734 = arith.andi %and3A_603, %eq3A_733 : vector<16xi1>
        tpu.vector_store_idx %arg14[%shift_right_arithmetic3A_618, %and3A_621], %add3A_610 masked %and3A_734 : memref<56x128xi32, #tpu.memory_space<vmem>>[vector<16xi32>, vector<16xi32>], vector<16xi32>, vector<16xi1>
        %eq3A_735 = arith.constant 14 : i32
        %eq3A_736 = vector.broadcast %eq3A_735 : i32 to vector<16xi32>
        %eq3A_737 = arith.cmpi eq, %iota3A, %eq3A_736 : vector<16xi32>
        %and3A_738 = arith.andi %and3A_603, %eq3A_737 : vector<16xi1>
        tpu.vector_store_idx %arg14[%shift_right_arithmetic3A_618, %and3A_621], %add3A_610 masked %and3A_738 : memref<56x128xi32, #tpu.memory_space<vmem>>[vector<16xi32>, vector<16xi32>], vector<16xi32>, vector<16xi1>
        %eq3A_739 = arith.constant 15 : i32
        %eq3A_740 = vector.broadcast %eq3A_739 : i32 to vector<16xi32>
        %eq3A_741 = arith.cmpi eq, %iota3A, %eq3A_740 : vector<16xi32>
        %and3A_742 = arith.andi %and3A_603, %eq3A_741 : vector<16xi1>
        tpu.vector_store_idx %arg14[%shift_right_arithmetic3A_618, %and3A_621], %add3A_610 masked %and3A_742 : memref<56x128xi32, #tpu.memory_space<vmem>>[vector<16xi32>, vector<16xi32>], vector<16xi32>, vector<16xi1>
        %cond3A_743 = arith.constant 0 : i32
        scf.yield %cond3A_743 : i32
      } else {
        tpu.vector_store_idx %arg14[%shift_right_arithmetic3A_618, %and3A_621], %add3A_610 masked %and3A_603 : memref<56x128xi32, #tpu.memory_space<vmem>>[vector<16xi32>, vector<16xi32>], vector<16xi32>, vector<16xi1>
        %cond3A_680 = arith.constant 0 : i32
        scf.yield %cond3A_680 : i32
      }
      %mul3A_634 = arith.constant 4 : i32
      %mul3A_635 = arith.muli %scan3A_504, %mul3A_634 : i32
      %add3A_636 = arith.constant 3 : i32
      %add3A_637 = arith.addi %mul3A_635, %add3A_636 : i32
      %mul3A_638 = arith.constant 16 : i32
      %mul3A_639 = arith.muli %add3A_637, %mul3A_638 : i32
      %get3A_640 = arith.index_cast %mul3A_639 : i32 to index
      %get3A_641 = tpu.vector_load %arg13[%get3A_640] {strides = array<i32>} : memref<4096xi32, #tpu.memory_space<vmem>>, vector<16xi32>,
      %ge3A_642 = vector.broadcast %mul3A_4 : i32 to vector<16xi32>
      %ge3A_643 = arith.cmpi sge, %get3A_641, %ge3A_642 : vector<16xi32>
      %add3A_644 = arith.constant 7168 : i32
      %add3A_645 = arith.addi %mul3A_4, %add3A_644 : i32
      %lt3A_646 = vector.broadcast %add3A_645 : i32 to vector<16xi32>
      %lt3A_647 = arith.cmpi slt, %get3A_641, %lt3A_646 : vector<16xi32>
      %and3A_648 = arith.andi %ge3A_643, %lt3A_647 : vector<16xi1>
      %mul3A_649 = arith.constant 16 : i32
      %mul3A_650 = arith.muli %add3A_637, %mul3A_649 : i32
      %add3A_651 = vector.broadcast %mul3A_650 : i32 to vector<16xi32>
      %add3A_652 = arith.addi %add3A_651, %iota3A : vector<16xi32>
      %add3A_653 = arith.constant 1 : i32
      %add3A_654 = vector.broadcast %add3A_653 : i32 to vector<16xi32>
      %add3A_655 = arith.addi %add3A_652, %add3A_654 : vector<16xi32>
      %sub3A_656 = vector.broadcast %mul3A_4 : i32 to vector<16xi32>
      %sub3A_657 = arith.subi %get3A_641, %sub3A_656 : vector<16xi32>
      %jit3A_658 = arith.constant 0 : i32
      %broadcast_in_dim3A_659 = vector.broadcast %jit3A_658 : i32 to vector<16xi32>
      %select_n3A_660 = arith.select %and3A_648, %sub3A_657, %broadcast_in_dim3A_659 : vector<16xi1>, vector<16xi32>
      %shift_right_arithmetic3A_661 = arith.constant 7 : i32
      %shift_right_arithmetic3A_662 = vector.broadcast %shift_right_arithmetic3A_661 : i32 to vector<16xi32>
      %shift_right_arithmetic3A_663 = arith.shrsi %select_n3A_660, %shift_right_arithmetic3A_662 : vector<16xi32>
      %and3A_664 = arith.constant 127 : i32
      %and3A_665 = vector.broadcast %and3A_664 : i32 to vector<16xi32>
      %and3A_666 = arith.andi %select_n3A_660, %and3A_665 : vector<16xi32>
      %convert_element_type3A_667 = arith.extui %and3A_648 : vector<16xi1> to vector<16xi32>
      %reduce_sum3A_668 = arith.constant true
      %reduce_sum3A_669 = vector.broadcast %reduce_sum3A_668 : i1 to vector<16xi1>
      %reduce_sum3A_670 = tpu.scan <sum>, %convert_element_type3A_667 masked %reduce_sum3A_669 : vector<16xi32>, vector<16xi1> -> vector<16xi32>
      %reduce_sum3A_671 = vector.extract %reduce_sum3A_670[15] : i32 from vector<16xi32>
      %gt3A_672 = arith.constant 1 : i32
      %gt3A_673 = arith.cmpi sgt, %reduce_sum3A_671, %gt3A_672 : i32
      %convert_element_type3A_674 = arith.extui %gt3A_673 : i1 to i32
      %cond3A_675 = arith.constant 0 : i32
      %cond3A_676 = arith.constant 0 : i32
      %cond3A_677 = arith.cmpi ne, %convert_element_type3A_674, %cond3A_676 : i32
      %cond3A_678 = scf.if %cond3A_677 -> (i32) {
        %eq3A = arith.constant 0 : i32
        %eq3A_680 = vector.broadcast %eq3A : i32 to vector<16xi32>
        %eq3A_681 = arith.cmpi eq, %iota3A, %eq3A_680 : vector<16xi32>
        %and3A_682 = arith.andi %and3A_648, %eq3A_681 : vector<16xi1>
        tpu.vector_store_idx %arg14[%shift_right_arithmetic3A_663, %and3A_666], %add3A_655 masked %and3A_682 : memref<56x128xi32, #tpu.memory_space<vmem>>[vector<16xi32>, vector<16xi32>], vector<16xi32>, vector<16xi1>
        %eq3A_683 = arith.constant 1 : i32
        %eq3A_684 = vector.broadcast %eq3A_683 : i32 to vector<16xi32>
        %eq3A_685 = arith.cmpi eq, %iota3A, %eq3A_684 : vector<16xi32>
        %and3A_686 = arith.andi %and3A_648, %eq3A_685 : vector<16xi1>
        tpu.vector_store_idx %arg14[%shift_right_arithmetic3A_663, %and3A_666], %add3A_655 masked %and3A_686 : memref<56x128xi32, #tpu.memory_space<vmem>>[vector<16xi32>, vector<16xi32>], vector<16xi32>, vector<16xi1>
        %eq3A_687 = arith.constant 2 : i32
        %eq3A_688 = vector.broadcast %eq3A_687 : i32 to vector<16xi32>
        %eq3A_689 = arith.cmpi eq, %iota3A, %eq3A_688 : vector<16xi32>
        %and3A_690 = arith.andi %and3A_648, %eq3A_689 : vector<16xi1>
        tpu.vector_store_idx %arg14[%shift_right_arithmetic3A_663, %and3A_666], %add3A_655 masked %and3A_690 : memref<56x128xi32, #tpu.memory_space<vmem>>[vector<16xi32>, vector<16xi32>], vector<16xi32>, vector<16xi1>
        %eq3A_691 = arith.constant 3 : i32
        %eq3A_692 = vector.broadcast %eq3A_691 : i32 to vector<16xi32>
        %eq3A_693 = arith.cmpi eq, %iota3A, %eq3A_692 : vector<16xi32>
        %and3A_694 = arith.andi %and3A_648, %eq3A_693 : vector<16xi1>
        tpu.vector_store_idx %arg14[%shift_right_arithmetic3A_663, %and3A_666], %add3A_655 masked %and3A_694 : memref<56x128xi32, #tpu.memory_space<vmem>>[vector<16xi32>, vector<16xi32>], vector<16xi32>, vector<16xi1>
        %eq3A_695 = arith.constant 4 : i32
        %eq3A_696 = vector.broadcast %eq3A_695 : i32 to vector<16xi32>
        %eq3A_697 = arith.cmpi eq, %iota3A, %eq3A_696 : vector<16xi32>
        %and3A_698 = arith.andi %and3A_648, %eq3A_697 : vector<16xi1>
        tpu.vector_store_idx %arg14[%shift_right_arithmetic3A_663, %and3A_666], %add3A_655 masked %and3A_698 : memref<56x128xi32, #tpu.memory_space<vmem>>[vector<16xi32>, vector<16xi32>], vector<16xi32>, vector<16xi1>
        %eq3A_699 = arith.constant 5 : i32
        %eq3A_700 = vector.broadcast %eq3A_699 : i32 to vector<16xi32>
        %eq3A_701 = arith.cmpi eq, %iota3A, %eq3A_700 : vector<16xi32>
        %and3A_702 = arith.andi %and3A_648, %eq3A_701 : vector<16xi1>
        tpu.vector_store_idx %arg14[%shift_right_arithmetic3A_663, %and3A_666], %add3A_655 masked %and3A_702 : memref<56x128xi32, #tpu.memory_space<vmem>>[vector<16xi32>, vector<16xi32>], vector<16xi32>, vector<16xi1>
        %eq3A_703 = arith.constant 6 : i32
        %eq3A_704 = vector.broadcast %eq3A_703 : i32 to vector<16xi32>
        %eq3A_705 = arith.cmpi eq, %iota3A, %eq3A_704 : vector<16xi32>
        %and3A_706 = arith.andi %and3A_648, %eq3A_705 : vector<16xi1>
        tpu.vector_store_idx %arg14[%shift_right_arithmetic3A_663, %and3A_666], %add3A_655 masked %and3A_706 : memref<56x128xi32, #tpu.memory_space<vmem>>[vector<16xi32>, vector<16xi32>], vector<16xi32>, vector<16xi1>
        %eq3A_707 = arith.constant 7 : i32
        %eq3A_708 = vector.broadcast %eq3A_707 : i32 to vector<16xi32>
        %eq3A_709 = arith.cmpi eq, %iota3A, %eq3A_708 : vector<16xi32>
        %and3A_710 = arith.andi %and3A_648, %eq3A_709 : vector<16xi1>
        tpu.vector_store_idx %arg14[%shift_right_arithmetic3A_663, %and3A_666], %add3A_655 masked %and3A_710 : memref<56x128xi32, #tpu.memory_space<vmem>>[vector<16xi32>, vector<16xi32>], vector<16xi32>, vector<16xi1>
        %eq3A_711 = arith.constant 8 : i32
        %eq3A_712 = vector.broadcast %eq3A_711 : i32 to vector<16xi32>
        %eq3A_713 = arith.cmpi eq, %iota3A, %eq3A_712 : vector<16xi32>
        %and3A_714 = arith.andi %and3A_648, %eq3A_713 : vector<16xi1>
        tpu.vector_store_idx %arg14[%shift_right_arithmetic3A_663, %and3A_666], %add3A_655 masked %and3A_714 : memref<56x128xi32, #tpu.memory_space<vmem>>[vector<16xi32>, vector<16xi32>], vector<16xi32>, vector<16xi1>
        %eq3A_715 = arith.constant 9 : i32
        %eq3A_716 = vector.broadcast %eq3A_715 : i32 to vector<16xi32>
        %eq3A_717 = arith.cmpi eq, %iota3A, %eq3A_716 : vector<16xi32>
        %and3A_718 = arith.andi %and3A_648, %eq3A_717 : vector<16xi1>
        tpu.vector_store_idx %arg14[%shift_right_arithmetic3A_663, %and3A_666], %add3A_655 masked %and3A_718 : memref<56x128xi32, #tpu.memory_space<vmem>>[vector<16xi32>, vector<16xi32>], vector<16xi32>, vector<16xi1>
        %eq3A_719 = arith.constant 10 : i32
        %eq3A_720 = vector.broadcast %eq3A_719 : i32 to vector<16xi32>
        %eq3A_721 = arith.cmpi eq, %iota3A, %eq3A_720 : vector<16xi32>
        %and3A_722 = arith.andi %and3A_648, %eq3A_721 : vector<16xi1>
        tpu.vector_store_idx %arg14[%shift_right_arithmetic3A_663, %and3A_666], %add3A_655 masked %and3A_722 : memref<56x128xi32, #tpu.memory_space<vmem>>[vector<16xi32>, vector<16xi32>], vector<16xi32>, vector<16xi1>
        %eq3A_723 = arith.constant 11 : i32
        %eq3A_724 = vector.broadcast %eq3A_723 : i32 to vector<16xi32>
        %eq3A_725 = arith.cmpi eq, %iota3A, %eq3A_724 : vector<16xi32>
        %and3A_726 = arith.andi %and3A_648, %eq3A_725 : vector<16xi1>
        tpu.vector_store_idx %arg14[%shift_right_arithmetic3A_663, %and3A_666], %add3A_655 masked %and3A_726 : memref<56x128xi32, #tpu.memory_space<vmem>>[vector<16xi32>, vector<16xi32>], vector<16xi32>, vector<16xi1>
        %eq3A_727 = arith.constant 12 : i32
        %eq3A_728 = vector.broadcast %eq3A_727 : i32 to vector<16xi32>
        %eq3A_729 = arith.cmpi eq, %iota3A, %eq3A_728 : vector<16xi32>
        %and3A_730 = arith.andi %and3A_648, %eq3A_729 : vector<16xi1>
        tpu.vector_store_idx %arg14[%shift_right_arithmetic3A_663, %and3A_666], %add3A_655 masked %and3A_730 : memref<56x128xi32, #tpu.memory_space<vmem>>[vector<16xi32>, vector<16xi32>], vector<16xi32>, vector<16xi1>
        %eq3A_731 = arith.constant 13 : i32
        %eq3A_732 = vector.broadcast %eq3A_731 : i32 to vector<16xi32>
        %eq3A_733 = arith.cmpi eq, %iota3A, %eq3A_732 : vector<16xi32>
        %and3A_734 = arith.andi %and3A_648, %eq3A_733 : vector<16xi1>
        tpu.vector_store_idx %arg14[%shift_right_arithmetic3A_663, %and3A_666], %add3A_655 masked %and3A_734 : memref<56x128xi32, #tpu.memory_space<vmem>>[vector<16xi32>, vector<16xi32>], vector<16xi32>, vector<16xi1>
        %eq3A_735 = arith.constant 14 : i32
        %eq3A_736 = vector.broadcast %eq3A_735 : i32 to vector<16xi32>
        %eq3A_737 = arith.cmpi eq, %iota3A, %eq3A_736 : vector<16xi32>
        %and3A_738 = arith.andi %and3A_648, %eq3A_737 : vector<16xi1>
        tpu.vector_store_idx %arg14[%shift_right_arithmetic3A_663, %and3A_666], %add3A_655 masked %and3A_738 : memref<56x128xi32, #tpu.memory_space<vmem>>[vector<16xi32>, vector<16xi32>], vector<16xi32>, vector<16xi1>
        %eq3A_739 = arith.constant 15 : i32
        %eq3A_740 = vector.broadcast %eq3A_739 : i32 to vector<16xi32>
        %eq3A_741 = arith.cmpi eq, %iota3A, %eq3A_740 : vector<16xi32>
        %and3A_742 = arith.andi %and3A_648, %eq3A_741 : vector<16xi1>
        tpu.vector_store_idx %arg14[%shift_right_arithmetic3A_663, %and3A_666], %add3A_655 masked %and3A_742 : memref<56x128xi32, #tpu.memory_space<vmem>>[vector<16xi32>, vector<16xi32>], vector<16xi32>, vector<16xi1>
        %cond3A_743 = arith.constant 0 : i32
        scf.yield %cond3A_743 : i32
      } else {
        tpu.vector_store_idx %arg14[%shift_right_arithmetic3A_663, %and3A_666], %add3A_655 masked %and3A_648 : memref<56x128xi32, #tpu.memory_space<vmem>>[vector<16xi32>, vector<16xi32>], vector<16xi32>, vector<16xi1>
        %cond3A_680 = arith.constant 0 : i32
        scf.yield %cond3A_680 : i32
      }
      %scan3A_679 = arith.constant 0 : i32
      scf.yield %scan3A_679 : i32
    }
    %scan3A_22 = arith.constant 64 : i32
    %mul3A_23 = arith.constant 56 : i32
    %mul3A_24 = arith.muli %arg1, %mul3A_23 : i32
    "tpu.region"() ({
      %run_scoped3A = tpu.sem_alloc : memref<!tpu.dma_semaphore, #tpu.memory_space<semaphore_mem>>
      %dma_start3A_504 = arith.constant 0 : i32
      %dma_start3A_505 = tpu.memref_slice %arg15[%mul3A_24, %dma_start3A_504] : memref<896x128xi32, #tpu.memory_space<hbm>> -> memref<56x128xi32, #tpu.memory_space<hbm>>
      %dma_start3A_506 = arith.constant 0 : i32
      %dma_start3A_507 = tpu.memref_slice %arg15[%mul3A_24, %dma_start3A_506] : memref<896x128xi32, #tpu.memory_space<hbm>> -> memref<56x128xi32, #tpu.memory_space<hbm>>
      tpu.enqueue_dma source(%arg14 : memref<56x128xi32, #tpu.memory_space<vmem>>) target(%dma_start3A_507 : memref<56x128xi32, #tpu.memory_space<hbm>>) target_semaphore(%run_scoped3A : memref<!tpu.dma_semaphore, #tpu.memory_space<semaphore_mem>>)
      %dma_wait3A_508 = arith.constant 0 : i32
      %dma_wait3A_509 = tpu.memref_slice %arg15[%mul3A_24, %dma_wait3A_508] : memref<896x128xi32, #tpu.memory_space<hbm>> -> memref<56x128xi32, #tpu.memory_space<hbm>>
      %dma_wait3A_510 = arith.constant 0 : i32
      %dma_wait3A_511 = tpu.memref_slice %arg15[%mul3A_24, %dma_wait3A_510] : memref<896x128xi32, #tpu.memory_space<hbm>> -> memref<56x128xi32, #tpu.memory_space<hbm>>
      tpu.wait_dma2 semaphore(%run_scoped3A : memref<!tpu.dma_semaphore, #tpu.memory_space<semaphore_mem>>) src(%arg14 : memref<56x128xi32, #tpu.memory_space<vmem>>) dst(%dma_wait3A_511 : memref<56x128xi32, #tpu.memory_space<hbm>>)
      tpu.yield
    }) : () -> ()
    %barrier3A = arith.constant 0 : index
    tpu.barrier barrier_id(%barrier3A)
    %get3A = arith.constant 0 : index
    %get3A_25 = tpu.vector_load %arg16[%get3A] {strides = array<i32>} : memref<128xi32, #tpu.memory_space<vmem>>, vector<16xi32>,
    %shift_right_arithmetic3A = arith.constant 7 : i32
    %shift_right_arithmetic3A_26 = vector.broadcast %shift_right_arithmetic3A : i32 to vector<16xi32>
    %shift_right_arithmetic3A_27 = arith.shrsi %get3A_25, %shift_right_arithmetic3A_26 : vector<16xi32>
    %swap3A = arith.constant 0 : index
    %swap3A_28 = tpu.vector_load %arg18[%swap3A] {strides = array<i32>} : memref<128xi32, #tpu.memory_space<vmem>>, vector<16xi32>,
    tpu.vector_store %arg18[%swap3A], %shift_right_arithmetic3A_27 {strides = array<i32>} : memref<128xi32, #tpu.memory_space<vmem>>, vector<16xi32>,
    %get3A_29 = arith.constant 16 : index
    %get3A_30 = tpu.vector_load %arg16[%get3A_29] {strides = array<i32>} : memref<128xi32, #tpu.memory_space<vmem>>, vector<16xi32>,
    %shift_right_arithmetic3A_31 = arith.constant 7 : i32
    %shift_right_arithmetic3A_32 = vector.broadcast %shift_right_arithmetic3A_31 : i32 to vector<16xi32>
    %shift_right_arithmetic3A_33 = arith.shrsi %get3A_30, %shift_right_arithmetic3A_32 : vector<16xi32>
    %swap3A_34 = arith.constant 16 : index
    %swap3A_35 = tpu.vector_load %arg18[%swap3A_34] {strides = array<i32>} : memref<128xi32, #tpu.memory_space<vmem>>, vector<16xi32>,
    tpu.vector_store %arg18[%swap3A_34], %shift_right_arithmetic3A_33 {strides = array<i32>} : memref<128xi32, #tpu.memory_space<vmem>>, vector<16xi32>,
    %get3A_36 = arith.constant 32 : index
    %get3A_37 = tpu.vector_load %arg16[%get3A_36] {strides = array<i32>} : memref<128xi32, #tpu.memory_space<vmem>>, vector<16xi32>,
    %shift_right_arithmetic3A_38 = arith.constant 7 : i32
    %shift_right_arithmetic3A_39 = vector.broadcast %shift_right_arithmetic3A_38 : i32 to vector<16xi32>
    %shift_right_arithmetic3A_40 = arith.shrsi %get3A_37, %shift_right_arithmetic3A_39 : vector<16xi32>
    %swap3A_41 = arith.constant 32 : index
    %swap3A_42 = tpu.vector_load %arg18[%swap3A_41] {strides = array<i32>} : memref<128xi32, #tpu.memory_space<vmem>>, vector<16xi32>,
    tpu.vector_store %arg18[%swap3A_41], %shift_right_arithmetic3A_40 {strides = array<i32>} : memref<128xi32, #tpu.memory_space<vmem>>, vector<16xi32>,
    %get3A_43 = arith.constant 48 : index
    %get3A_44 = tpu.vector_load %arg16[%get3A_43] {strides = array<i32>} : memref<128xi32, #tpu.memory_space<vmem>>, vector<16xi32>,
    %shift_right_arithmetic3A_45 = arith.constant 7 : i32
    %shift_right_arithmetic3A_46 = vector.broadcast %shift_right_arithmetic3A_45 : i32 to vector<16xi32>
    %shift_right_arithmetic3A_47 = arith.shrsi %get3A_44, %shift_right_arithmetic3A_46 : vector<16xi32>
    %swap3A_48 = arith.constant 48 : index
    %swap3A_49 = tpu.vector_load %arg18[%swap3A_48] {strides = array<i32>} : memref<128xi32, #tpu.memory_space<vmem>>, vector<16xi32>,
    tpu.vector_store %arg18[%swap3A_48], %shift_right_arithmetic3A_47 {strides = array<i32>} : memref<128xi32, #tpu.memory_space<vmem>>, vector<16xi32>,
    %get3A_50 = arith.constant 64 : index
    %get3A_51 = tpu.vector_load %arg16[%get3A_50] {strides = array<i32>} : memref<128xi32, #tpu.memory_space<vmem>>, vector<16xi32>,
    %shift_right_arithmetic3A_52 = arith.constant 7 : i32
    %shift_right_arithmetic3A_53 = vector.broadcast %shift_right_arithmetic3A_52 : i32 to vector<16xi32>
    %shift_right_arithmetic3A_54 = arith.shrsi %get3A_51, %shift_right_arithmetic3A_53 : vector<16xi32>
    %swap3A_55 = arith.constant 64 : index
    %swap3A_56 = tpu.vector_load %arg18[%swap3A_55] {strides = array<i32>} : memref<128xi32, #tpu.memory_space<vmem>>, vector<16xi32>,
    tpu.vector_store %arg18[%swap3A_55], %shift_right_arithmetic3A_54 {strides = array<i32>} : memref<128xi32, #tpu.memory_space<vmem>>, vector<16xi32>,
    %get3A_57 = arith.constant 80 : index
    %get3A_58 = tpu.vector_load %arg16[%get3A_57] {strides = array<i32>} : memref<128xi32, #tpu.memory_space<vmem>>, vector<16xi32>,
    %shift_right_arithmetic3A_59 = arith.constant 7 : i32
    %shift_right_arithmetic3A_60 = vector.broadcast %shift_right_arithmetic3A_59 : i32 to vector<16xi32>
    %shift_right_arithmetic3A_61 = arith.shrsi %get3A_58, %shift_right_arithmetic3A_60 : vector<16xi32>
    %swap3A_62 = arith.constant 80 : index
    %swap3A_63 = tpu.vector_load %arg18[%swap3A_62] {strides = array<i32>} : memref<128xi32, #tpu.memory_space<vmem>>, vector<16xi32>,
    tpu.vector_store %arg18[%swap3A_62], %shift_right_arithmetic3A_61 {strides = array<i32>} : memref<128xi32, #tpu.memory_space<vmem>>, vector<16xi32>,
    %get3A_64 = arith.constant 96 : index
    %get3A_65 = tpu.vector_load %arg16[%get3A_64] {strides = array<i32>} : memref<128xi32, #tpu.memory_space<vmem>>, vector<16xi32>,
    %shift_right_arithmetic3A_66 = arith.constant 7 : i32
    %shift_right_arithmetic3A_67 = vector.broadcast %shift_right_arithmetic3A_66 : i32 to vector<16xi32>
    %shift_right_arithmetic3A_68 = arith.shrsi %get3A_65, %shift_right_arithmetic3A_67 : vector<16xi32>
    %swap3A_69 = arith.constant 96 : index
    %swap3A_70 = tpu.vector_load %arg18[%swap3A_69] {strides = array<i32>} : memref<128xi32, #tpu.memory_space<vmem>>, vector<16xi32>,
    tpu.vector_store %arg18[%swap3A_69], %shift_right_arithmetic3A_68 {strides = array<i32>} : memref<128xi32, #tpu.memory_space<vmem>>, vector<16xi32>,
    %get3A_71 = arith.constant 112 : index
    %get3A_72 = tpu.vector_load %arg16[%get3A_71] {strides = array<i32>} : memref<128xi32, #tpu.memory_space<vmem>>, vector<16xi32>,
    %shift_right_arithmetic3A_73 = arith.constant 7 : i32
    %shift_right_arithmetic3A_74 = vector.broadcast %shift_right_arithmetic3A_73 : i32 to vector<16xi32>
    %shift_right_arithmetic3A_75 = arith.shrsi %get3A_72, %shift_right_arithmetic3A_74 : vector<16xi32>
    %swap3A_76 = arith.constant 112 : index
    %swap3A_77 = tpu.vector_load %arg18[%swap3A_76] {strides = array<i32>} : memref<128xi32, #tpu.memory_space<vmem>>, vector<16xi32>,
    tpu.vector_store %arg18[%swap3A_76], %shift_right_arithmetic3A_75 {strides = array<i32>} : memref<128xi32, #tpu.memory_space<vmem>>, vector<16xi32>,
    %dma_start3A_78 = arith.constant 0 : i32
    %dma_start3A_79 = arith.constant 0 : i32
    %dma_start3A_80 = tpu.memref_slice %arg15[%dma_start3A_78, %dma_start3A_79] : memref<896x128xi32, #tpu.memory_space<hbm>> -> memref<896x128xi32, #tpu.memory_space<hbm>>
    tpu.enqueue_indirect_dma source(%dma_start3A_80 : memref<896x128xi32, #tpu.memory_space<hbm>>) target(%arg22 : memref<128x128xi32, #tpu.memory_space<vmem>>) offsets(%arg18 : memref<128xi32, #tpu.memory_space<vmem>>) semaphore(%arg28 : memref<!tpu.dma_semaphore, #tpu.memory_space<semaphore_mem>>)
    %dma_wait3A = arith.constant 0 : i32
    %dma_wait3A_81 = arith.constant 0 : i32
    %dma_wait3A_82 = tpu.memref_slice %arg15[%dma_wait3A, %dma_wait3A_81] : memref<896x128xi32, #tpu.memory_space<hbm>> -> memref<896x128xi32, #tpu.memory_space<hbm>>
    tpu.wait_indirect_dma semaphore(%arg28 : memref<!tpu.dma_semaphore, #tpu.memory_space<semaphore_mem>>) src(%dma_wait3A_82 : memref<896x128xi32, #tpu.memory_space<hbm>>) dst(%arg22 : memref<128x128xi32, #tpu.memory_space<vmem>>)
    %add3A_83 = arith.constant 0 : i32
    %add3A_84 = vector.broadcast %add3A_83 : i32 to vector<16xi32>
    %add3A_85 = arith.addi %add3A_84, %iota3A : vector<16xi32>
    %get3A_86 = arith.constant 0 : index
    %get3A_87 = tpu.vector_load %arg16[%get3A_86] {strides = array<i32>} : memref<128xi32, #tpu.memory_space<vmem>>, vector<16xi32>,
    %and3A = arith.constant 127 : i32
    %and3A_88 = vector.broadcast %and3A : i32 to vector<16xi32>
    %and3A_89 = arith.andi %get3A_87, %and3A_88 : vector<16xi32>
    %gather3A = tpu.vector_load_idx %arg22[%add3A_85, %and3A_89] : memref<128x128xi32, #tpu.memory_space<vmem>>[vector<16xi32>, vector<16xi32>], vector<16xi32>,
    %sub3A = arith.constant 1 : i32
    %sub3A_90 = vector.broadcast %sub3A : i32 to vector<16xi32>
    %sub3A_91 = arith.subi %gather3A, %sub3A_90 : vector<16xi32>
    %swap3A_92 = arith.constant 0 : index
    %swap3A_93 = tpu.vector_load %arg24[%swap3A_92] {strides = array<i32>} : memref<128xi32, #tpu.memory_space<vmem>>, vector<16xi32>,
    tpu.vector_store %arg24[%swap3A_92], %sub3A_91 {strides = array<i32>} : memref<128xi32, #tpu.memory_space<vmem>>, vector<16xi32>,
    %add3A_94 = arith.constant 16 : i32
    %add3A_95 = vector.broadcast %add3A_94 : i32 to vector<16xi32>
    %add3A_96 = arith.addi %add3A_95, %iota3A : vector<16xi32>
    %get3A_97 = arith.constant 16 : index
    %get3A_98 = tpu.vector_load %arg16[%get3A_97] {strides = array<i32>} : memref<128xi32, #tpu.memory_space<vmem>>, vector<16xi32>,
    %and3A_99 = arith.constant 127 : i32
    %and3A_100 = vector.broadcast %and3A_99 : i32 to vector<16xi32>
    %and3A_101 = arith.andi %get3A_98, %and3A_100 : vector<16xi32>
    %gather3A_102 = tpu.vector_load_idx %arg22[%add3A_96, %and3A_101] : memref<128x128xi32, #tpu.memory_space<vmem>>[vector<16xi32>, vector<16xi32>], vector<16xi32>,
    %sub3A_103 = arith.constant 1 : i32
    %sub3A_104 = vector.broadcast %sub3A_103 : i32 to vector<16xi32>
    %sub3A_105 = arith.subi %gather3A_102, %sub3A_104 : vector<16xi32>
    %swap3A_106 = arith.constant 16 : index
    %swap3A_107 = tpu.vector_load %arg24[%swap3A_106] {strides = array<i32>} : memref<128xi32, #tpu.memory_space<vmem>>, vector<16xi32>,
    tpu.vector_store %arg24[%swap3A_106], %sub3A_105 {strides = array<i32>} : memref<128xi32, #tpu.memory_space<vmem>>, vector<16xi32>,
    %add3A_108 = arith.constant 32 : i32
    %add3A_109 = vector.broadcast %add3A_108 : i32 to vector<16xi32>
    %add3A_110 = arith.addi %add3A_109, %iota3A : vector<16xi32>
    %get3A_111 = arith.constant 32 : index
    %get3A_112 = tpu.vector_load %arg16[%get3A_111] {strides = array<i32>} : memref<128xi32, #tpu.memory_space<vmem>>, vector<16xi32>,
    %and3A_113 = arith.constant 127 : i32
    %and3A_114 = vector.broadcast %and3A_113 : i32 to vector<16xi32>
    %and3A_115 = arith.andi %get3A_112, %and3A_114 : vector<16xi32>
    %gather3A_116 = tpu.vector_load_idx %arg22[%add3A_110, %and3A_115] : memref<128x128xi32, #tpu.memory_space<vmem>>[vector<16xi32>, vector<16xi32>], vector<16xi32>,
    %sub3A_117 = arith.constant 1 : i32
    %sub3A_118 = vector.broadcast %sub3A_117 : i32 to vector<16xi32>
    %sub3A_119 = arith.subi %gather3A_116, %sub3A_118 : vector<16xi32>
    %swap3A_120 = arith.constant 32 : index
    %swap3A_121 = tpu.vector_load %arg24[%swap3A_120] {strides = array<i32>} : memref<128xi32, #tpu.memory_space<vmem>>, vector<16xi32>,
    tpu.vector_store %arg24[%swap3A_120], %sub3A_119 {strides = array<i32>} : memref<128xi32, #tpu.memory_space<vmem>>, vector<16xi32>,
    %add3A_122 = arith.constant 48 : i32
    %add3A_123 = vector.broadcast %add3A_122 : i32 to vector<16xi32>
    %add3A_124 = arith.addi %add3A_123, %iota3A : vector<16xi32>
    %get3A_125 = arith.constant 48 : index
    %get3A_126 = tpu.vector_load %arg16[%get3A_125] {strides = array<i32>} : memref<128xi32, #tpu.memory_space<vmem>>, vector<16xi32>,
    %and3A_127 = arith.constant 127 : i32
    %and3A_128 = vector.broadcast %and3A_127 : i32 to vector<16xi32>
    %and3A_129 = arith.andi %get3A_126, %and3A_128 : vector<16xi32>
    %gather3A_130 = tpu.vector_load_idx %arg22[%add3A_124, %and3A_129] : memref<128x128xi32, #tpu.memory_space<vmem>>[vector<16xi32>, vector<16xi32>], vector<16xi32>,
    %sub3A_131 = arith.constant 1 : i32
    %sub3A_132 = vector.broadcast %sub3A_131 : i32 to vector<16xi32>
    %sub3A_133 = arith.subi %gather3A_130, %sub3A_132 : vector<16xi32>
    %swap3A_134 = arith.constant 48 : index
    %swap3A_135 = tpu.vector_load %arg24[%swap3A_134] {strides = array<i32>} : memref<128xi32, #tpu.memory_space<vmem>>, vector<16xi32>,
    tpu.vector_store %arg24[%swap3A_134], %sub3A_133 {strides = array<i32>} : memref<128xi32, #tpu.memory_space<vmem>>, vector<16xi32>,
    %add3A_136 = arith.constant 64 : i32
    %add3A_137 = vector.broadcast %add3A_136 : i32 to vector<16xi32>
    %add3A_138 = arith.addi %add3A_137, %iota3A : vector<16xi32>
    %get3A_139 = arith.constant 64 : index
    %get3A_140 = tpu.vector_load %arg16[%get3A_139] {strides = array<i32>} : memref<128xi32, #tpu.memory_space<vmem>>, vector<16xi32>,
    %and3A_141 = arith.constant 127 : i32
    %and3A_142 = vector.broadcast %and3A_141 : i32 to vector<16xi32>
    %and3A_143 = arith.andi %get3A_140, %and3A_142 : vector<16xi32>
    %gather3A_144 = tpu.vector_load_idx %arg22[%add3A_138, %and3A_143] : memref<128x128xi32, #tpu.memory_space<vmem>>[vector<16xi32>, vector<16xi32>], vector<16xi32>,
    %sub3A_145 = arith.constant 1 : i32
    %sub3A_146 = vector.broadcast %sub3A_145 : i32 to vector<16xi32>
    %sub3A_147 = arith.subi %gather3A_144, %sub3A_146 : vector<16xi32>
    %swap3A_148 = arith.constant 64 : index
    %swap3A_149 = tpu.vector_load %arg24[%swap3A_148] {strides = array<i32>} : memref<128xi32, #tpu.memory_space<vmem>>, vector<16xi32>,
    tpu.vector_store %arg24[%swap3A_148], %sub3A_147 {strides = array<i32>} : memref<128xi32, #tpu.memory_space<vmem>>, vector<16xi32>,
    %add3A_150 = arith.constant 80 : i32
    %add3A_151 = vector.broadcast %add3A_150 : i32 to vector<16xi32>
    %add3A_152 = arith.addi %add3A_151, %iota3A : vector<16xi32>
    %get3A_153 = arith.constant 80 : index
    %get3A_154 = tpu.vector_load %arg16[%get3A_153] {strides = array<i32>} : memref<128xi32, #tpu.memory_space<vmem>>, vector<16xi32>,
    %and3A_155 = arith.constant 127 : i32
    %and3A_156 = vector.broadcast %and3A_155 : i32 to vector<16xi32>
    %and3A_157 = arith.andi %get3A_154, %and3A_156 : vector<16xi32>
    %gather3A_158 = tpu.vector_load_idx %arg22[%add3A_152, %and3A_157] : memref<128x128xi32, #tpu.memory_space<vmem>>[vector<16xi32>, vector<16xi32>], vector<16xi32>,
    %sub3A_159 = arith.constant 1 : i32
    %sub3A_160 = vector.broadcast %sub3A_159 : i32 to vector<16xi32>
    %sub3A_161 = arith.subi %gather3A_158, %sub3A_160 : vector<16xi32>
    %swap3A_162 = arith.constant 80 : index
    %swap3A_163 = tpu.vector_load %arg24[%swap3A_162] {strides = array<i32>} : memref<128xi32, #tpu.memory_space<vmem>>, vector<16xi32>,
    tpu.vector_store %arg24[%swap3A_162], %sub3A_161 {strides = array<i32>} : memref<128xi32, #tpu.memory_space<vmem>>, vector<16xi32>,
    %add3A_164 = arith.constant 96 : i32
    %add3A_165 = vector.broadcast %add3A_164 : i32 to vector<16xi32>
    %add3A_166 = arith.addi %add3A_165, %iota3A : vector<16xi32>
    %get3A_167 = arith.constant 96 : index
    %get3A_168 = tpu.vector_load %arg16[%get3A_167] {strides = array<i32>} : memref<128xi32, #tpu.memory_space<vmem>>, vector<16xi32>,
    %and3A_169 = arith.constant 127 : i32
    %and3A_170 = vector.broadcast %and3A_169 : i32 to vector<16xi32>
    %and3A_171 = arith.andi %get3A_168, %and3A_170 : vector<16xi32>
    %gather3A_172 = tpu.vector_load_idx %arg22[%add3A_166, %and3A_171] : memref<128x128xi32, #tpu.memory_space<vmem>>[vector<16xi32>, vector<16xi32>], vector<16xi32>,
    %sub3A_173 = arith.constant 1 : i32
    %sub3A_174 = vector.broadcast %sub3A_173 : i32 to vector<16xi32>
    %sub3A_175 = arith.subi %gather3A_172, %sub3A_174 : vector<16xi32>
    %swap3A_176 = arith.constant 96 : index
    %swap3A_177 = tpu.vector_load %arg24[%swap3A_176] {strides = array<i32>} : memref<128xi32, #tpu.memory_space<vmem>>, vector<16xi32>,
    tpu.vector_store %arg24[%swap3A_176], %sub3A_175 {strides = array<i32>} : memref<128xi32, #tpu.memory_space<vmem>>, vector<16xi32>,
    %add3A_178 = arith.constant 112 : i32
    %add3A_179 = vector.broadcast %add3A_178 : i32 to vector<16xi32>
    %add3A_180 = arith.addi %add3A_179, %iota3A : vector<16xi32>
    %get3A_181 = arith.constant 112 : index
    %get3A_182 = tpu.vector_load %arg16[%get3A_181] {strides = array<i32>} : memref<128xi32, #tpu.memory_space<vmem>>, vector<16xi32>,
    %and3A_183 = arith.constant 127 : i32
    %and3A_184 = vector.broadcast %and3A_183 : i32 to vector<16xi32>
    %and3A_185 = arith.andi %get3A_182, %and3A_184 : vector<16xi32>
    %gather3A_186 = tpu.vector_load_idx %arg22[%add3A_180, %and3A_185] : memref<128x128xi32, #tpu.memory_space<vmem>>[vector<16xi32>, vector<16xi32>], vector<16xi32>,
    %sub3A_187 = arith.constant 1 : i32
    %sub3A_188 = vector.broadcast %sub3A_187 : i32 to vector<16xi32>
    %sub3A_189 = arith.subi %gather3A_186, %sub3A_188 : vector<16xi32>
    %swap3A_190 = arith.constant 112 : index
    %swap3A_191 = tpu.vector_load %arg24[%swap3A_190] {strides = array<i32>} : memref<128xi32, #tpu.memory_space<vmem>>, vector<16xi32>,
    tpu.vector_store %arg24[%swap3A_190], %sub3A_189 {strides = array<i32>} : memref<128xi32, #tpu.memory_space<vmem>>, vector<16xi32>,
    %get3A_192 = arith.constant 0 : index
    %get3A_193 = tpu.vector_load %arg17[%get3A_192] {strides = array<i32>} : memref<128xi32, #tpu.memory_space<vmem>>, vector<16xi32>,
    %shift_right_arithmetic3A_194 = arith.constant 7 : i32
    %shift_right_arithmetic3A_195 = vector.broadcast %shift_right_arithmetic3A_194 : i32 to vector<16xi32>
    %shift_right_arithmetic3A_196 = arith.shrsi %get3A_193, %shift_right_arithmetic3A_195 : vector<16xi32>
    %swap3A_197 = arith.constant 0 : index
    %swap3A_198 = tpu.vector_load %arg18[%swap3A_197] {strides = array<i32>} : memref<128xi32, #tpu.memory_space<vmem>>, vector<16xi32>,
    tpu.vector_store %arg18[%swap3A_197], %shift_right_arithmetic3A_196 {strides = array<i32>} : memref<128xi32, #tpu.memory_space<vmem>>, vector<16xi32>,
    %get3A_199 = arith.constant 16 : index
    %get3A_200 = tpu.vector_load %arg17[%get3A_199] {strides = array<i32>} : memref<128xi32, #tpu.memory_space<vmem>>, vector<16xi32>,
    %shift_right_arithmetic3A_201 = arith.constant 7 : i32
    %shift_right_arithmetic3A_202 = vector.broadcast %shift_right_arithmetic3A_201 : i32 to vector<16xi32>
    %shift_right_arithmetic3A_203 = arith.shrsi %get3A_200, %shift_right_arithmetic3A_202 : vector<16xi32>
    %swap3A_204 = arith.constant 16 : index
    %swap3A_205 = tpu.vector_load %arg18[%swap3A_204] {strides = array<i32>} : memref<128xi32, #tpu.memory_space<vmem>>, vector<16xi32>,
    tpu.vector_store %arg18[%swap3A_204], %shift_right_arithmetic3A_203 {strides = array<i32>} : memref<128xi32, #tpu.memory_space<vmem>>, vector<16xi32>,
    %get3A_206 = arith.constant 32 : index
    %get3A_207 = tpu.vector_load %arg17[%get3A_206] {strides = array<i32>} : memref<128xi32, #tpu.memory_space<vmem>>, vector<16xi32>,
    %shift_right_arithmetic3A_208 = arith.constant 7 : i32
    %shift_right_arithmetic3A_209 = vector.broadcast %shift_right_arithmetic3A_208 : i32 to vector<16xi32>
    %shift_right_arithmetic3A_210 = arith.shrsi %get3A_207, %shift_right_arithmetic3A_209 : vector<16xi32>
    %swap3A_211 = arith.constant 32 : index
    %swap3A_212 = tpu.vector_load %arg18[%swap3A_211] {strides = array<i32>} : memref<128xi32, #tpu.memory_space<vmem>>, vector<16xi32>,
    tpu.vector_store %arg18[%swap3A_211], %shift_right_arithmetic3A_210 {strides = array<i32>} : memref<128xi32, #tpu.memory_space<vmem>>, vector<16xi32>,
    %get3A_213 = arith.constant 48 : index
    %get3A_214 = tpu.vector_load %arg17[%get3A_213] {strides = array<i32>} : memref<128xi32, #tpu.memory_space<vmem>>, vector<16xi32>,
    %shift_right_arithmetic3A_215 = arith.constant 7 : i32
    %shift_right_arithmetic3A_216 = vector.broadcast %shift_right_arithmetic3A_215 : i32 to vector<16xi32>
    %shift_right_arithmetic3A_217 = arith.shrsi %get3A_214, %shift_right_arithmetic3A_216 : vector<16xi32>
    %swap3A_218 = arith.constant 48 : index
    %swap3A_219 = tpu.vector_load %arg18[%swap3A_218] {strides = array<i32>} : memref<128xi32, #tpu.memory_space<vmem>>, vector<16xi32>,
    tpu.vector_store %arg18[%swap3A_218], %shift_right_arithmetic3A_217 {strides = array<i32>} : memref<128xi32, #tpu.memory_space<vmem>>, vector<16xi32>,
    %get3A_220 = arith.constant 64 : index
    %get3A_221 = tpu.vector_load %arg17[%get3A_220] {strides = array<i32>} : memref<128xi32, #tpu.memory_space<vmem>>, vector<16xi32>,
    %shift_right_arithmetic3A_222 = arith.constant 7 : i32
    %shift_right_arithmetic3A_223 = vector.broadcast %shift_right_arithmetic3A_222 : i32 to vector<16xi32>
    %shift_right_arithmetic3A_224 = arith.shrsi %get3A_221, %shift_right_arithmetic3A_223 : vector<16xi32>
    %swap3A_225 = arith.constant 64 : index
    %swap3A_226 = tpu.vector_load %arg18[%swap3A_225] {strides = array<i32>} : memref<128xi32, #tpu.memory_space<vmem>>, vector<16xi32>,
    tpu.vector_store %arg18[%swap3A_225], %shift_right_arithmetic3A_224 {strides = array<i32>} : memref<128xi32, #tpu.memory_space<vmem>>, vector<16xi32>,
    %get3A_227 = arith.constant 80 : index
    %get3A_228 = tpu.vector_load %arg17[%get3A_227] {strides = array<i32>} : memref<128xi32, #tpu.memory_space<vmem>>, vector<16xi32>,
    %shift_right_arithmetic3A_229 = arith.constant 7 : i32
    %shift_right_arithmetic3A_230 = vector.broadcast %shift_right_arithmetic3A_229 : i32 to vector<16xi32>
    %shift_right_arithmetic3A_231 = arith.shrsi %get3A_228, %shift_right_arithmetic3A_230 : vector<16xi32>
    %swap3A_232 = arith.constant 80 : index
    %swap3A_233 = tpu.vector_load %arg18[%swap3A_232] {strides = array<i32>} : memref<128xi32, #tpu.memory_space<vmem>>, vector<16xi32>,
    tpu.vector_store %arg18[%swap3A_232], %shift_right_arithmetic3A_231 {strides = array<i32>} : memref<128xi32, #tpu.memory_space<vmem>>, vector<16xi32>,
    %get3A_234 = arith.constant 96 : index
    %get3A_235 = tpu.vector_load %arg17[%get3A_234] {strides = array<i32>} : memref<128xi32, #tpu.memory_space<vmem>>, vector<16xi32>,
    %shift_right_arithmetic3A_236 = arith.constant 7 : i32
    %shift_right_arithmetic3A_237 = vector.broadcast %shift_right_arithmetic3A_236 : i32 to vector<16xi32>
    %shift_right_arithmetic3A_238 = arith.shrsi %get3A_235, %shift_right_arithmetic3A_237 : vector<16xi32>
    %swap3A_239 = arith.constant 96 : index
    %swap3A_240 = tpu.vector_load %arg18[%swap3A_239] {strides = array<i32>} : memref<128xi32, #tpu.memory_space<vmem>>, vector<16xi32>,
    tpu.vector_store %arg18[%swap3A_239], %shift_right_arithmetic3A_238 {strides = array<i32>} : memref<128xi32, #tpu.memory_space<vmem>>, vector<16xi32>,
    %get3A_241 = arith.constant 112 : index
    %get3A_242 = tpu.vector_load %arg17[%get3A_241] {strides = array<i32>} : memref<128xi32, #tpu.memory_space<vmem>>, vector<16xi32>,
    %shift_right_arithmetic3A_243 = arith.constant 7 : i32
    %shift_right_arithmetic3A_244 = vector.broadcast %shift_right_arithmetic3A_243 : i32 to vector<16xi32>
    %shift_right_arithmetic3A_245 = arith.shrsi %get3A_242, %shift_right_arithmetic3A_244 : vector<16xi32>
    %swap3A_246 = arith.constant 112 : index
    %swap3A_247 = tpu.vector_load %arg18[%swap3A_246] {strides = array<i32>} : memref<128xi32, #tpu.memory_space<vmem>>, vector<16xi32>,
    tpu.vector_store %arg18[%swap3A_246], %shift_right_arithmetic3A_245 {strides = array<i32>} : memref<128xi32, #tpu.memory_space<vmem>>, vector<16xi32>,
    %dma_start3A_248 = arith.constant 0 : i32
    %dma_start3A_249 = arith.constant 0 : i32
    %dma_start3A_250 = tpu.memref_slice %arg6[%dma_start3A_248, %dma_start3A_249] : memref<896x128xf32, #tpu.memory_space<hbm>> -> memref<896x128xf32, #tpu.memory_space<hbm>>
    tpu.enqueue_indirect_dma source(%dma_start3A_250 : memref<896x128xf32, #tpu.memory_space<hbm>>) target(%arg21 : memref<128x128xf32, #tpu.memory_space<vmem>>) offsets(%arg18 : memref<128xi32, #tpu.memory_space<vmem>>) semaphore(%arg28 : memref<!tpu.dma_semaphore, #tpu.memory_space<semaphore_mem>>)
    %dma_start3A_251 = arith.constant 0 : i32
    %dma_start3A_252 = arith.constant 0 : i32
    %dma_start3A_253 = tpu.memref_slice %arg15[%dma_start3A_251, %dma_start3A_252] : memref<896x128xi32, #tpu.memory_space<hbm>> -> memref<896x128xi32, #tpu.memory_space<hbm>>
    tpu.enqueue_indirect_dma source(%dma_start3A_253 : memref<896x128xi32, #tpu.memory_space<hbm>>) target(%arg22 : memref<128x128xi32, #tpu.memory_space<vmem>>) offsets(%arg18 : memref<128xi32, #tpu.memory_space<vmem>>) semaphore(%arg28 : memref<!tpu.dma_semaphore, #tpu.memory_space<semaphore_mem>>)
    %dma_wait3A_254 = arith.constant 0 : i32
    %dma_wait3A_255 = arith.constant 0 : i32
    %dma_wait3A_256 = tpu.memref_slice %arg6[%dma_wait3A_254, %dma_wait3A_255] : memref<896x128xf32, #tpu.memory_space<hbm>> -> memref<896x128xf32, #tpu.memory_space<hbm>>
    tpu.wait_indirect_dma semaphore(%arg28 : memref<!tpu.dma_semaphore, #tpu.memory_space<semaphore_mem>>) src(%dma_wait3A_256 : memref<896x128xf32, #tpu.memory_space<hbm>>) dst(%arg21 : memref<128x128xf32, #tpu.memory_space<vmem>>)
    %dma_wait3A_257 = arith.constant 0 : i32
    %dma_wait3A_258 = arith.constant 0 : i32
    %dma_wait3A_259 = tpu.memref_slice %arg15[%dma_wait3A_257, %dma_wait3A_258] : memref<896x128xi32, #tpu.memory_space<hbm>> -> memref<896x128xi32, #tpu.memory_space<hbm>>
    tpu.wait_indirect_dma semaphore(%arg28 : memref<!tpu.dma_semaphore, #tpu.memory_space<semaphore_mem>>) src(%dma_wait3A_259 : memref<896x128xi32, #tpu.memory_space<hbm>>) dst(%arg22 : memref<128x128xi32, #tpu.memory_space<vmem>>)
    %get3A_260 = arith.constant 0 : index
    %get3A_261 = tpu.vector_load %arg17[%get3A_260] {strides = array<i32>} : memref<128xi32, #tpu.memory_space<vmem>>, vector<16xi32>,
    %and3A_262 = arith.constant 127 : i32
    %and3A_263 = vector.broadcast %and3A_262 : i32 to vector<16xi32>
    %and3A_264 = arith.andi %get3A_261, %and3A_263 : vector<16xi32>
    %add3A_265 = arith.constant 0 : i32
    %add3A_266 = vector.broadcast %add3A_265 : i32 to vector<16xi32>
    %add3A_267 = arith.addi %add3A_266, %iota3A : vector<16xi32>
    %gather3A_268 = tpu.vector_load_idx %arg21[%add3A_267, %and3A_264] : memref<128x128xf32, #tpu.memory_space<vmem>>[vector<16xi32>, vector<16xi32>], vector<16xf32>,
    %swap3A_269 = arith.constant 0 : index
    %swap3A_270 = tpu.vector_load %arg23[%swap3A_269] {strides = array<i32>} : memref<128xf32, #tpu.memory_space<vmem>>, vector<16xf32>,
    tpu.vector_store %arg23[%swap3A_269], %gather3A_268 {strides = array<i32>} : memref<128xf32, #tpu.memory_space<vmem>>, vector<16xf32>,
    %add3A_271 = arith.constant 0 : i32
    %add3A_272 = vector.broadcast %add3A_271 : i32 to vector<16xi32>
    %add3A_273 = arith.addi %add3A_272, %iota3A : vector<16xi32>
    %gather3A_274 = tpu.vector_load_idx %arg22[%add3A_273, %and3A_264] : memref<128x128xi32, #tpu.memory_space<vmem>>[vector<16xi32>, vector<16xi32>], vector<16xi32>,
    %swap3A_275 = arith.constant 0 : index
    %swap3A_276 = tpu.vector_load %arg26[%swap3A_275] {strides = array<i32>} : memref<128xi32, #tpu.memory_space<vmem>>, vector<16xi32>,
    tpu.vector_store %arg26[%swap3A_275], %gather3A_274 {strides = array<i32>} : memref<128xi32, #tpu.memory_space<vmem>>, vector<16xi32>,
    %add3A_277 = arith.constant 0 : i32
    %add3A_278 = arith.addi %mul3A_2, %add3A_277 : i32
    %add3A_279 = vector.broadcast %add3A_278 : i32 to vector<16xi32>
    %add3A_280 = arith.addi %add3A_279, %iota3A : vector<16xi32>
    %gt3A = arith.constant 0 : i32
    %gt3A_281 = vector.broadcast %gt3A : i32 to vector<16xi32>
    %gt3A_282 = arith.cmpi sgt, %gather3A_274, %gt3A_281 : vector<16xi32>
    %sub3A_283 = arith.constant 1 : i32
    %sub3A_284 = vector.broadcast %sub3A_283 : i32 to vector<16xi32>
    %sub3A_285 = arith.subi %gather3A_274, %sub3A_284 : vector<16xi32>
    %select_n3A = arith.select %gt3A_282, %sub3A_285, %add3A_280 : vector<16xi1>, vector<16xi32>
    %swap3A_286 = arith.constant 0 : index
    %swap3A_287 = tpu.vector_load %arg25[%swap3A_286] {strides = array<i32>} : memref<128xi32, #tpu.memory_space<vmem>>, vector<16xi32>,
    tpu.vector_store %arg25[%swap3A_286], %select_n3A {strides = array<i32>} : memref<128xi32, #tpu.memory_space<vmem>>, vector<16xi32>,
    %get3A_288 = arith.constant 16 : index
    %get3A_289 = tpu.vector_load %arg17[%get3A_288] {strides = array<i32>} : memref<128xi32, #tpu.memory_space<vmem>>, vector<16xi32>,
    %and3A_290 = arith.constant 127 : i32
    %and3A_291 = vector.broadcast %and3A_290 : i32 to vector<16xi32>
    %and3A_292 = arith.andi %get3A_289, %and3A_291 : vector<16xi32>
    %add3A_293 = arith.constant 16 : i32
    %add3A_294 = vector.broadcast %add3A_293 : i32 to vector<16xi32>
    %add3A_295 = arith.addi %add3A_294, %iota3A : vector<16xi32>
    %gather3A_296 = tpu.vector_load_idx %arg21[%add3A_295, %and3A_292] : memref<128x128xf32, #tpu.memory_space<vmem>>[vector<16xi32>, vector<16xi32>], vector<16xf32>,
    %swap3A_297 = arith.constant 16 : index
    %swap3A_298 = tpu.vector_load %arg23[%swap3A_297] {strides = array<i32>} : memref<128xf32, #tpu.memory_space<vmem>>, vector<16xf32>,
    tpu.vector_store %arg23[%swap3A_297], %gather3A_296 {strides = array<i32>} : memref<128xf32, #tpu.memory_space<vmem>>, vector<16xf32>,
    %add3A_299 = arith.constant 16 : i32
    %add3A_300 = vector.broadcast %add3A_299 : i32 to vector<16xi32>
    %add3A_301 = arith.addi %add3A_300, %iota3A : vector<16xi32>
    %gather3A_302 = tpu.vector_load_idx %arg22[%add3A_301, %and3A_292] : memref<128x128xi32, #tpu.memory_space<vmem>>[vector<16xi32>, vector<16xi32>], vector<16xi32>,
    %swap3A_303 = arith.constant 16 : index
    %swap3A_304 = tpu.vector_load %arg26[%swap3A_303] {strides = array<i32>} : memref<128xi32, #tpu.memory_space<vmem>>, vector<16xi32>,
    tpu.vector_store %arg26[%swap3A_303], %gather3A_302 {strides = array<i32>} : memref<128xi32, #tpu.memory_space<vmem>>, vector<16xi32>,
    %add3A_305 = arith.constant 16 : i32
    %add3A_306 = arith.addi %mul3A_2, %add3A_305 : i32
    %add3A_307 = vector.broadcast %add3A_306 : i32 to vector<16xi32>
    %add3A_308 = arith.addi %add3A_307, %iota3A : vector<16xi32>
    %gt3A_309 = arith.constant 0 : i32
    %gt3A_310 = vector.broadcast %gt3A_309 : i32 to vector<16xi32>
    %gt3A_311 = arith.cmpi sgt, %gather3A_302, %gt3A_310 : vector<16xi32>
    %sub3A_312 = arith.constant 1 : i32
    %sub3A_313 = vector.broadcast %sub3A_312 : i32 to vector<16xi32>
    %sub3A_314 = arith.subi %gather3A_302, %sub3A_313 : vector<16xi32>
    %select_n3A_315 = arith.select %gt3A_311, %sub3A_314, %add3A_308 : vector<16xi1>, vector<16xi32>
    %swap3A_316 = arith.constant 16 : index
    %swap3A_317 = tpu.vector_load %arg25[%swap3A_316] {strides = array<i32>} : memref<128xi32, #tpu.memory_space<vmem>>, vector<16xi32>,
    tpu.vector_store %arg25[%swap3A_316], %select_n3A_315 {strides = array<i32>} : memref<128xi32, #tpu.memory_space<vmem>>, vector<16xi32>,
    %get3A_318 = arith.constant 32 : index
    %get3A_319 = tpu.vector_load %arg17[%get3A_318] {strides = array<i32>} : memref<128xi32, #tpu.memory_space<vmem>>, vector<16xi32>,
    %and3A_320 = arith.constant 127 : i32
    %and3A_321 = vector.broadcast %and3A_320 : i32 to vector<16xi32>
    %and3A_322 = arith.andi %get3A_319, %and3A_321 : vector<16xi32>
    %add3A_323 = arith.constant 32 : i32
    %add3A_324 = vector.broadcast %add3A_323 : i32 to vector<16xi32>
    %add3A_325 = arith.addi %add3A_324, %iota3A : vector<16xi32>
    %gather3A_326 = tpu.vector_load_idx %arg21[%add3A_325, %and3A_322] : memref<128x128xf32, #tpu.memory_space<vmem>>[vector<16xi32>, vector<16xi32>], vector<16xf32>,
    %swap3A_327 = arith.constant 32 : index
    %swap3A_328 = tpu.vector_load %arg23[%swap3A_327] {strides = array<i32>} : memref<128xf32, #tpu.memory_space<vmem>>, vector<16xf32>,
    tpu.vector_store %arg23[%swap3A_327], %gather3A_326 {strides = array<i32>} : memref<128xf32, #tpu.memory_space<vmem>>, vector<16xf32>,
    %add3A_329 = arith.constant 32 : i32
    %add3A_330 = vector.broadcast %add3A_329 : i32 to vector<16xi32>
    %add3A_331 = arith.addi %add3A_330, %iota3A : vector<16xi32>
    %gather3A_332 = tpu.vector_load_idx %arg22[%add3A_331, %and3A_322] : memref<128x128xi32, #tpu.memory_space<vmem>>[vector<16xi32>, vector<16xi32>], vector<16xi32>,
    %swap3A_333 = arith.constant 32 : index
    %swap3A_334 = tpu.vector_load %arg26[%swap3A_333] {strides = array<i32>} : memref<128xi32, #tpu.memory_space<vmem>>, vector<16xi32>,
    tpu.vector_store %arg26[%swap3A_333], %gather3A_332 {strides = array<i32>} : memref<128xi32, #tpu.memory_space<vmem>>, vector<16xi32>,
    %add3A_335 = arith.constant 32 : i32
    %add3A_336 = arith.addi %mul3A_2, %add3A_335 : i32
    %add3A_337 = vector.broadcast %add3A_336 : i32 to vector<16xi32>
    %add3A_338 = arith.addi %add3A_337, %iota3A : vector<16xi32>
    %gt3A_339 = arith.constant 0 : i32
    %gt3A_340 = vector.broadcast %gt3A_339 : i32 to vector<16xi32>
    %gt3A_341 = arith.cmpi sgt, %gather3A_332, %gt3A_340 : vector<16xi32>
    %sub3A_342 = arith.constant 1 : i32
    %sub3A_343 = vector.broadcast %sub3A_342 : i32 to vector<16xi32>
    %sub3A_344 = arith.subi %gather3A_332, %sub3A_343 : vector<16xi32>
    %select_n3A_345 = arith.select %gt3A_341, %sub3A_344, %add3A_338 : vector<16xi1>, vector<16xi32>
    %swap3A_346 = arith.constant 32 : index
    %swap3A_347 = tpu.vector_load %arg25[%swap3A_346] {strides = array<i32>} : memref<128xi32, #tpu.memory_space<vmem>>, vector<16xi32>,
    tpu.vector_store %arg25[%swap3A_346], %select_n3A_345 {strides = array<i32>} : memref<128xi32, #tpu.memory_space<vmem>>, vector<16xi32>,
    %get3A_348 = arith.constant 48 : index
    %get3A_349 = tpu.vector_load %arg17[%get3A_348] {strides = array<i32>} : memref<128xi32, #tpu.memory_space<vmem>>, vector<16xi32>,
    %and3A_350 = arith.constant 127 : i32
    %and3A_351 = vector.broadcast %and3A_350 : i32 to vector<16xi32>
    %and3A_352 = arith.andi %get3A_349, %and3A_351 : vector<16xi32>
    %add3A_353 = arith.constant 48 : i32
    %add3A_354 = vector.broadcast %add3A_353 : i32 to vector<16xi32>
    %add3A_355 = arith.addi %add3A_354, %iota3A : vector<16xi32>
    %gather3A_356 = tpu.vector_load_idx %arg21[%add3A_355, %and3A_352] : memref<128x128xf32, #tpu.memory_space<vmem>>[vector<16xi32>, vector<16xi32>], vector<16xf32>,
    %swap3A_357 = arith.constant 48 : index
    %swap3A_358 = tpu.vector_load %arg23[%swap3A_357] {strides = array<i32>} : memref<128xf32, #tpu.memory_space<vmem>>, vector<16xf32>,
    tpu.vector_store %arg23[%swap3A_357], %gather3A_356 {strides = array<i32>} : memref<128xf32, #tpu.memory_space<vmem>>, vector<16xf32>,
    %add3A_359 = arith.constant 48 : i32
    %add3A_360 = vector.broadcast %add3A_359 : i32 to vector<16xi32>
    %add3A_361 = arith.addi %add3A_360, %iota3A : vector<16xi32>
    %gather3A_362 = tpu.vector_load_idx %arg22[%add3A_361, %and3A_352] : memref<128x128xi32, #tpu.memory_space<vmem>>[vector<16xi32>, vector<16xi32>], vector<16xi32>,
    %swap3A_363 = arith.constant 48 : index
    %swap3A_364 = tpu.vector_load %arg26[%swap3A_363] {strides = array<i32>} : memref<128xi32, #tpu.memory_space<vmem>>, vector<16xi32>,
    tpu.vector_store %arg26[%swap3A_363], %gather3A_362 {strides = array<i32>} : memref<128xi32, #tpu.memory_space<vmem>>, vector<16xi32>,
    %add3A_365 = arith.constant 48 : i32
    %add3A_366 = arith.addi %mul3A_2, %add3A_365 : i32
    %add3A_367 = vector.broadcast %add3A_366 : i32 to vector<16xi32>
    %add3A_368 = arith.addi %add3A_367, %iota3A : vector<16xi32>
    %gt3A_369 = arith.constant 0 : i32
    %gt3A_370 = vector.broadcast %gt3A_369 : i32 to vector<16xi32>
    %gt3A_371 = arith.cmpi sgt, %gather3A_362, %gt3A_370 : vector<16xi32>
    %sub3A_372 = arith.constant 1 : i32
    %sub3A_373 = vector.broadcast %sub3A_372 : i32 to vector<16xi32>
    %sub3A_374 = arith.subi %gather3A_362, %sub3A_373 : vector<16xi32>
    %select_n3A_375 = arith.select %gt3A_371, %sub3A_374, %add3A_368 : vector<16xi1>, vector<16xi32>
    %swap3A_376 = arith.constant 48 : index
    %swap3A_377 = tpu.vector_load %arg25[%swap3A_376] {strides = array<i32>} : memref<128xi32, #tpu.memory_space<vmem>>, vector<16xi32>,
    tpu.vector_store %arg25[%swap3A_376], %select_n3A_375 {strides = array<i32>} : memref<128xi32, #tpu.memory_space<vmem>>, vector<16xi32>,
    %get3A_378 = arith.constant 64 : index
    %get3A_379 = tpu.vector_load %arg17[%get3A_378] {strides = array<i32>} : memref<128xi32, #tpu.memory_space<vmem>>, vector<16xi32>,
    %and3A_380 = arith.constant 127 : i32
    %and3A_381 = vector.broadcast %and3A_380 : i32 to vector<16xi32>
    %and3A_382 = arith.andi %get3A_379, %and3A_381 : vector<16xi32>
    %add3A_383 = arith.constant 64 : i32
    %add3A_384 = vector.broadcast %add3A_383 : i32 to vector<16xi32>
    %add3A_385 = arith.addi %add3A_384, %iota3A : vector<16xi32>
    %gather3A_386 = tpu.vector_load_idx %arg21[%add3A_385, %and3A_382] : memref<128x128xf32, #tpu.memory_space<vmem>>[vector<16xi32>, vector<16xi32>], vector<16xf32>,
    %swap3A_387 = arith.constant 64 : index
    %swap3A_388 = tpu.vector_load %arg23[%swap3A_387] {strides = array<i32>} : memref<128xf32, #tpu.memory_space<vmem>>, vector<16xf32>,
    tpu.vector_store %arg23[%swap3A_387], %gather3A_386 {strides = array<i32>} : memref<128xf32, #tpu.memory_space<vmem>>, vector<16xf32>,
    %add3A_389 = arith.constant 64 : i32
    %add3A_390 = vector.broadcast %add3A_389 : i32 to vector<16xi32>
    %add3A_391 = arith.addi %add3A_390, %iota3A : vector<16xi32>
    %gather3A_392 = tpu.vector_load_idx %arg22[%add3A_391, %and3A_382] : memref<128x128xi32, #tpu.memory_space<vmem>>[vector<16xi32>, vector<16xi32>], vector<16xi32>,
    %swap3A_393 = arith.constant 64 : index
    %swap3A_394 = tpu.vector_load %arg26[%swap3A_393] {strides = array<i32>} : memref<128xi32, #tpu.memory_space<vmem>>, vector<16xi32>,
    tpu.vector_store %arg26[%swap3A_393], %gather3A_392 {strides = array<i32>} : memref<128xi32, #tpu.memory_space<vmem>>, vector<16xi32>,
    %add3A_395 = arith.constant 64 : i32
    %add3A_396 = arith.addi %mul3A_2, %add3A_395 : i32
    %add3A_397 = vector.broadcast %add3A_396 : i32 to vector<16xi32>
    %add3A_398 = arith.addi %add3A_397, %iota3A : vector<16xi32>
    %gt3A_399 = arith.constant 0 : i32
    %gt3A_400 = vector.broadcast %gt3A_399 : i32 to vector<16xi32>
    %gt3A_401 = arith.cmpi sgt, %gather3A_392, %gt3A_400 : vector<16xi32>
    %sub3A_402 = arith.constant 1 : i32
    %sub3A_403 = vector.broadcast %sub3A_402 : i32 to vector<16xi32>
    %sub3A_404 = arith.subi %gather3A_392, %sub3A_403 : vector<16xi32>
    %select_n3A_405 = arith.select %gt3A_401, %sub3A_404, %add3A_398 : vector<16xi1>, vector<16xi32>
    %swap3A_406 = arith.constant 64 : index
    %swap3A_407 = tpu.vector_load %arg25[%swap3A_406] {strides = array<i32>} : memref<128xi32, #tpu.memory_space<vmem>>, vector<16xi32>,
    tpu.vector_store %arg25[%swap3A_406], %select_n3A_405 {strides = array<i32>} : memref<128xi32, #tpu.memory_space<vmem>>, vector<16xi32>,
    %get3A_408 = arith.constant 80 : index
    %get3A_409 = tpu.vector_load %arg17[%get3A_408] {strides = array<i32>} : memref<128xi32, #tpu.memory_space<vmem>>, vector<16xi32>,
    %and3A_410 = arith.constant 127 : i32
    %and3A_411 = vector.broadcast %and3A_410 : i32 to vector<16xi32>
    %and3A_412 = arith.andi %get3A_409, %and3A_411 : vector<16xi32>
    %add3A_413 = arith.constant 80 : i32
    %add3A_414 = vector.broadcast %add3A_413 : i32 to vector<16xi32>
    %add3A_415 = arith.addi %add3A_414, %iota3A : vector<16xi32>
    %gather3A_416 = tpu.vector_load_idx %arg21[%add3A_415, %and3A_412] : memref<128x128xf32, #tpu.memory_space<vmem>>[vector<16xi32>, vector<16xi32>], vector<16xf32>,
    %swap3A_417 = arith.constant 80 : index
    %swap3A_418 = tpu.vector_load %arg23[%swap3A_417] {strides = array<i32>} : memref<128xf32, #tpu.memory_space<vmem>>, vector<16xf32>,
    tpu.vector_store %arg23[%swap3A_417], %gather3A_416 {strides = array<i32>} : memref<128xf32, #tpu.memory_space<vmem>>, vector<16xf32>,
    %add3A_419 = arith.constant 80 : i32
    %add3A_420 = vector.broadcast %add3A_419 : i32 to vector<16xi32>
    %add3A_421 = arith.addi %add3A_420, %iota3A : vector<16xi32>
    %gather3A_422 = tpu.vector_load_idx %arg22[%add3A_421, %and3A_412] : memref<128x128xi32, #tpu.memory_space<vmem>>[vector<16xi32>, vector<16xi32>], vector<16xi32>,
    %swap3A_423 = arith.constant 80 : index
    %swap3A_424 = tpu.vector_load %arg26[%swap3A_423] {strides = array<i32>} : memref<128xi32, #tpu.memory_space<vmem>>, vector<16xi32>,
    tpu.vector_store %arg26[%swap3A_423], %gather3A_422 {strides = array<i32>} : memref<128xi32, #tpu.memory_space<vmem>>, vector<16xi32>,
    %add3A_425 = arith.constant 80 : i32
    %add3A_426 = arith.addi %mul3A_2, %add3A_425 : i32
    %add3A_427 = vector.broadcast %add3A_426 : i32 to vector<16xi32>
    %add3A_428 = arith.addi %add3A_427, %iota3A : vector<16xi32>
    %gt3A_429 = arith.constant 0 : i32
    %gt3A_430 = vector.broadcast %gt3A_429 : i32 to vector<16xi32>
    %gt3A_431 = arith.cmpi sgt, %gather3A_422, %gt3A_430 : vector<16xi32>
    %sub3A_432 = arith.constant 1 : i32
    %sub3A_433 = vector.broadcast %sub3A_432 : i32 to vector<16xi32>
    %sub3A_434 = arith.subi %gather3A_422, %sub3A_433 : vector<16xi32>
    %select_n3A_435 = arith.select %gt3A_431, %sub3A_434, %add3A_428 : vector<16xi1>, vector<16xi32>
    %swap3A_436 = arith.constant 80 : index
    %swap3A_437 = tpu.vector_load %arg25[%swap3A_436] {strides = array<i32>} : memref<128xi32, #tpu.memory_space<vmem>>, vector<16xi32>,
    tpu.vector_store %arg25[%swap3A_436], %select_n3A_435 {strides = array<i32>} : memref<128xi32, #tpu.memory_space<vmem>>, vector<16xi32>,
    %get3A_438 = arith.constant 96 : index
    %get3A_439 = tpu.vector_load %arg17[%get3A_438] {strides = array<i32>} : memref<128xi32, #tpu.memory_space<vmem>>, vector<16xi32>,
    %and3A_440 = arith.constant 127 : i32
    %and3A_441 = vector.broadcast %and3A_440 : i32 to vector<16xi32>
    %and3A_442 = arith.andi %get3A_439, %and3A_441 : vector<16xi32>
    %add3A_443 = arith.constant 96 : i32
    %add3A_444 = vector.broadcast %add3A_443 : i32 to vector<16xi32>
    %add3A_445 = arith.addi %add3A_444, %iota3A : vector<16xi32>
    %gather3A_446 = tpu.vector_load_idx %arg21[%add3A_445, %and3A_442] : memref<128x128xf32, #tpu.memory_space<vmem>>[vector<16xi32>, vector<16xi32>], vector<16xf32>,
    %swap3A_447 = arith.constant 96 : index
    %swap3A_448 = tpu.vector_load %arg23[%swap3A_447] {strides = array<i32>} : memref<128xf32, #tpu.memory_space<vmem>>, vector<16xf32>,
    tpu.vector_store %arg23[%swap3A_447], %gather3A_446 {strides = array<i32>} : memref<128xf32, #tpu.memory_space<vmem>>, vector<16xf32>,
    %add3A_449 = arith.constant 96 : i32
    %add3A_450 = vector.broadcast %add3A_449 : i32 to vector<16xi32>
    %add3A_451 = arith.addi %add3A_450, %iota3A : vector<16xi32>
    %gather3A_452 = tpu.vector_load_idx %arg22[%add3A_451, %and3A_442] : memref<128x128xi32, #tpu.memory_space<vmem>>[vector<16xi32>, vector<16xi32>], vector<16xi32>,
    %swap3A_453 = arith.constant 96 : index
    %swap3A_454 = tpu.vector_load %arg26[%swap3A_453] {strides = array<i32>} : memref<128xi32, #tpu.memory_space<vmem>>, vector<16xi32>,
    tpu.vector_store %arg26[%swap3A_453], %gather3A_452 {strides = array<i32>} : memref<128xi32, #tpu.memory_space<vmem>>, vector<16xi32>,
    %add3A_455 = arith.constant 96 : i32
    %add3A_456 = arith.addi %mul3A_2, %add3A_455 : i32
    %add3A_457 = vector.broadcast %add3A_456 : i32 to vector<16xi32>
    %add3A_458 = arith.addi %add3A_457, %iota3A : vector<16xi32>
    %gt3A_459 = arith.constant 0 : i32
    %gt3A_460 = vector.broadcast %gt3A_459 : i32 to vector<16xi32>
    %gt3A_461 = arith.cmpi sgt, %gather3A_452, %gt3A_460 : vector<16xi32>
    %sub3A_462 = arith.constant 1 : i32
    %sub3A_463 = vector.broadcast %sub3A_462 : i32 to vector<16xi32>
    %sub3A_464 = arith.subi %gather3A_452, %sub3A_463 : vector<16xi32>
    %select_n3A_465 = arith.select %gt3A_461, %sub3A_464, %add3A_458 : vector<16xi1>, vector<16xi32>
    %swap3A_466 = arith.constant 96 : index
    %swap3A_467 = tpu.vector_load %arg25[%swap3A_466] {strides = array<i32>} : memref<128xi32, #tpu.memory_space<vmem>>, vector<16xi32>,
    tpu.vector_store %arg25[%swap3A_466], %select_n3A_465 {strides = array<i32>} : memref<128xi32, #tpu.memory_space<vmem>>, vector<16xi32>,
    %get3A_468 = arith.constant 112 : index
    %get3A_469 = tpu.vector_load %arg17[%get3A_468] {strides = array<i32>} : memref<128xi32, #tpu.memory_space<vmem>>, vector<16xi32>,
    %and3A_470 = arith.constant 127 : i32
    %and3A_471 = vector.broadcast %and3A_470 : i32 to vector<16xi32>
    %and3A_472 = arith.andi %get3A_469, %and3A_471 : vector<16xi32>
    %add3A_473 = arith.constant 112 : i32
    %add3A_474 = vector.broadcast %add3A_473 : i32 to vector<16xi32>
    %add3A_475 = arith.addi %add3A_474, %iota3A : vector<16xi32>
    %gather3A_476 = tpu.vector_load_idx %arg21[%add3A_475, %and3A_472] : memref<128x128xf32, #tpu.memory_space<vmem>>[vector<16xi32>, vector<16xi32>], vector<16xf32>,
    %swap3A_477 = arith.constant 112 : index
    %swap3A_478 = tpu.vector_load %arg23[%swap3A_477] {strides = array<i32>} : memref<128xf32, #tpu.memory_space<vmem>>, vector<16xf32>,
    tpu.vector_store %arg23[%swap3A_477], %gather3A_476 {strides = array<i32>} : memref<128xf32, #tpu.memory_space<vmem>>, vector<16xf32>,
    %add3A_479 = arith.constant 112 : i32
    %add3A_480 = vector.broadcast %add3A_479 : i32 to vector<16xi32>
    %add3A_481 = arith.addi %add3A_480, %iota3A : vector<16xi32>
    %gather3A_482 = tpu.vector_load_idx %arg22[%add3A_481, %and3A_472] : memref<128x128xi32, #tpu.memory_space<vmem>>[vector<16xi32>, vector<16xi32>], vector<16xi32>,
    %swap3A_483 = arith.constant 112 : index
    %swap3A_484 = tpu.vector_load %arg26[%swap3A_483] {strides = array<i32>} : memref<128xi32, #tpu.memory_space<vmem>>, vector<16xi32>,
    tpu.vector_store %arg26[%swap3A_483], %gather3A_482 {strides = array<i32>} : memref<128xi32, #tpu.memory_space<vmem>>, vector<16xi32>,
    %add3A_485 = arith.constant 112 : i32
    %add3A_486 = arith.addi %mul3A_2, %add3A_485 : i32
    %add3A_487 = vector.broadcast %add3A_486 : i32 to vector<16xi32>
    %add3A_488 = arith.addi %add3A_487, %iota3A : vector<16xi32>
    %gt3A_489 = arith.constant 0 : i32
    %gt3A_490 = vector.broadcast %gt3A_489 : i32 to vector<16xi32>
    %gt3A_491 = arith.cmpi sgt, %gather3A_482, %gt3A_490 : vector<16xi32>
    %sub3A_492 = arith.constant 1 : i32
    %sub3A_493 = vector.broadcast %sub3A_492 : i32 to vector<16xi32>
    %sub3A_494 = arith.subi %gather3A_482, %sub3A_493 : vector<16xi32>
    %select_n3A_495 = arith.select %gt3A_491, %sub3A_494, %add3A_488 : vector<16xi1>, vector<16xi32>
    %swap3A_496 = arith.constant 112 : index
    %swap3A_497 = tpu.vector_load %arg25[%swap3A_496] {strides = array<i32>} : memref<128xi32, #tpu.memory_space<vmem>>, vector<16xi32>,
    tpu.vector_store %arg25[%swap3A_496], %select_n3A_495 {strides = array<i32>} : memref<128xi32, #tpu.memory_space<vmem>>, vector<16xi32>,
    %dma_wait3A_498 = arith.constant 0 : i32
    %dma_wait3A_499 = arith.constant 0 : i32
    %dma_wait3A_500 = tpu.memref_slice %arg4[%dma_wait3A_498, %dma_wait3A_499] : memref<100000x128xf32, #tpu.memory_space<hbm>> -> memref<100000x128xf32, #tpu.memory_space<hbm>>
    tpu.wait_indirect_dma semaphore(%arg27 : memref<!tpu.dma_semaphore, #tpu.memory_space<semaphore_mem>>) src(%dma_wait3A_500 : memref<100000x128xf32, #tpu.memory_space<hbm>>) dst(%arg19 : memref<128x128xf32, #tpu.memory_space<vmem>>)
    %dma_wait3A_501 = arith.constant 0 : i32
    %dma_wait3A_502 = arith.constant 0 : i32
    %dma_wait3A_503 = tpu.memref_slice %arg5[%dma_wait3A_501, %dma_wait3A_502] : memref<100000x128xf32, #tpu.memory_space<hbm>> -> memref<100000x128xf32, #tpu.memory_space<hbm>>
    tpu.wait_indirect_dma semaphore(%arg27 : memref<!tpu.dma_semaphore, #tpu.memory_space<semaphore_mem>>) src(%dma_wait3A_503 : memref<100000x128xf32, #tpu.memory_space<hbm>>) dst(%arg20 : memref<128x128xf32, #tpu.memory_space<vmem>>)
    "tpu.region"() ({
      %run_scoped3A = tpu.sem_alloc : memref<!tpu.dma_semaphore, #tpu.memory_space<semaphore_mem>>
      %dma_start3A_504 = arith.constant 0 : i32
      %dma_start3A_505 = tpu.memref_slice %arg7[%mul3A_2, %dma_start3A_504] : memref<4096x128xf32, #tpu.memory_space<hbm>> -> memref<128x128xf32, #tpu.memory_space<hbm>>
      %dma_start3A_506 = arith.constant 0 : i32
      %dma_start3A_507 = tpu.memref_slice %arg7[%mul3A_2, %dma_start3A_506] : memref<4096x128xf32, #tpu.memory_space<hbm>> -> memref<128x128xf32, #tpu.memory_space<hbm>>
      tpu.enqueue_dma source(%arg19 : memref<128x128xf32, #tpu.memory_space<vmem>>) target(%dma_start3A_507 : memref<128x128xf32, #tpu.memory_space<hbm>>) target_semaphore(%run_scoped3A : memref<!tpu.dma_semaphore, #tpu.memory_space<semaphore_mem>>)
      %dma_wait3A_508 = arith.constant 0 : i32
      %dma_wait3A_509 = tpu.memref_slice %arg7[%mul3A_2, %dma_wait3A_508] : memref<4096x128xf32, #tpu.memory_space<hbm>> -> memref<128x128xf32, #tpu.memory_space<hbm>>
      %dma_wait3A_510 = arith.constant 0 : i32
      %dma_wait3A_511 = tpu.memref_slice %arg7[%mul3A_2, %dma_wait3A_510] : memref<4096x128xf32, #tpu.memory_space<hbm>> -> memref<128x128xf32, #tpu.memory_space<hbm>>
      tpu.wait_dma2 semaphore(%run_scoped3A : memref<!tpu.dma_semaphore, #tpu.memory_space<semaphore_mem>>) src(%arg19 : memref<128x128xf32, #tpu.memory_space<vmem>>) dst(%dma_wait3A_511 : memref<128x128xf32, #tpu.memory_space<hbm>>)
      tpu.yield
    }) : () -> ()
    "tpu.region"() ({
      %run_scoped3A = tpu.sem_alloc : memref<!tpu.dma_semaphore, #tpu.memory_space<semaphore_mem>>
      %dma_start3A_504 = arith.constant 0 : i32
      %dma_start3A_505 = tpu.memref_slice %arg8[%mul3A_2, %dma_start3A_504] : memref<4096x128xf32, #tpu.memory_space<hbm>> -> memref<128x128xf32, #tpu.memory_space<hbm>>
      %dma_start3A_506 = arith.constant 0 : i32
      %dma_start3A_507 = tpu.memref_slice %arg8[%mul3A_2, %dma_start3A_506] : memref<4096x128xf32, #tpu.memory_space<hbm>> -> memref<128x128xf32, #tpu.memory_space<hbm>>
      tpu.enqueue_dma source(%arg20 : memref<128x128xf32, #tpu.memory_space<vmem>>) target(%dma_start3A_507 : memref<128x128xf32, #tpu.memory_space<hbm>>) target_semaphore(%run_scoped3A : memref<!tpu.dma_semaphore, #tpu.memory_space<semaphore_mem>>)
      %dma_wait3A_508 = arith.constant 0 : i32
      %dma_wait3A_509 = tpu.memref_slice %arg8[%mul3A_2, %dma_wait3A_508] : memref<4096x128xf32, #tpu.memory_space<hbm>> -> memref<128x128xf32, #tpu.memory_space<hbm>>
      %dma_wait3A_510 = arith.constant 0 : i32
      %dma_wait3A_511 = tpu.memref_slice %arg8[%mul3A_2, %dma_wait3A_510] : memref<4096x128xf32, #tpu.memory_space<hbm>> -> memref<128x128xf32, #tpu.memory_space<hbm>>
      tpu.wait_dma2 semaphore(%run_scoped3A : memref<!tpu.dma_semaphore, #tpu.memory_space<semaphore_mem>>) src(%arg20 : memref<128x128xf32, #tpu.memory_space<vmem>>) dst(%dma_wait3A_511 : memref<128x128xf32, #tpu.memory_space<hbm>>)
      tpu.yield
    }) : () -> ()
    "tpu.region"() ({
      %run_scoped3A = tpu.sem_alloc : memref<!tpu.dma_semaphore, #tpu.memory_space<semaphore_mem>>
      %dma_start3A_504 = tpu.memref_slice %arg9[%mul3A_2] : memref<4096xf32, #tpu.memory_space<hbm>> -> memref<128xf32, #tpu.memory_space<hbm>>
      %dma_start3A_505 = tpu.memref_slice %arg9[%mul3A_2] : memref<4096xf32, #tpu.memory_space<hbm>> -> memref<128xf32, #tpu.memory_space<hbm>>
      tpu.enqueue_dma source(%arg23 : memref<128xf32, #tpu.memory_space<vmem>>) target(%dma_start3A_505 : memref<128xf32, #tpu.memory_space<hbm>>) target_semaphore(%run_scoped3A : memref<!tpu.dma_semaphore, #tpu.memory_space<semaphore_mem>>)
      %dma_wait3A_506 = tpu.memref_slice %arg9[%mul3A_2] : memref<4096xf32, #tpu.memory_space<hbm>> -> memref<128xf32, #tpu.memory_space<hbm>>
      %dma_wait3A_507 = tpu.memref_slice %arg9[%mul3A_2] : memref<4096xf32, #tpu.memory_space<hbm>> -> memref<128xf32, #tpu.memory_space<hbm>>
      tpu.wait_dma2 semaphore(%run_scoped3A : memref<!tpu.dma_semaphore, #tpu.memory_space<semaphore_mem>>) src(%arg23 : memref<128xf32, #tpu.memory_space<vmem>>) dst(%dma_wait3A_507 : memref<128xf32, #tpu.memory_space<hbm>>)
      tpu.yield
    }) : () -> ()
    "tpu.region"() ({
      %run_scoped3A = tpu.sem_alloc : memref<!tpu.dma_semaphore, #tpu.memory_space<semaphore_mem>>
      %dma_start3A_504 = tpu.memref_slice %arg10[%mul3A_2] : memref<4096xi32, #tpu.memory_space<hbm>> -> memref<128xi32, #tpu.memory_space<hbm>>
      %dma_start3A_505 = tpu.memref_slice %arg10[%mul3A_2] : memref<4096xi32, #tpu.memory_space<hbm>> -> memref<128xi32, #tpu.memory_space<hbm>>
      tpu.enqueue_dma source(%arg24 : memref<128xi32, #tpu.memory_space<vmem>>) target(%dma_start3A_505 : memref<128xi32, #tpu.memory_space<hbm>>) target_semaphore(%run_scoped3A : memref<!tpu.dma_semaphore, #tpu.memory_space<semaphore_mem>>)
      %dma_wait3A_506 = tpu.memref_slice %arg10[%mul3A_2] : memref<4096xi32, #tpu.memory_space<hbm>> -> memref<128xi32, #tpu.memory_space<hbm>>
      %dma_wait3A_507 = tpu.memref_slice %arg10[%mul3A_2] : memref<4096xi32, #tpu.memory_space<hbm>> -> memref<128xi32, #tpu.memory_space<hbm>>
      tpu.wait_dma2 semaphore(%run_scoped3A : memref<!tpu.dma_semaphore, #tpu.memory_space<semaphore_mem>>) src(%arg24 : memref<128xi32, #tpu.memory_space<vmem>>) dst(%dma_wait3A_507 : memref<128xi32, #tpu.memory_space<hbm>>)
      tpu.yield
    }) : () -> ()
    "tpu.region"() ({
      %run_scoped3A = tpu.sem_alloc : memref<!tpu.dma_semaphore, #tpu.memory_space<semaphore_mem>>
      %dma_start3A_504 = tpu.memref_slice %arg11[%mul3A_2] : memref<4096xi32, #tpu.memory_space<hbm>> -> memref<128xi32, #tpu.memory_space<hbm>>
      %dma_start3A_505 = tpu.memref_slice %arg11[%mul3A_2] : memref<4096xi32, #tpu.memory_space<hbm>> -> memref<128xi32, #tpu.memory_space<hbm>>
      tpu.enqueue_dma source(%arg25 : memref<128xi32, #tpu.memory_space<vmem>>) target(%dma_start3A_505 : memref<128xi32, #tpu.memory_space<hbm>>) target_semaphore(%run_scoped3A : memref<!tpu.dma_semaphore, #tpu.memory_space<semaphore_mem>>)
      %dma_wait3A_506 = tpu.memref_slice %arg11[%mul3A_2] : memref<4096xi32, #tpu.memory_space<hbm>> -> memref<128xi32, #tpu.memory_space<hbm>>
      %dma_wait3A_507 = tpu.memref_slice %arg11[%mul3A_2] : memref<4096xi32, #tpu.memory_space<hbm>> -> memref<128xi32, #tpu.memory_space<hbm>>
      tpu.wait_dma2 semaphore(%run_scoped3A : memref<!tpu.dma_semaphore, #tpu.memory_space<semaphore_mem>>) src(%arg25 : memref<128xi32, #tpu.memory_space<vmem>>) dst(%dma_wait3A_507 : memref<128xi32, #tpu.memory_space<hbm>>)
      tpu.yield
    }) : () -> ()
    "tpu.region"() ({
      %run_scoped3A = tpu.sem_alloc : memref<!tpu.dma_semaphore, #tpu.memory_space<semaphore_mem>>
      %dma_start3A_504 = tpu.memref_slice %arg12[%mul3A_2] : memref<4096xi32, #tpu.memory_space<hbm>> -> memref<128xi32, #tpu.memory_space<hbm>>
      %dma_start3A_505 = tpu.memref_slice %arg12[%mul3A_2] : memref<4096xi32, #tpu.memory_space<hbm>> -> memref<128xi32, #tpu.memory_space<hbm>>
      tpu.enqueue_dma source(%arg26 : memref<128xi32, #tpu.memory_space<vmem>>) target(%dma_start3A_505 : memref<128xi32, #tpu.memory_space<hbm>>) target_semaphore(%run_scoped3A : memref<!tpu.dma_semaphore, #tpu.memory_space<semaphore_mem>>)
      %dma_wait3A_506 = tpu.memref_slice %arg12[%mul3A_2] : memref<4096xi32, #tpu.memory_space<hbm>> -> memref<128xi32, #tpu.memory_space<hbm>>
      %dma_wait3A_507 = tpu.memref_slice %arg12[%mul3A_2] : memref<4096xi32, #tpu.memory_space<hbm>> -> memref<128xi32, #tpu.memory_space<hbm>>
      tpu.wait_dma2 semaphore(%run_scoped3A : memref<!tpu.dma_semaphore, #tpu.memory_space<semaphore_mem>>) src(%arg26 : memref<128xi32, #tpu.memory_space<vmem>>) dst(%dma_wait3A_507 : memref<128xi32, #tpu.memory_space<hbm>>)
      tpu.yield
    }) : () -> ()
    return
  }
}

#map = affine_map<(d0, d1) -> (0)>
#map1 = affine_map<(d0, d1) -> (0, 0)>
module attributes {stable_mosaic.version = 14 : i64} {
  func.func @_sc_gather_a(%arg0: i32, %arg1: i32, %arg2: memref<4096xi32, #tpu.memory_space<hbm>>, %arg3: memref<4096xi32, #tpu.memory_space<hbm>>, %arg4: memref<4096xi32, #tpu.memory_space<hbm>>, %arg5: memref<100000x128xf32, #tpu.memory_space<hbm>>, %arg6: memref<200000x128xf32, #tpu.memory_space<hbm>>, %arg7: memref<100000x128xf32, #tpu.memory_space<hbm>>, %arg8: memref<896x128xf32, #tpu.memory_space<hbm>>, %arg9: memref<4096x128xf32, #tpu.memory_space<hbm>>, %arg10: memref<4096x128xf32, #tpu.memory_space<hbm>>, %arg11: memref<4096x128xf32, #tpu.memory_space<hbm>>, %arg12: memref<4096xf32, #tpu.memory_space<hbm>>, %arg13: memref<128xi32, #tpu.memory_space<vmem>>, %arg14: memref<128xi32, #tpu.memory_space<vmem>>, %arg15: memref<128xi32, #tpu.memory_space<vmem>>, %arg16: memref<128xi32, #tpu.memory_space<vmem>>, %arg17: memref<128x128xf32, #tpu.memory_space<vmem>>, %arg18: memref<128x128xf32, #tpu.memory_space<vmem>>, %arg19: memref<128x128xf32, #tpu.memory_space<vmem>>, %arg20: memref<128x128xf32, #tpu.memory_space<vmem>>, %arg21: memref<128xf32, #tpu.memory_space<vmem>>, %arg22: memref<!tpu.dma_semaphore, #tpu.memory_space<semaphore_mem>>, %arg23: memref<!tpu.dma_semaphore, #tpu.memory_space<semaphore_mem>>) attributes {dimension_semantics = [#tpu.dimension_semantics<core_parallel>, #tpu.dimension_semantics<subcore_parallel>], iteration_bounds = array<i64: 2, 16>, scalar_prefetch = 0 : i64, scratch_operands = 11 : i64, tpu.core_type = #tpu.core_type<sc_vector_subcore>, window_params = [{transform_indices = #map}, {transform_indices = #map}, {transform_indices = #map}, {transform_indices = #map1}, {transform_indices = #map1}, {transform_indices = #map1}, {transform_indices = #map1}, {transform_indices = #map1}, {transform_indices = #map1}, {transform_indices = #map1}, {transform_indices = #map}]} {
    %mul3A = arith.constant 2 : i32
    %mul3A_0 = arith.muli %arg1, %mul3A : i32
    %add3A = arith.addi %mul3A_0, %arg0 : i32
    %mul3A_1 = arith.constant 128 : i32
    %mul3A_2 = arith.muli %add3A, %mul3A_1 : i32
    %iota3A = tpu.iota {dimensions = array<i32: 0>} : vector<16xi32>
    "tpu.region"() ({
      %run_scoped3A = tpu.sem_alloc : memref<!tpu.dma_semaphore, #tpu.memory_space<semaphore_mem>>
      %dma_start3A_164 = tpu.memref_slice %arg2[%mul3A_2] : memref<4096xi32, #tpu.memory_space<hbm>> -> memref<128xi32, #tpu.memory_space<hbm>>
      %dma_start3A_165 = tpu.memref_slice %arg2[%mul3A_2] : memref<4096xi32, #tpu.memory_space<hbm>> -> memref<128xi32, #tpu.memory_space<hbm>>
      tpu.enqueue_dma source(%dma_start3A_165 : memref<128xi32, #tpu.memory_space<hbm>>) target(%arg13 : memref<128xi32, #tpu.memory_space<vmem>>) target_semaphore(%run_scoped3A : memref<!tpu.dma_semaphore, #tpu.memory_space<semaphore_mem>>)
      %dma_wait3A_166 = tpu.memref_slice %arg2[%mul3A_2] : memref<4096xi32, #tpu.memory_space<hbm>> -> memref<128xi32, #tpu.memory_space<hbm>>
      %dma_wait3A_167 = tpu.memref_slice %arg2[%mul3A_2] : memref<4096xi32, #tpu.memory_space<hbm>> -> memref<128xi32, #tpu.memory_space<hbm>>
      tpu.wait_dma2 semaphore(%run_scoped3A : memref<!tpu.dma_semaphore, #tpu.memory_space<semaphore_mem>>) src(%dma_wait3A_167 : memref<128xi32, #tpu.memory_space<hbm>>) dst(%arg13 : memref<128xi32, #tpu.memory_space<vmem>>)
      tpu.yield
    }) : () -> ()
    "tpu.region"() ({
      %run_scoped3A = tpu.sem_alloc : memref<!tpu.dma_semaphore, #tpu.memory_space<semaphore_mem>>
      %dma_start3A_164 = tpu.memref_slice %arg3[%mul3A_2] : memref<4096xi32, #tpu.memory_space<hbm>> -> memref<128xi32, #tpu.memory_space<hbm>>
      %dma_start3A_165 = tpu.memref_slice %arg3[%mul3A_2] : memref<4096xi32, #tpu.memory_space<hbm>> -> memref<128xi32, #tpu.memory_space<hbm>>
      tpu.enqueue_dma source(%dma_start3A_165 : memref<128xi32, #tpu.memory_space<hbm>>) target(%arg14 : memref<128xi32, #tpu.memory_space<vmem>>) target_semaphore(%run_scoped3A : memref<!tpu.dma_semaphore, #tpu.memory_space<semaphore_mem>>)
      %dma_wait3A_166 = tpu.memref_slice %arg3[%mul3A_2] : memref<4096xi32, #tpu.memory_space<hbm>> -> memref<128xi32, #tpu.memory_space<hbm>>
      %dma_wait3A_167 = tpu.memref_slice %arg3[%mul3A_2] : memref<4096xi32, #tpu.memory_space<hbm>> -> memref<128xi32, #tpu.memory_space<hbm>>
      tpu.wait_dma2 semaphore(%run_scoped3A : memref<!tpu.dma_semaphore, #tpu.memory_space<semaphore_mem>>) src(%dma_wait3A_167 : memref<128xi32, #tpu.memory_space<hbm>>) dst(%arg14 : memref<128xi32, #tpu.memory_space<vmem>>)
      tpu.yield
    }) : () -> ()
    "tpu.region"() ({
      %run_scoped3A = tpu.sem_alloc : memref<!tpu.dma_semaphore, #tpu.memory_space<semaphore_mem>>
      %dma_start3A_164 = tpu.memref_slice %arg4[%mul3A_2] : memref<4096xi32, #tpu.memory_space<hbm>> -> memref<128xi32, #tpu.memory_space<hbm>>
      %dma_start3A_165 = tpu.memref_slice %arg4[%mul3A_2] : memref<4096xi32, #tpu.memory_space<hbm>> -> memref<128xi32, #tpu.memory_space<hbm>>
      tpu.enqueue_dma source(%dma_start3A_165 : memref<128xi32, #tpu.memory_space<hbm>>) target(%arg15 : memref<128xi32, #tpu.memory_space<vmem>>) target_semaphore(%run_scoped3A : memref<!tpu.dma_semaphore, #tpu.memory_space<semaphore_mem>>)
      %dma_wait3A_166 = tpu.memref_slice %arg4[%mul3A_2] : memref<4096xi32, #tpu.memory_space<hbm>> -> memref<128xi32, #tpu.memory_space<hbm>>
      %dma_wait3A_167 = tpu.memref_slice %arg4[%mul3A_2] : memref<4096xi32, #tpu.memory_space<hbm>> -> memref<128xi32, #tpu.memory_space<hbm>>
      tpu.wait_dma2 semaphore(%run_scoped3A : memref<!tpu.dma_semaphore, #tpu.memory_space<semaphore_mem>>) src(%dma_wait3A_167 : memref<128xi32, #tpu.memory_space<hbm>>) dst(%arg15 : memref<128xi32, #tpu.memory_space<vmem>>)
      tpu.yield
    }) : () -> ()
    %dma_start3A = arith.constant 0 : i32
    %dma_start3A_3 = arith.constant 0 : i32
    %dma_start3A_4 = tpu.memref_slice %arg7[%dma_start3A, %dma_start3A_3] : memref<100000x128xf32, #tpu.memory_space<hbm>> -> memref<100000x128xf32, #tpu.memory_space<hbm>>
    tpu.enqueue_indirect_dma source(%dma_start3A_4 : memref<100000x128xf32, #tpu.memory_space<hbm>>) target(%arg17 : memref<128x128xf32, #tpu.memory_space<vmem>>) offsets(%arg13 : memref<128xi32, #tpu.memory_space<vmem>>) semaphore(%arg22 : memref<!tpu.dma_semaphore, #tpu.memory_space<semaphore_mem>>)
    %dma_start3A_5 = arith.constant 0 : i32
    %dma_start3A_6 = arith.constant 0 : i32
    %dma_start3A_7 = tpu.memref_slice %arg5[%dma_start3A_5, %dma_start3A_6] : memref<100000x128xf32, #tpu.memory_space<hbm>> -> memref<100000x128xf32, #tpu.memory_space<hbm>>
    tpu.enqueue_indirect_dma source(%dma_start3A_7 : memref<100000x128xf32, #tpu.memory_space<hbm>>) target(%arg18 : memref<128x128xf32, #tpu.memory_space<vmem>>) offsets(%arg14 : memref<128xi32, #tpu.memory_space<vmem>>) semaphore(%arg22 : memref<!tpu.dma_semaphore, #tpu.memory_space<semaphore_mem>>)
    %dma_start3A_8 = arith.constant 0 : i32
    %dma_start3A_9 = arith.constant 0 : i32
    %dma_start3A_10 = tpu.memref_slice %arg6[%dma_start3A_8, %dma_start3A_9] : memref<200000x128xf32, #tpu.memory_space<hbm>> -> memref<200000x128xf32, #tpu.memory_space<hbm>>
    tpu.enqueue_indirect_dma source(%dma_start3A_10 : memref<200000x128xf32, #tpu.memory_space<hbm>>) target(%arg19 : memref<128x128xf32, #tpu.memory_space<vmem>>) offsets(%arg15 : memref<128xi32, #tpu.memory_space<vmem>>) semaphore(%arg22 : memref<!tpu.dma_semaphore, #tpu.memory_space<semaphore_mem>>)
    %get3A = arith.constant 0 : index
    %get3A_11 = tpu.vector_load %arg13[%get3A] {strides = array<i32>} : memref<128xi32, #tpu.memory_space<vmem>>, vector<16xi32>,
    %shift_right_arithmetic3A = arith.constant 7 : i32
    %shift_right_arithmetic3A_12 = vector.broadcast %shift_right_arithmetic3A : i32 to vector<16xi32>
    %shift_right_arithmetic3A_13 = arith.shrsi %get3A_11, %shift_right_arithmetic3A_12 : vector<16xi32>
    %swap3A = arith.constant 0 : index
    %swap3A_14 = tpu.vector_load %arg16[%swap3A] {strides = array<i32>} : memref<128xi32, #tpu.memory_space<vmem>>, vector<16xi32>,
    tpu.vector_store %arg16[%swap3A], %shift_right_arithmetic3A_13 {strides = array<i32>} : memref<128xi32, #tpu.memory_space<vmem>>, vector<16xi32>,
    %get3A_15 = arith.constant 16 : index
    %get3A_16 = tpu.vector_load %arg13[%get3A_15] {strides = array<i32>} : memref<128xi32, #tpu.memory_space<vmem>>, vector<16xi32>,
    %shift_right_arithmetic3A_17 = arith.constant 7 : i32
    %shift_right_arithmetic3A_18 = vector.broadcast %shift_right_arithmetic3A_17 : i32 to vector<16xi32>
    %shift_right_arithmetic3A_19 = arith.shrsi %get3A_16, %shift_right_arithmetic3A_18 : vector<16xi32>
    %swap3A_20 = arith.constant 16 : index
    %swap3A_21 = tpu.vector_load %arg16[%swap3A_20] {strides = array<i32>} : memref<128xi32, #tpu.memory_space<vmem>>, vector<16xi32>,
    tpu.vector_store %arg16[%swap3A_20], %shift_right_arithmetic3A_19 {strides = array<i32>} : memref<128xi32, #tpu.memory_space<vmem>>, vector<16xi32>,
    %get3A_22 = arith.constant 32 : index
    %get3A_23 = tpu.vector_load %arg13[%get3A_22] {strides = array<i32>} : memref<128xi32, #tpu.memory_space<vmem>>, vector<16xi32>,
    %shift_right_arithmetic3A_24 = arith.constant 7 : i32
    %shift_right_arithmetic3A_25 = vector.broadcast %shift_right_arithmetic3A_24 : i32 to vector<16xi32>
    %shift_right_arithmetic3A_26 = arith.shrsi %get3A_23, %shift_right_arithmetic3A_25 : vector<16xi32>
    %swap3A_27 = arith.constant 32 : index
    %swap3A_28 = tpu.vector_load %arg16[%swap3A_27] {strides = array<i32>} : memref<128xi32, #tpu.memory_space<vmem>>, vector<16xi32>,
    tpu.vector_store %arg16[%swap3A_27], %shift_right_arithmetic3A_26 {strides = array<i32>} : memref<128xi32, #tpu.memory_space<vmem>>, vector<16xi32>,
    %get3A_29 = arith.constant 48 : index
    %get3A_30 = tpu.vector_load %arg13[%get3A_29] {strides = array<i32>} : memref<128xi32, #tpu.memory_space<vmem>>, vector<16xi32>,
    %shift_right_arithmetic3A_31 = arith.constant 7 : i32
    %shift_right_arithmetic3A_32 = vector.broadcast %shift_right_arithmetic3A_31 : i32 to vector<16xi32>
    %shift_right_arithmetic3A_33 = arith.shrsi %get3A_30, %shift_right_arithmetic3A_32 : vector<16xi32>
    %swap3A_34 = arith.constant 48 : index
    %swap3A_35 = tpu.vector_load %arg16[%swap3A_34] {strides = array<i32>} : memref<128xi32, #tpu.memory_space<vmem>>, vector<16xi32>,
    tpu.vector_store %arg16[%swap3A_34], %shift_right_arithmetic3A_33 {strides = array<i32>} : memref<128xi32, #tpu.memory_space<vmem>>, vector<16xi32>,
    %get3A_36 = arith.constant 64 : index
    %get3A_37 = tpu.vector_load %arg13[%get3A_36] {strides = array<i32>} : memref<128xi32, #tpu.memory_space<vmem>>, vector<16xi32>,
    %shift_right_arithmetic3A_38 = arith.constant 7 : i32
    %shift_right_arithmetic3A_39 = vector.broadcast %shift_right_arithmetic3A_38 : i32 to vector<16xi32>
    %shift_right_arithmetic3A_40 = arith.shrsi %get3A_37, %shift_right_arithmetic3A_39 : vector<16xi32>
    %swap3A_41 = arith.constant 64 : index
    %swap3A_42 = tpu.vector_load %arg16[%swap3A_41] {strides = array<i32>} : memref<128xi32, #tpu.memory_space<vmem>>, vector<16xi32>,
    tpu.vector_store %arg16[%swap3A_41], %shift_right_arithmetic3A_40 {strides = array<i32>} : memref<128xi32, #tpu.memory_space<vmem>>, vector<16xi32>,
    %get3A_43 = arith.constant 80 : index
    %get3A_44 = tpu.vector_load %arg13[%get3A_43] {strides = array<i32>} : memref<128xi32, #tpu.memory_space<vmem>>, vector<16xi32>,
    %shift_right_arithmetic3A_45 = arith.constant 7 : i32
    %shift_right_arithmetic3A_46 = vector.broadcast %shift_right_arithmetic3A_45 : i32 to vector<16xi32>
    %shift_right_arithmetic3A_47 = arith.shrsi %get3A_44, %shift_right_arithmetic3A_46 : vector<16xi32>
    %swap3A_48 = arith.constant 80 : index
    %swap3A_49 = tpu.vector_load %arg16[%swap3A_48] {strides = array<i32>} : memref<128xi32, #tpu.memory_space<vmem>>, vector<16xi32>,
    tpu.vector_store %arg16[%swap3A_48], %shift_right_arithmetic3A_47 {strides = array<i32>} : memref<128xi32, #tpu.memory_space<vmem>>, vector<16xi32>,
    %get3A_50 = arith.constant 96 : index
    %get3A_51 = tpu.vector_load %arg13[%get3A_50] {strides = array<i32>} : memref<128xi32, #tpu.memory_space<vmem>>, vector<16xi32>,
    %shift_right_arithmetic3A_52 = arith.constant 7 : i32
    %shift_right_arithmetic3A_53 = vector.broadcast %shift_right_arithmetic3A_52 : i32 to vector<16xi32>
    %shift_right_arithmetic3A_54 = arith.shrsi %get3A_51, %shift_right_arithmetic3A_53 : vector<16xi32>
    %swap3A_55 = arith.constant 96 : index
    %swap3A_56 = tpu.vector_load %arg16[%swap3A_55] {strides = array<i32>} : memref<128xi32, #tpu.memory_space<vmem>>, vector<16xi32>,
    tpu.vector_store %arg16[%swap3A_55], %shift_right_arithmetic3A_54 {strides = array<i32>} : memref<128xi32, #tpu.memory_space<vmem>>, vector<16xi32>,
    %get3A_57 = arith.constant 112 : index
    %get3A_58 = tpu.vector_load %arg13[%get3A_57] {strides = array<i32>} : memref<128xi32, #tpu.memory_space<vmem>>, vector<16xi32>,
    %shift_right_arithmetic3A_59 = arith.constant 7 : i32
    %shift_right_arithmetic3A_60 = vector.broadcast %shift_right_arithmetic3A_59 : i32 to vector<16xi32>
    %shift_right_arithmetic3A_61 = arith.shrsi %get3A_58, %shift_right_arithmetic3A_60 : vector<16xi32>
    %swap3A_62 = arith.constant 112 : index
    %swap3A_63 = tpu.vector_load %arg16[%swap3A_62] {strides = array<i32>} : memref<128xi32, #tpu.memory_space<vmem>>, vector<16xi32>,
    tpu.vector_store %arg16[%swap3A_62], %shift_right_arithmetic3A_61 {strides = array<i32>} : memref<128xi32, #tpu.memory_space<vmem>>, vector<16xi32>,
    %dma_start3A_64 = arith.constant 0 : i32
    %dma_start3A_65 = arith.constant 0 : i32
    %dma_start3A_66 = tpu.memref_slice %arg8[%dma_start3A_64, %dma_start3A_65] : memref<896x128xf32, #tpu.memory_space<hbm>> -> memref<896x128xf32, #tpu.memory_space<hbm>>
    tpu.enqueue_indirect_dma source(%dma_start3A_66 : memref<896x128xf32, #tpu.memory_space<hbm>>) target(%arg20 : memref<128x128xf32, #tpu.memory_space<vmem>>) offsets(%arg16 : memref<128xi32, #tpu.memory_space<vmem>>) semaphore(%arg23 : memref<!tpu.dma_semaphore, #tpu.memory_space<semaphore_mem>>)
    %dma_wait3A = arith.constant 0 : i32
    %dma_wait3A_67 = arith.constant 0 : i32
    %dma_wait3A_68 = tpu.memref_slice %arg8[%dma_wait3A, %dma_wait3A_67] : memref<896x128xf32, #tpu.memory_space<hbm>> -> memref<896x128xf32, #tpu.memory_space<hbm>>
    tpu.wait_indirect_dma semaphore(%arg23 : memref<!tpu.dma_semaphore, #tpu.memory_space<semaphore_mem>>) src(%dma_wait3A_68 : memref<896x128xf32, #tpu.memory_space<hbm>>) dst(%arg20 : memref<128x128xf32, #tpu.memory_space<vmem>>)
    %add3A_69 = arith.constant 0 : i32
    %add3A_70 = vector.broadcast %add3A_69 : i32 to vector<16xi32>
    %add3A_71 = arith.addi %add3A_70, %iota3A : vector<16xi32>
    %get3A_72 = arith.constant 0 : index
    %get3A_73 = tpu.vector_load %arg13[%get3A_72] {strides = array<i32>} : memref<128xi32, #tpu.memory_space<vmem>>, vector<16xi32>,
    %and3A = arith.constant 127 : i32
    %and3A_74 = vector.broadcast %and3A : i32 to vector<16xi32>
    %and3A_75 = arith.andi %get3A_73, %and3A_74 : vector<16xi32>
    %gather3A = tpu.vector_load_idx %arg20[%add3A_71, %and3A_75] : memref<128x128xf32, #tpu.memory_space<vmem>>[vector<16xi32>, vector<16xi32>], vector<16xf32>,
    %swap3A_76 = arith.constant 0 : index
    %swap3A_77 = tpu.vector_load %arg21[%swap3A_76] {strides = array<i32>} : memref<128xf32, #tpu.memory_space<vmem>>, vector<16xf32>,
    tpu.vector_store %arg21[%swap3A_76], %gather3A {strides = array<i32>} : memref<128xf32, #tpu.memory_space<vmem>>, vector<16xf32>,
    %add3A_78 = arith.constant 16 : i32
    %add3A_79 = vector.broadcast %add3A_78 : i32 to vector<16xi32>
    %add3A_80 = arith.addi %add3A_79, %iota3A : vector<16xi32>
    %get3A_81 = arith.constant 16 : index
    %get3A_82 = tpu.vector_load %arg13[%get3A_81] {strides = array<i32>} : memref<128xi32, #tpu.memory_space<vmem>>, vector<16xi32>,
    %and3A_83 = arith.constant 127 : i32
    %and3A_84 = vector.broadcast %and3A_83 : i32 to vector<16xi32>
    %and3A_85 = arith.andi %get3A_82, %and3A_84 : vector<16xi32>
    %gather3A_86 = tpu.vector_load_idx %arg20[%add3A_80, %and3A_85] : memref<128x128xf32, #tpu.memory_space<vmem>>[vector<16xi32>, vector<16xi32>], vector<16xf32>,
    %swap3A_87 = arith.constant 16 : index
    %swap3A_88 = tpu.vector_load %arg21[%swap3A_87] {strides = array<i32>} : memref<128xf32, #tpu.memory_space<vmem>>, vector<16xf32>,
    tpu.vector_store %arg21[%swap3A_87], %gather3A_86 {strides = array<i32>} : memref<128xf32, #tpu.memory_space<vmem>>, vector<16xf32>,
    %add3A_89 = arith.constant 32 : i32
    %add3A_90 = vector.broadcast %add3A_89 : i32 to vector<16xi32>
    %add3A_91 = arith.addi %add3A_90, %iota3A : vector<16xi32>
    %get3A_92 = arith.constant 32 : index
    %get3A_93 = tpu.vector_load %arg13[%get3A_92] {strides = array<i32>} : memref<128xi32, #tpu.memory_space<vmem>>, vector<16xi32>,
    %and3A_94 = arith.constant 127 : i32
    %and3A_95 = vector.broadcast %and3A_94 : i32 to vector<16xi32>
    %and3A_96 = arith.andi %get3A_93, %and3A_95 : vector<16xi32>
    %gather3A_97 = tpu.vector_load_idx %arg20[%add3A_91, %and3A_96] : memref<128x128xf32, #tpu.memory_space<vmem>>[vector<16xi32>, vector<16xi32>], vector<16xf32>,
    %swap3A_98 = arith.constant 32 : index
    %swap3A_99 = tpu.vector_load %arg21[%swap3A_98] {strides = array<i32>} : memref<128xf32, #tpu.memory_space<vmem>>, vector<16xf32>,
    tpu.vector_store %arg21[%swap3A_98], %gather3A_97 {strides = array<i32>} : memref<128xf32, #tpu.memory_space<vmem>>, vector<16xf32>,
    %add3A_100 = arith.constant 48 : i32
    %add3A_101 = vector.broadcast %add3A_100 : i32 to vector<16xi32>
    %add3A_102 = arith.addi %add3A_101, %iota3A : vector<16xi32>
    %get3A_103 = arith.constant 48 : index
    %get3A_104 = tpu.vector_load %arg13[%get3A_103] {strides = array<i32>} : memref<128xi32, #tpu.memory_space<vmem>>, vector<16xi32>,
    %and3A_105 = arith.constant 127 : i32
    %and3A_106 = vector.broadcast %and3A_105 : i32 to vector<16xi32>
    %and3A_107 = arith.andi %get3A_104, %and3A_106 : vector<16xi32>
    %gather3A_108 = tpu.vector_load_idx %arg20[%add3A_102, %and3A_107] : memref<128x128xf32, #tpu.memory_space<vmem>>[vector<16xi32>, vector<16xi32>], vector<16xf32>,
    %swap3A_109 = arith.constant 48 : index
    %swap3A_110 = tpu.vector_load %arg21[%swap3A_109] {strides = array<i32>} : memref<128xf32, #tpu.memory_space<vmem>>, vector<16xf32>,
    tpu.vector_store %arg21[%swap3A_109], %gather3A_108 {strides = array<i32>} : memref<128xf32, #tpu.memory_space<vmem>>, vector<16xf32>,
    %add3A_111 = arith.constant 64 : i32
    %add3A_112 = vector.broadcast %add3A_111 : i32 to vector<16xi32>
    %add3A_113 = arith.addi %add3A_112, %iota3A : vector<16xi32>
    %get3A_114 = arith.constant 64 : index
    %get3A_115 = tpu.vector_load %arg13[%get3A_114] {strides = array<i32>} : memref<128xi32, #tpu.memory_space<vmem>>, vector<16xi32>,
    %and3A_116 = arith.constant 127 : i32
    %and3A_117 = vector.broadcast %and3A_116 : i32 to vector<16xi32>
    %and3A_118 = arith.andi %get3A_115, %and3A_117 : vector<16xi32>
    %gather3A_119 = tpu.vector_load_idx %arg20[%add3A_113, %and3A_118] : memref<128x128xf32, #tpu.memory_space<vmem>>[vector<16xi32>, vector<16xi32>], vector<16xf32>,
    %swap3A_120 = arith.constant 64 : index
    %swap3A_121 = tpu.vector_load %arg21[%swap3A_120] {strides = array<i32>} : memref<128xf32, #tpu.memory_space<vmem>>, vector<16xf32>,
    tpu.vector_store %arg21[%swap3A_120], %gather3A_119 {strides = array<i32>} : memref<128xf32, #tpu.memory_space<vmem>>, vector<16xf32>,
    %add3A_122 = arith.constant 80 : i32
    %add3A_123 = vector.broadcast %add3A_122 : i32 to vector<16xi32>
    %add3A_124 = arith.addi %add3A_123, %iota3A : vector<16xi32>
    %get3A_125 = arith.constant 80 : index
    %get3A_126 = tpu.vector_load %arg13[%get3A_125] {strides = array<i32>} : memref<128xi32, #tpu.memory_space<vmem>>, vector<16xi32>,
    %and3A_127 = arith.constant 127 : i32
    %and3A_128 = vector.broadcast %and3A_127 : i32 to vector<16xi32>
    %and3A_129 = arith.andi %get3A_126, %and3A_128 : vector<16xi32>
    %gather3A_130 = tpu.vector_load_idx %arg20[%add3A_124, %and3A_129] : memref<128x128xf32, #tpu.memory_space<vmem>>[vector<16xi32>, vector<16xi32>], vector<16xf32>,
    %swap3A_131 = arith.constant 80 : index
    %swap3A_132 = tpu.vector_load %arg21[%swap3A_131] {strides = array<i32>} : memref<128xf32, #tpu.memory_space<vmem>>, vector<16xf32>,
    tpu.vector_store %arg21[%swap3A_131], %gather3A_130 {strides = array<i32>} : memref<128xf32, #tpu.memory_space<vmem>>, vector<16xf32>,
    %add3A_133 = arith.constant 96 : i32
    %add3A_134 = vector.broadcast %add3A_133 : i32 to vector<16xi32>
    %add3A_135 = arith.addi %add3A_134, %iota3A : vector<16xi32>
    %get3A_136 = arith.constant 96 : index
    %get3A_137 = tpu.vector_load %arg13[%get3A_136] {strides = array<i32>} : memref<128xi32, #tpu.memory_space<vmem>>, vector<16xi32>,
    %and3A_138 = arith.constant 127 : i32
    %and3A_139 = vector.broadcast %and3A_138 : i32 to vector<16xi32>
    %and3A_140 = arith.andi %get3A_137, %and3A_139 : vector<16xi32>
    %gather3A_141 = tpu.vector_load_idx %arg20[%add3A_135, %and3A_140] : memref<128x128xf32, #tpu.memory_space<vmem>>[vector<16xi32>, vector<16xi32>], vector<16xf32>,
    %swap3A_142 = arith.constant 96 : index
    %swap3A_143 = tpu.vector_load %arg21[%swap3A_142] {strides = array<i32>} : memref<128xf32, #tpu.memory_space<vmem>>, vector<16xf32>,
    tpu.vector_store %arg21[%swap3A_142], %gather3A_141 {strides = array<i32>} : memref<128xf32, #tpu.memory_space<vmem>>, vector<16xf32>,
    %add3A_144 = arith.constant 112 : i32
    %add3A_145 = vector.broadcast %add3A_144 : i32 to vector<16xi32>
    %add3A_146 = arith.addi %add3A_145, %iota3A : vector<16xi32>
    %get3A_147 = arith.constant 112 : index
    %get3A_148 = tpu.vector_load %arg13[%get3A_147] {strides = array<i32>} : memref<128xi32, #tpu.memory_space<vmem>>, vector<16xi32>,
    %and3A_149 = arith.constant 127 : i32
    %and3A_150 = vector.broadcast %and3A_149 : i32 to vector<16xi32>
    %and3A_151 = arith.andi %get3A_148, %and3A_150 : vector<16xi32>
    %gather3A_152 = tpu.vector_load_idx %arg20[%add3A_146, %and3A_151] : memref<128x128xf32, #tpu.memory_space<vmem>>[vector<16xi32>, vector<16xi32>], vector<16xf32>,
    %swap3A_153 = arith.constant 112 : index
    %swap3A_154 = tpu.vector_load %arg21[%swap3A_153] {strides = array<i32>} : memref<128xf32, #tpu.memory_space<vmem>>, vector<16xf32>,
    tpu.vector_store %arg21[%swap3A_153], %gather3A_152 {strides = array<i32>} : memref<128xf32, #tpu.memory_space<vmem>>, vector<16xf32>,
    %dma_wait3A_155 = arith.constant 0 : i32
    %dma_wait3A_156 = arith.constant 0 : i32
    %dma_wait3A_157 = tpu.memref_slice %arg7[%dma_wait3A_155, %dma_wait3A_156] : memref<100000x128xf32, #tpu.memory_space<hbm>> -> memref<100000x128xf32, #tpu.memory_space<hbm>>
    tpu.wait_indirect_dma semaphore(%arg22 : memref<!tpu.dma_semaphore, #tpu.memory_space<semaphore_mem>>) src(%dma_wait3A_157 : memref<100000x128xf32, #tpu.memory_space<hbm>>) dst(%arg17 : memref<128x128xf32, #tpu.memory_space<vmem>>)
    %dma_wait3A_158 = arith.constant 0 : i32
    %dma_wait3A_159 = arith.constant 0 : i32
    %dma_wait3A_160 = tpu.memref_slice %arg5[%dma_wait3A_158, %dma_wait3A_159] : memref<100000x128xf32, #tpu.memory_space<hbm>> -> memref<100000x128xf32, #tpu.memory_space<hbm>>
    tpu.wait_indirect_dma semaphore(%arg22 : memref<!tpu.dma_semaphore, #tpu.memory_space<semaphore_mem>>) src(%dma_wait3A_160 : memref<100000x128xf32, #tpu.memory_space<hbm>>) dst(%arg18 : memref<128x128xf32, #tpu.memory_space<vmem>>)
    %dma_wait3A_161 = arith.constant 0 : i32
    %dma_wait3A_162 = arith.constant 0 : i32
    %dma_wait3A_163 = tpu.memref_slice %arg6[%dma_wait3A_161, %dma_wait3A_162] : memref<200000x128xf32, #tpu.memory_space<hbm>> -> memref<200000x128xf32, #tpu.memory_space<hbm>>
    tpu.wait_indirect_dma semaphore(%arg22 : memref<!tpu.dma_semaphore, #tpu.memory_space<semaphore_mem>>) src(%dma_wait3A_163 : memref<200000x128xf32, #tpu.memory_space<hbm>>) dst(%arg19 : memref<128x128xf32, #tpu.memory_space<vmem>>)
    "tpu.region"() ({
      %run_scoped3A = tpu.sem_alloc : memref<!tpu.dma_semaphore, #tpu.memory_space<semaphore_mem>>
      %dma_start3A_164 = arith.constant 0 : i32
      %dma_start3A_165 = tpu.memref_slice %arg9[%mul3A_2, %dma_start3A_164] : memref<4096x128xf32, #tpu.memory_space<hbm>> -> memref<128x128xf32, #tpu.memory_space<hbm>>
      %dma_start3A_166 = arith.constant 0 : i32
      %dma_start3A_167 = tpu.memref_slice %arg9[%mul3A_2, %dma_start3A_166] : memref<4096x128xf32, #tpu.memory_space<hbm>> -> memref<128x128xf32, #tpu.memory_space<hbm>>
      tpu.enqueue_dma source(%arg17 : memref<128x128xf32, #tpu.memory_space<vmem>>) target(%dma_start3A_167 : memref<128x128xf32, #tpu.memory_space<hbm>>) target_semaphore(%run_scoped3A : memref<!tpu.dma_semaphore, #tpu.memory_space<semaphore_mem>>)
      %dma_wait3A_168 = arith.constant 0 : i32
      %dma_wait3A_169 = tpu.memref_slice %arg9[%mul3A_2, %dma_wait3A_168] : memref<4096x128xf32, #tpu.memory_space<hbm>> -> memref<128x128xf32, #tpu.memory_space<hbm>>
      %dma_wait3A_170 = arith.constant 0 : i32
      %dma_wait3A_171 = tpu.memref_slice %arg9[%mul3A_2, %dma_wait3A_170] : memref<4096x128xf32, #tpu.memory_space<hbm>> -> memref<128x128xf32, #tpu.memory_space<hbm>>
      tpu.wait_dma2 semaphore(%run_scoped3A : memref<!tpu.dma_semaphore, #tpu.memory_space<semaphore_mem>>) src(%arg17 : memref<128x128xf32, #tpu.memory_space<vmem>>) dst(%dma_wait3A_171 : memref<128x128xf32, #tpu.memory_space<hbm>>)
      tpu.yield
    }) : () -> ()
    "tpu.region"() ({
      %run_scoped3A = tpu.sem_alloc : memref<!tpu.dma_semaphore, #tpu.memory_space<semaphore_mem>>
      %dma_start3A_164 = arith.constant 0 : i32
      %dma_start3A_165 = tpu.memref_slice %arg10[%mul3A_2, %dma_start3A_164] : memref<4096x128xf32, #tpu.memory_space<hbm>> -> memref<128x128xf32, #tpu.memory_space<hbm>>
      %dma_start3A_166 = arith.constant 0 : i32
      %dma_start3A_167 = tpu.memref_slice %arg10[%mul3A_2, %dma_start3A_166] : memref<4096x128xf32, #tpu.memory_space<hbm>> -> memref<128x128xf32, #tpu.memory_space<hbm>>
      tpu.enqueue_dma source(%arg18 : memref<128x128xf32, #tpu.memory_space<vmem>>) target(%dma_start3A_167 : memref<128x128xf32, #tpu.memory_space<hbm>>) target_semaphore(%run_scoped3A : memref<!tpu.dma_semaphore, #tpu.memory_space<semaphore_mem>>)
      %dma_wait3A_168 = arith.constant 0 : i32
      %dma_wait3A_169 = tpu.memref_slice %arg10[%mul3A_2, %dma_wait3A_168] : memref<4096x128xf32, #tpu.memory_space<hbm>> -> memref<128x128xf32, #tpu.memory_space<hbm>>
      %dma_wait3A_170 = arith.constant 0 : i32
      %dma_wait3A_171 = tpu.memref_slice %arg10[%mul3A_2, %dma_wait3A_170] : memref<4096x128xf32, #tpu.memory_space<hbm>> -> memref<128x128xf32, #tpu.memory_space<hbm>>
      tpu.wait_dma2 semaphore(%run_scoped3A : memref<!tpu.dma_semaphore, #tpu.memory_space<semaphore_mem>>) src(%arg18 : memref<128x128xf32, #tpu.memory_space<vmem>>) dst(%dma_wait3A_171 : memref<128x128xf32, #tpu.memory_space<hbm>>)
      tpu.yield
    }) : () -> ()
    "tpu.region"() ({
      %run_scoped3A = tpu.sem_alloc : memref<!tpu.dma_semaphore, #tpu.memory_space<semaphore_mem>>
      %dma_start3A_164 = arith.constant 0 : i32
      %dma_start3A_165 = tpu.memref_slice %arg11[%mul3A_2, %dma_start3A_164] : memref<4096x128xf32, #tpu.memory_space<hbm>> -> memref<128x128xf32, #tpu.memory_space<hbm>>
      %dma_start3A_166 = arith.constant 0 : i32
      %dma_start3A_167 = tpu.memref_slice %arg11[%mul3A_2, %dma_start3A_166] : memref<4096x128xf32, #tpu.memory_space<hbm>> -> memref<128x128xf32, #tpu.memory_space<hbm>>
      tpu.enqueue_dma source(%arg19 : memref<128x128xf32, #tpu.memory_space<vmem>>) target(%dma_start3A_167 : memref<128x128xf32, #tpu.memory_space<hbm>>) target_semaphore(%run_scoped3A : memref<!tpu.dma_semaphore, #tpu.memory_space<semaphore_mem>>)
      %dma_wait3A_168 = arith.constant 0 : i32
      %dma_wait3A_169 = tpu.memref_slice %arg11[%mul3A_2, %dma_wait3A_168] : memref<4096x128xf32, #tpu.memory_space<hbm>> -> memref<128x128xf32, #tpu.memory_space<hbm>>
      %dma_wait3A_170 = arith.constant 0 : i32
      %dma_wait3A_171 = tpu.memref_slice %arg11[%mul3A_2, %dma_wait3A_170] : memref<4096x128xf32, #tpu.memory_space<hbm>> -> memref<128x128xf32, #tpu.memory_space<hbm>>
      tpu.wait_dma2 semaphore(%run_scoped3A : memref<!tpu.dma_semaphore, #tpu.memory_space<semaphore_mem>>) src(%arg19 : memref<128x128xf32, #tpu.memory_space<vmem>>) dst(%dma_wait3A_171 : memref<128x128xf32, #tpu.memory_space<hbm>>)
      tpu.yield
    }) : () -> ()
    "tpu.region"() ({
      %run_scoped3A = tpu.sem_alloc : memref<!tpu.dma_semaphore, #tpu.memory_space<semaphore_mem>>
      %dma_start3A_164 = tpu.memref_slice %arg12[%mul3A_2] : memref<4096xf32, #tpu.memory_space<hbm>> -> memref<128xf32, #tpu.memory_space<hbm>>
      %dma_start3A_165 = tpu.memref_slice %arg12[%mul3A_2] : memref<4096xf32, #tpu.memory_space<hbm>> -> memref<128xf32, #tpu.memory_space<hbm>>
      tpu.enqueue_dma source(%arg21 : memref<128xf32, #tpu.memory_space<vmem>>) target(%dma_start3A_165 : memref<128xf32, #tpu.memory_space<hbm>>) target_semaphore(%run_scoped3A : memref<!tpu.dma_semaphore, #tpu.memory_space<semaphore_mem>>)
      %dma_wait3A_166 = tpu.memref_slice %arg12[%mul3A_2] : memref<4096xf32, #tpu.memory_space<hbm>> -> memref<128xf32, #tpu.memory_space<hbm>>
      %dma_wait3A_167 = tpu.memref_slice %arg12[%mul3A_2] : memref<4096xf32, #tpu.memory_space<hbm>> -> memref<128xf32, #tpu.memory_space<hbm>>
      tpu.wait_dma2 semaphore(%run_scoped3A : memref<!tpu.dma_semaphore, #tpu.memory_space<semaphore_mem>>) src(%arg21 : memref<128xf32, #tpu.memory_space<vmem>>) dst(%dma_wait3A_167 : memref<128xf32, #tpu.memory_space<hbm>>)
      tpu.yield
    }) : () -> ()
    return
  }
}

#map = affine_map<(d0, d1) -> (0, 0)>
#map1 = affine_map<(d0, d1) -> (0)>
module attributes {stable_mosaic.version = 14 : i64} {
  func.func @_sc_permute_rows(%arg0: i32, %arg1: i32, %arg2: memref<4096x128xf32, #tpu.memory_space<hbm>>, %arg3: memref<4096xf32, #tpu.memory_space<hbm>>, %arg4: memref<4096xi32, #tpu.memory_space<hbm>>, %arg5: memref<4096xi32, #tpu.memory_space<hbm>>, %arg6: memref<4096x128xf32, #tpu.memory_space<hbm>>, %arg7: memref<4096x128xf32, #tpu.memory_space<hbm>>, %arg8: memref<4096xf32, #tpu.memory_space<hbm>>, %arg9: memref<4096xf32, #tpu.memory_space<hbm>>, %arg10: memref<128xi32, #tpu.memory_space<vmem>>, %arg11: memref<128xi32, #tpu.memory_space<vmem>>, %arg12: memref<4096xf32, #tpu.memory_space<vmem>>, %arg13: memref<128x128xf32, #tpu.memory_space<vmem>>, %arg14: memref<128x128xf32, #tpu.memory_space<vmem>>, %arg15: memref<128xf32, #tpu.memory_space<vmem>>, %arg16: memref<128xf32, #tpu.memory_space<vmem>>, %arg17: memref<!tpu.dma_semaphore, #tpu.memory_space<semaphore_mem>>) attributes {dimension_semantics = [#tpu.dimension_semantics<core_parallel>, #tpu.dimension_semantics<subcore_parallel>], iteration_bounds = array<i64: 2, 16>, scalar_prefetch = 0 : i64, scratch_operands = 8 : i64, tpu.core_type = #tpu.core_type<sc_vector_subcore>, window_params = [{transform_indices = #map}, {transform_indices = #map1}, {transform_indices = #map1}, {transform_indices = #map1}, {transform_indices = #map}, {transform_indices = #map}, {transform_indices = #map1}, {transform_indices = #map1}]} {
    %mul3A = arith.constant 2 : i32
    %mul3A_0 = arith.muli %arg1, %mul3A : i32
    %add3A = arith.addi %mul3A_0, %arg0 : i32
    %mul3A_1 = arith.constant 128 : i32
    %mul3A_2 = arith.muli %add3A, %mul3A_1 : i32
    "tpu.region"() ({
      %run_scoped3A = tpu.sem_alloc : memref<!tpu.dma_semaphore, #tpu.memory_space<semaphore_mem>>
      %dma_start3A_90 = tpu.memref_slice %arg4[%mul3A_2] : memref<4096xi32, #tpu.memory_space<hbm>> -> memref<128xi32, #tpu.memory_space<hbm>>
      %dma_start3A_91 = tpu.memref_slice %arg4[%mul3A_2] : memref<4096xi32, #tpu.memory_space<hbm>> -> memref<128xi32, #tpu.memory_space<hbm>>
      tpu.enqueue_dma source(%dma_start3A_91 : memref<128xi32, #tpu.memory_space<hbm>>) target(%arg10 : memref<128xi32, #tpu.memory_space<vmem>>) target_semaphore(%run_scoped3A : memref<!tpu.dma_semaphore, #tpu.memory_space<semaphore_mem>>)
      %dma_wait3A_92 = tpu.memref_slice %arg4[%mul3A_2] : memref<4096xi32, #tpu.memory_space<hbm>> -> memref<128xi32, #tpu.memory_space<hbm>>
      %dma_wait3A_93 = tpu.memref_slice %arg4[%mul3A_2] : memref<4096xi32, #tpu.memory_space<hbm>> -> memref<128xi32, #tpu.memory_space<hbm>>
      tpu.wait_dma2 semaphore(%run_scoped3A : memref<!tpu.dma_semaphore, #tpu.memory_space<semaphore_mem>>) src(%dma_wait3A_93 : memref<128xi32, #tpu.memory_space<hbm>>) dst(%arg10 : memref<128xi32, #tpu.memory_space<vmem>>)
      tpu.yield
    }) : () -> ()
    "tpu.region"() ({
      %run_scoped3A = tpu.sem_alloc : memref<!tpu.dma_semaphore, #tpu.memory_space<semaphore_mem>>
      %dma_start3A_90 = tpu.memref_slice %arg5[%mul3A_2] : memref<4096xi32, #tpu.memory_space<hbm>> -> memref<128xi32, #tpu.memory_space<hbm>>
      %dma_start3A_91 = tpu.memref_slice %arg5[%mul3A_2] : memref<4096xi32, #tpu.memory_space<hbm>> -> memref<128xi32, #tpu.memory_space<hbm>>
      tpu.enqueue_dma source(%dma_start3A_91 : memref<128xi32, #tpu.memory_space<hbm>>) target(%arg11 : memref<128xi32, #tpu.memory_space<vmem>>) target_semaphore(%run_scoped3A : memref<!tpu.dma_semaphore, #tpu.memory_space<semaphore_mem>>)
      %dma_wait3A_92 = tpu.memref_slice %arg5[%mul3A_2] : memref<4096xi32, #tpu.memory_space<hbm>> -> memref<128xi32, #tpu.memory_space<hbm>>
      %dma_wait3A_93 = tpu.memref_slice %arg5[%mul3A_2] : memref<4096xi32, #tpu.memory_space<hbm>> -> memref<128xi32, #tpu.memory_space<hbm>>
      tpu.wait_dma2 semaphore(%run_scoped3A : memref<!tpu.dma_semaphore, #tpu.memory_space<semaphore_mem>>) src(%dma_wait3A_93 : memref<128xi32, #tpu.memory_space<hbm>>) dst(%arg11 : memref<128xi32, #tpu.memory_space<vmem>>)
      tpu.yield
    }) : () -> ()
    "tpu.region"() ({
      %run_scoped3A = tpu.sem_alloc : memref<!tpu.dma_semaphore, #tpu.memory_space<semaphore_mem>>
      tpu.enqueue_dma source(%arg3 : memref<4096xf32, #tpu.memory_space<hbm>>) target(%arg12 : memref<4096xf32, #tpu.memory_space<vmem>>) target_semaphore(%run_scoped3A : memref<!tpu.dma_semaphore, #tpu.memory_space<semaphore_mem>>)
      tpu.wait_dma2 semaphore(%run_scoped3A : memref<!tpu.dma_semaphore, #tpu.memory_space<semaphore_mem>>) src(%arg3 : memref<4096xf32, #tpu.memory_space<hbm>>) dst(%arg12 : memref<4096xf32, #tpu.memory_space<vmem>>)
      tpu.yield
    }) : () -> ()
    %dma_start3A = arith.constant 0 : i32
    %dma_start3A_3 = arith.constant 0 : i32
    %dma_start3A_4 = tpu.memref_slice %arg2[%dma_start3A, %dma_start3A_3] : memref<4096x128xf32, #tpu.memory_space<hbm>> -> memref<4096x128xf32, #tpu.memory_space<hbm>>
    tpu.enqueue_indirect_dma source(%dma_start3A_4 : memref<4096x128xf32, #tpu.memory_space<hbm>>) target(%arg13 : memref<128x128xf32, #tpu.memory_space<vmem>>) offsets(%arg10 : memref<128xi32, #tpu.memory_space<vmem>>) semaphore(%arg17 : memref<!tpu.dma_semaphore, #tpu.memory_space<semaphore_mem>>)
    %dma_start3A_5 = arith.constant 0 : i32
    %dma_start3A_6 = arith.constant 0 : i32
    %dma_start3A_7 = tpu.memref_slice %arg2[%dma_start3A_5, %dma_start3A_6] : memref<4096x128xf32, #tpu.memory_space<hbm>> -> memref<4096x128xf32, #tpu.memory_space<hbm>>
    tpu.enqueue_indirect_dma source(%dma_start3A_7 : memref<4096x128xf32, #tpu.memory_space<hbm>>) target(%arg14 : memref<128x128xf32, #tpu.memory_space<vmem>>) offsets(%arg11 : memref<128xi32, #tpu.memory_space<vmem>>) semaphore(%arg17 : memref<!tpu.dma_semaphore, #tpu.memory_space<semaphore_mem>>)
    %get3A = arith.constant 0 : index
    %get3A_8 = tpu.vector_load %arg10[%get3A] {strides = array<i32>} : memref<128xi32, #tpu.memory_space<vmem>>, vector<16xi32>,
    %gather3A = tpu.vector_load_idx %arg12[%get3A_8] : memref<4096xf32, #tpu.memory_space<vmem>>[vector<16xi32>], vector<16xf32>,
    %swap3A = arith.constant 0 : index
    %swap3A_9 = tpu.vector_load %arg15[%swap3A] {strides = array<i32>} : memref<128xf32, #tpu.memory_space<vmem>>, vector<16xf32>,
    tpu.vector_store %arg15[%swap3A], %gather3A {strides = array<i32>} : memref<128xf32, #tpu.memory_space<vmem>>, vector<16xf32>,
    %get3A_10 = arith.constant 0 : index
    %get3A_11 = tpu.vector_load %arg11[%get3A_10] {strides = array<i32>} : memref<128xi32, #tpu.memory_space<vmem>>, vector<16xi32>,
    %gather3A_12 = tpu.vector_load_idx %arg12[%get3A_11] : memref<4096xf32, #tpu.memory_space<vmem>>[vector<16xi32>], vector<16xf32>,
    %swap3A_13 = arith.constant 0 : index
    %swap3A_14 = tpu.vector_load %arg16[%swap3A_13] {strides = array<i32>} : memref<128xf32, #tpu.memory_space<vmem>>, vector<16xf32>,
    tpu.vector_store %arg16[%swap3A_13], %gather3A_12 {strides = array<i32>} : memref<128xf32, #tpu.memory_space<vmem>>, vector<16xf32>,
    %get3A_15 = arith.constant 16 : index
    %get3A_16 = tpu.vector_load %arg10[%get3A_15] {strides = array<i32>} : memref<128xi32, #tpu.memory_space<vmem>>, vector<16xi32>,
    %gather3A_17 = tpu.vector_load_idx %arg12[%get3A_16] : memref<4096xf32, #tpu.memory_space<vmem>>[vector<16xi32>], vector<16xf32>,
    %swap3A_18 = arith.constant 16 : index
    %swap3A_19 = tpu.vector_load %arg15[%swap3A_18] {strides = array<i32>} : memref<128xf32, #tpu.memory_space<vmem>>, vector<16xf32>,
    tpu.vector_store %arg15[%swap3A_18], %gather3A_17 {strides = array<i32>} : memref<128xf32, #tpu.memory_space<vmem>>, vector<16xf32>,
    %get3A_20 = arith.constant 16 : index
    %get3A_21 = tpu.vector_load %arg11[%get3A_20] {strides = array<i32>} : memref<128xi32, #tpu.memory_space<vmem>>, vector<16xi32>,
    %gather3A_22 = tpu.vector_load_idx %arg12[%get3A_21] : memref<4096xf32, #tpu.memory_space<vmem>>[vector<16xi32>], vector<16xf32>,
    %swap3A_23 = arith.constant 16 : index
    %swap3A_24 = tpu.vector_load %arg16[%swap3A_23] {strides = array<i32>} : memref<128xf32, #tpu.memory_space<vmem>>, vector<16xf32>,
    tpu.vector_store %arg16[%swap3A_23], %gather3A_22 {strides = array<i32>} : memref<128xf32, #tpu.memory_space<vmem>>, vector<16xf32>,
    %get3A_25 = arith.constant 32 : index
    %get3A_26 = tpu.vector_load %arg10[%get3A_25] {strides = array<i32>} : memref<128xi32, #tpu.memory_space<vmem>>, vector<16xi32>,
    %gather3A_27 = tpu.vector_load_idx %arg12[%get3A_26] : memref<4096xf32, #tpu.memory_space<vmem>>[vector<16xi32>], vector<16xf32>,
    %swap3A_28 = arith.constant 32 : index
    %swap3A_29 = tpu.vector_load %arg15[%swap3A_28] {strides = array<i32>} : memref<128xf32, #tpu.memory_space<vmem>>, vector<16xf32>,
    tpu.vector_store %arg15[%swap3A_28], %gather3A_27 {strides = array<i32>} : memref<128xf32, #tpu.memory_space<vmem>>, vector<16xf32>,
    %get3A_30 = arith.constant 32 : index
    %get3A_31 = tpu.vector_load %arg11[%get3A_30] {strides = array<i32>} : memref<128xi32, #tpu.memory_space<vmem>>, vector<16xi32>,
    %gather3A_32 = tpu.vector_load_idx %arg12[%get3A_31] : memref<4096xf32, #tpu.memory_space<vmem>>[vector<16xi32>], vector<16xf32>,
    %swap3A_33 = arith.constant 32 : index
    %swap3A_34 = tpu.vector_load %arg16[%swap3A_33] {strides = array<i32>} : memref<128xf32, #tpu.memory_space<vmem>>, vector<16xf32>,
    tpu.vector_store %arg16[%swap3A_33], %gather3A_32 {strides = array<i32>} : memref<128xf32, #tpu.memory_space<vmem>>, vector<16xf32>,
    %get3A_35 = arith.constant 48 : index
    %get3A_36 = tpu.vector_load %arg10[%get3A_35] {strides = array<i32>} : memref<128xi32, #tpu.memory_space<vmem>>, vector<16xi32>,
    %gather3A_37 = tpu.vector_load_idx %arg12[%get3A_36] : memref<4096xf32, #tpu.memory_space<vmem>>[vector<16xi32>], vector<16xf32>,
    %swap3A_38 = arith.constant 48 : index
    %swap3A_39 = tpu.vector_load %arg15[%swap3A_38] {strides = array<i32>} : memref<128xf32, #tpu.memory_space<vmem>>, vector<16xf32>,
    tpu.vector_store %arg15[%swap3A_38], %gather3A_37 {strides = array<i32>} : memref<128xf32, #tpu.memory_space<vmem>>, vector<16xf32>,
    %get3A_40 = arith.constant 48 : index
    %get3A_41 = tpu.vector_load %arg11[%get3A_40] {strides = array<i32>} : memref<128xi32, #tpu.memory_space<vmem>>, vector<16xi32>,
    %gather3A_42 = tpu.vector_load_idx %arg12[%get3A_41] : memref<4096xf32, #tpu.memory_space<vmem>>[vector<16xi32>], vector<16xf32>,
    %swap3A_43 = arith.constant 48 : index
    %swap3A_44 = tpu.vector_load %arg16[%swap3A_43] {strides = array<i32>} : memref<128xf32, #tpu.memory_space<vmem>>, vector<16xf32>,
    tpu.vector_store %arg16[%swap3A_43], %gather3A_42 {strides = array<i32>} : memref<128xf32, #tpu.memory_space<vmem>>, vector<16xf32>,
    %get3A_45 = arith.constant 64 : index
    %get3A_46 = tpu.vector_load %arg10[%get3A_45] {strides = array<i32>} : memref<128xi32, #tpu.memory_space<vmem>>, vector<16xi32>,
    %gather3A_47 = tpu.vector_load_idx %arg12[%get3A_46] : memref<4096xf32, #tpu.memory_space<vmem>>[vector<16xi32>], vector<16xf32>,
    %swap3A_48 = arith.constant 64 : index
    %swap3A_49 = tpu.vector_load %arg15[%swap3A_48] {strides = array<i32>} : memref<128xf32, #tpu.memory_space<vmem>>, vector<16xf32>,
    tpu.vector_store %arg15[%swap3A_48], %gather3A_47 {strides = array<i32>} : memref<128xf32, #tpu.memory_space<vmem>>, vector<16xf32>,
    %get3A_50 = arith.constant 64 : index
    %get3A_51 = tpu.vector_load %arg11[%get3A_50] {strides = array<i32>} : memref<128xi32, #tpu.memory_space<vmem>>, vector<16xi32>,
    %gather3A_52 = tpu.vector_load_idx %arg12[%get3A_51] : memref<4096xf32, #tpu.memory_space<vmem>>[vector<16xi32>], vector<16xf32>,
    %swap3A_53 = arith.constant 64 : index
    %swap3A_54 = tpu.vector_load %arg16[%swap3A_53] {strides = array<i32>} : memref<128xf32, #tpu.memory_space<vmem>>, vector<16xf32>,
    tpu.vector_store %arg16[%swap3A_53], %gather3A_52 {strides = array<i32>} : memref<128xf32, #tpu.memory_space<vmem>>, vector<16xf32>,
    %get3A_55 = arith.constant 80 : index
    %get3A_56 = tpu.vector_load %arg10[%get3A_55] {strides = array<i32>} : memref<128xi32, #tpu.memory_space<vmem>>, vector<16xi32>,
    %gather3A_57 = tpu.vector_load_idx %arg12[%get3A_56] : memref<4096xf32, #tpu.memory_space<vmem>>[vector<16xi32>], vector<16xf32>,
    %swap3A_58 = arith.constant 80 : index
    %swap3A_59 = tpu.vector_load %arg15[%swap3A_58] {strides = array<i32>} : memref<128xf32, #tpu.memory_space<vmem>>, vector<16xf32>,
    tpu.vector_store %arg15[%swap3A_58], %gather3A_57 {strides = array<i32>} : memref<128xf32, #tpu.memory_space<vmem>>, vector<16xf32>,
    %get3A_60 = arith.constant 80 : index
    %get3A_61 = tpu.vector_load %arg11[%get3A_60] {strides = array<i32>} : memref<128xi32, #tpu.memory_space<vmem>>, vector<16xi32>,
    %gather3A_62 = tpu.vector_load_idx %arg12[%get3A_61] : memref<4096xf32, #tpu.memory_space<vmem>>[vector<16xi32>], vector<16xf32>,
    %swap3A_63 = arith.constant 80 : index
    %swap3A_64 = tpu.vector_load %arg16[%swap3A_63] {strides = array<i32>} : memref<128xf32, #tpu.memory_space<vmem>>, vector<16xf32>,
    tpu.vector_store %arg16[%swap3A_63], %gather3A_62 {strides = array<i32>} : memref<128xf32, #tpu.memory_space<vmem>>, vector<16xf32>,
    %get3A_65 = arith.constant 96 : index
    %get3A_66 = tpu.vector_load %arg10[%get3A_65] {strides = array<i32>} : memref<128xi32, #tpu.memory_space<vmem>>, vector<16xi32>,
    %gather3A_67 = tpu.vector_load_idx %arg12[%get3A_66] : memref<4096xf32, #tpu.memory_space<vmem>>[vector<16xi32>], vector<16xf32>,
    %swap3A_68 = arith.constant 96 : index
    %swap3A_69 = tpu.vector_load %arg15[%swap3A_68] {strides = array<i32>} : memref<128xf32, #tpu.memory_space<vmem>>, vector<16xf32>,
    tpu.vector_store %arg15[%swap3A_68], %gather3A_67 {strides = array<i32>} : memref<128xf32, #tpu.memory_space<vmem>>, vector<16xf32>,
    %get3A_70 = arith.constant 96 : index
    %get3A_71 = tpu.vector_load %arg11[%get3A_70] {strides = array<i32>} : memref<128xi32, #tpu.memory_space<vmem>>, vector<16xi32>,
    %gather3A_72 = tpu.vector_load_idx %arg12[%get3A_71] : memref<4096xf32, #tpu.memory_space<vmem>>[vector<16xi32>], vector<16xf32>,
    %swap3A_73 = arith.constant 96 : index
    %swap3A_74 = tpu.vector_load %arg16[%swap3A_73] {strides = array<i32>} : memref<128xf32, #tpu.memory_space<vmem>>, vector<16xf32>,
    tpu.vector_store %arg16[%swap3A_73], %gather3A_72 {strides = array<i32>} : memref<128xf32, #tpu.memory_space<vmem>>, vector<16xf32>,
    %get3A_75 = arith.constant 112 : index
    %get3A_76 = tpu.vector_load %arg10[%get3A_75] {strides = array<i32>} : memref<128xi32, #tpu.memory_space<vmem>>, vector<16xi32>,
    %gather3A_77 = tpu.vector_load_idx %arg12[%get3A_76] : memref<4096xf32, #tpu.memory_space<vmem>>[vector<16xi32>], vector<16xf32>,
    %swap3A_78 = arith.constant 112 : index
    %swap3A_79 = tpu.vector_load %arg15[%swap3A_78] {strides = array<i32>} : memref<128xf32, #tpu.memory_space<vmem>>, vector<16xf32>,
    tpu.vector_store %arg15[%swap3A_78], %gather3A_77 {strides = array<i32>} : memref<128xf32, #tpu.memory_space<vmem>>, vector<16xf32>,
    %get3A_80 = arith.constant 112 : index
    %get3A_81 = tpu.vector_load %arg11[%get3A_80] {strides = array<i32>} : memref<128xi32, #tpu.memory_space<vmem>>, vector<16xi32>,
    %gather3A_82 = tpu.vector_load_idx %arg12[%get3A_81] : memref<4096xf32, #tpu.memory_space<vmem>>[vector<16xi32>], vector<16xf32>,
    %swap3A_83 = arith.constant 112 : index
    %swap3A_84 = tpu.vector_load %arg16[%swap3A_83] {strides = array<i32>} : memref<128xf32, #tpu.memory_space<vmem>>, vector<16xf32>,
    tpu.vector_store %arg16[%swap3A_83], %gather3A_82 {strides = array<i32>} : memref<128xf32, #tpu.memory_space<vmem>>, vector<16xf32>,
    %dma_wait3A = arith.constant 0 : i32
    %dma_wait3A_85 = arith.constant 0 : i32
    %dma_wait3A_86 = tpu.memref_slice %arg2[%dma_wait3A, %dma_wait3A_85] : memref<4096x128xf32, #tpu.memory_space<hbm>> -> memref<4096x128xf32, #tpu.memory_space<hbm>>
    tpu.wait_indirect_dma semaphore(%arg17 : memref<!tpu.dma_semaphore, #tpu.memory_space<semaphore_mem>>) src(%dma_wait3A_86 : memref<4096x128xf32, #tpu.memory_space<hbm>>) dst(%arg13 : memref<128x128xf32, #tpu.memory_space<vmem>>)
    %dma_wait3A_87 = arith.constant 0 : i32
    %dma_wait3A_88 = arith.constant 0 : i32
    %dma_wait3A_89 = tpu.memref_slice %arg2[%dma_wait3A_87, %dma_wait3A_88] : memref<4096x128xf32, #tpu.memory_space<hbm>> -> memref<4096x128xf32, #tpu.memory_space<hbm>>
    tpu.wait_indirect_dma semaphore(%arg17 : memref<!tpu.dma_semaphore, #tpu.memory_space<semaphore_mem>>) src(%dma_wait3A_89 : memref<4096x128xf32, #tpu.memory_space<hbm>>) dst(%arg14 : memref<128x128xf32, #tpu.memory_space<vmem>>)
    "tpu.region"() ({
      %run_scoped3A = tpu.sem_alloc : memref<!tpu.dma_semaphore, #tpu.memory_space<semaphore_mem>>
      %dma_start3A_90 = arith.constant 0 : i32
      %dma_start3A_91 = tpu.memref_slice %arg6[%mul3A_2, %dma_start3A_90] : memref<4096x128xf32, #tpu.memory_space<hbm>> -> memref<128x128xf32, #tpu.memory_space<hbm>>
      %dma_start3A_92 = arith.constant 0 : i32
      %dma_start3A_93 = tpu.memref_slice %arg6[%mul3A_2, %dma_start3A_92] : memref<4096x128xf32, #tpu.memory_space<hbm>> -> memref<128x128xf32, #tpu.memory_space<hbm>>
      tpu.enqueue_dma source(%arg13 : memref<128x128xf32, #tpu.memory_space<vmem>>) target(%dma_start3A_93 : memref<128x128xf32, #tpu.memory_space<hbm>>) target_semaphore(%run_scoped3A : memref<!tpu.dma_semaphore, #tpu.memory_space<semaphore_mem>>)
      %dma_wait3A_94 = arith.constant 0 : i32
      %dma_wait3A_95 = tpu.memref_slice %arg6[%mul3A_2, %dma_wait3A_94] : memref<4096x128xf32, #tpu.memory_space<hbm>> -> memref<128x128xf32, #tpu.memory_space<hbm>>
      %dma_wait3A_96 = arith.constant 0 : i32
      %dma_wait3A_97 = tpu.memref_slice %arg6[%mul3A_2, %dma_wait3A_96] : memref<4096x128xf32, #tpu.memory_space<hbm>> -> memref<128x128xf32, #tpu.memory_space<hbm>>
      tpu.wait_dma2 semaphore(%run_scoped3A : memref<!tpu.dma_semaphore, #tpu.memory_space<semaphore_mem>>) src(%arg13 : memref<128x128xf32, #tpu.memory_space<vmem>>) dst(%dma_wait3A_97 : memref<128x128xf32, #tpu.memory_space<hbm>>)
      tpu.yield
    }) : () -> ()
    "tpu.region"() ({
      %run_scoped3A = tpu.sem_alloc : memref<!tpu.dma_semaphore, #tpu.memory_space<semaphore_mem>>
      %dma_start3A_90 = arith.constant 0 : i32
      %dma_start3A_91 = tpu.memref_slice %arg7[%mul3A_2, %dma_start3A_90] : memref<4096x128xf32, #tpu.memory_space<hbm>> -> memref<128x128xf32, #tpu.memory_space<hbm>>
      %dma_start3A_92 = arith.constant 0 : i32
      %dma_start3A_93 = tpu.memref_slice %arg7[%mul3A_2, %dma_start3A_92] : memref<4096x128xf32, #tpu.memory_space<hbm>> -> memref<128x128xf32, #tpu.memory_space<hbm>>
      tpu.enqueue_dma source(%arg14 : memref<128x128xf32, #tpu.memory_space<vmem>>) target(%dma_start3A_93 : memref<128x128xf32, #tpu.memory_space<hbm>>) target_semaphore(%run_scoped3A : memref<!tpu.dma_semaphore, #tpu.memory_space<semaphore_mem>>)
      %dma_wait3A_94 = arith.constant 0 : i32
      %dma_wait3A_95 = tpu.memref_slice %arg7[%mul3A_2, %dma_wait3A_94] : memref<4096x128xf32, #tpu.memory_space<hbm>> -> memref<128x128xf32, #tpu.memory_space<hbm>>
      %dma_wait3A_96 = arith.constant 0 : i32
      %dma_wait3A_97 = tpu.memref_slice %arg7[%mul3A_2, %dma_wait3A_96] : memref<4096x128xf32, #tpu.memory_space<hbm>> -> memref<128x128xf32, #tpu.memory_space<hbm>>
      tpu.wait_dma2 semaphore(%run_scoped3A : memref<!tpu.dma_semaphore, #tpu.memory_space<semaphore_mem>>) src(%arg14 : memref<128x128xf32, #tpu.memory_space<vmem>>) dst(%dma_wait3A_97 : memref<128x128xf32, #tpu.memory_space<hbm>>)
      tpu.yield
    }) : () -> ()
    "tpu.region"() ({
      %run_scoped3A = tpu.sem_alloc : memref<!tpu.dma_semaphore, #tpu.memory_space<semaphore_mem>>
      %dma_start3A_90 = tpu.memref_slice %arg8[%mul3A_2] : memref<4096xf32, #tpu.memory_space<hbm>> -> memref<128xf32, #tpu.memory_space<hbm>>
      %dma_start3A_91 = tpu.memref_slice %arg8[%mul3A_2] : memref<4096xf32, #tpu.memory_space<hbm>> -> memref<128xf32, #tpu.memory_space<hbm>>
      tpu.enqueue_dma source(%arg15 : memref<128xf32, #tpu.memory_space<vmem>>) target(%dma_start3A_91 : memref<128xf32, #tpu.memory_space<hbm>>) target_semaphore(%run_scoped3A : memref<!tpu.dma_semaphore, #tpu.memory_space<semaphore_mem>>)
      %dma_wait3A_92 = tpu.memref_slice %arg8[%mul3A_2] : memref<4096xf32, #tpu.memory_space<hbm>> -> memref<128xf32, #tpu.memory_space<hbm>>
      %dma_wait3A_93 = tpu.memref_slice %arg8[%mul3A_2] : memref<4096xf32, #tpu.memory_space<hbm>> -> memref<128xf32, #tpu.memory_space<hbm>>
      tpu.wait_dma2 semaphore(%run_scoped3A : memref<!tpu.dma_semaphore, #tpu.memory_space<semaphore_mem>>) src(%arg15 : memref<128xf32, #tpu.memory_space<vmem>>) dst(%dma_wait3A_93 : memref<128xf32, #tpu.memory_space<hbm>>)
      tpu.yield
    }) : () -> ()
    "tpu.region"() ({
      %run_scoped3A = tpu.sem_alloc : memref<!tpu.dma_semaphore, #tpu.memory_space<semaphore_mem>>
      %dma_start3A_90 = tpu.memref_slice %arg9[%mul3A_2] : memref<4096xf32, #tpu.memory_space<hbm>> -> memref<128xf32, #tpu.memory_space<hbm>>
      %dma_start3A_91 = tpu.memref_slice %arg9[%mul3A_2] : memref<4096xf32, #tpu.memory_space<hbm>> -> memref<128xf32, #tpu.memory_space<hbm>>
      tpu.enqueue_dma source(%arg16 : memref<128xf32, #tpu.memory_space<vmem>>) target(%dma_start3A_91 : memref<128xf32, #tpu.memory_space<hbm>>) target_semaphore(%run_scoped3A : memref<!tpu.dma_semaphore, #tpu.memory_space<semaphore_mem>>)
      %dma_wait3A_92 = tpu.memref_slice %arg9[%mul3A_2] : memref<4096xf32, #tpu.memory_space<hbm>> -> memref<128xf32, #tpu.memory_space<hbm>>
      %dma_wait3A_93 = tpu.memref_slice %arg9[%mul3A_2] : memref<4096xf32, #tpu.memory_space<hbm>> -> memref<128xf32, #tpu.memory_space<hbm>>
      tpu.wait_dma2 semaphore(%run_scoped3A : memref<!tpu.dma_semaphore, #tpu.memory_space<semaphore_mem>>) src(%arg16 : memref<128xf32, #tpu.memory_space<vmem>>) dst(%dma_wait3A_93 : memref<128xf32, #tpu.memory_space<hbm>>)
      tpu.yield
    }) : () -> ()
    return
  }
}

module attributes {stable_mosaic.version = 14 : i64} {
  func.func @_tc_msg_gru(%arg0: memref<4096x128xf32, #tpu.memory_space<vmem>>, %arg1: memref<4096x128xf32, #tpu.memory_space<vmem>>, %arg2: memref<4096x128xf32, #tpu.memory_space<vmem>>, %arg3: memref<4096x1xf32, #tpu.memory_space<vmem>>, %arg4: memref<4096x1xf32, #tpu.memory_space<vmem>>, %arg5: memref<128x128xf32, #tpu.memory_space<vmem>>, %arg6: memref<128x128xf32, #tpu.memory_space<vmem>>, %arg7: memref<128x128xf32, #tpu.memory_space<vmem>>, %arg8: memref<1x128xf32, #tpu.memory_space<vmem>>, %arg9: memref<1x128xf32, #tpu.memory_space<vmem>>, %arg10: memref<1x128xf32, #tpu.memory_space<vmem>>, %arg11: memref<128x128xf32, #tpu.memory_space<vmem>>, %arg12: memref<1x128xf32, #tpu.memory_space<vmem>>, %arg13: memref<128x384xf32, #tpu.memory_space<vmem>>, %arg14: memref<128x384xf32, #tpu.memory_space<vmem>>, %arg15: memref<1x384xf32, #tpu.memory_space<vmem>>, %arg16: memref<1x384xf32, #tpu.memory_space<vmem>>, %arg17: memref<4096x128xf32, #tpu.memory_space<vmem>>) attributes {dimension_semantics = [], scalar_prefetch = 0 : i64, scratch_operands = 0 : i64, tpu.core_type = #tpu.core_type<tc>} {
    %get3A = arith.constant 0 : index
    %get3A_0 = arith.constant 0 : index
    %get3A_1 = vector.load %arg0[%get3A, %get3A_0] : memref<4096x128xf32, #tpu.memory_space<vmem>>, vector<4096x128xf32>
    %get3A_2 = arith.constant 0 : index
    %get3A_3 = arith.constant 0 : index
    %get3A_4 = vector.load %arg3[%get3A_2, %get3A_3] : memref<4096x1xf32, #tpu.memory_space<vmem>>, vector<4096x1xf32>
    %get3A_5 = arith.constant 0 : index
    %get3A_6 = arith.constant 0 : index
    %get3A_7 = vector.load %arg5[%get3A_5, %get3A_6] : memref<128x128xf32, #tpu.memory_space<vmem>>, vector<128x128xf32>
    %dot_general3A = arith.constant dense<0.000000e+00> : vector<4096x128xf32>
    %dot_general3A_8 = tpu.matmul %get3A_1, %get3A_7, %dot_general3A {dimension_numbers = #tpu.dot_dimension_numbers<[1], [0], [0], [1], [0, 0, 1, 1], [], []>, transpose_lhs_hint = false} : vector<4096x128xf32>, vector<128x128xf32>, vector<4096x128xf32> -> vector<4096x128xf32>
    %get3A_9 = arith.constant 0 : index
    %get3A_10 = arith.constant 0 : index
    %get3A_11 = vector.load %arg1[%get3A_9, %get3A_10] : memref<4096x128xf32, #tpu.memory_space<vmem>>, vector<4096x128xf32>
    %get3A_12 = arith.constant 0 : index
    %get3A_13 = arith.constant 0 : index
    %get3A_14 = vector.load %arg6[%get3A_12, %get3A_13] : memref<128x128xf32, #tpu.memory_space<vmem>>, vector<128x128xf32>
    %dot_general3A_15 = arith.constant dense<0.000000e+00> : vector<4096x128xf32>
    %dot_general3A_16 = tpu.matmul %get3A_11, %get3A_14, %dot_general3A_15 {dimension_numbers = #tpu.dot_dimension_numbers<[1], [0], [0], [1], [0, 0, 1, 1], [], []>, transpose_lhs_hint = false} : vector<4096x128xf32>, vector<128x128xf32>, vector<4096x128xf32> -> vector<4096x128xf32>
    %add3A = arith.addf %dot_general3A_8, %dot_general3A_16 : vector<4096x128xf32>
    %get3A_17 = arith.constant 0 : index
    %get3A_18 = arith.constant 0 : index
    %get3A_19 = vector.load %arg2[%get3A_17, %get3A_18] : memref<4096x128xf32, #tpu.memory_space<vmem>>, vector<4096x128xf32>
    %get3A_20 = arith.constant 0 : index
    %get3A_21 = arith.constant 0 : index
    %get3A_22 = vector.load %arg7[%get3A_20, %get3A_21] : memref<128x128xf32, #tpu.memory_space<vmem>>, vector<128x128xf32>
    %dot_general3A_23 = arith.constant dense<0.000000e+00> : vector<4096x128xf32>
    %dot_general3A_24 = tpu.matmul %get3A_19, %get3A_22, %dot_general3A_23 {dimension_numbers = #tpu.dot_dimension_numbers<[1], [0], [0], [1], [0, 0, 1, 1], [], []>, transpose_lhs_hint = false} : vector<4096x128xf32>, vector<128x128xf32>, vector<4096x128xf32> -> vector<4096x128xf32>
    %add3A_25 = arith.addf %add3A, %dot_general3A_24 : vector<4096x128xf32>
    %get3A_26 = arith.constant 0 : index
    %get3A_27 = arith.constant 0 : index
    %get3A_28 = vector.load %arg8[%get3A_26, %get3A_27] : memref<1x128xf32, #tpu.memory_space<vmem>>, vector<1x128xf32>
    %mul3A = vector.broadcast %get3A_4 : vector<4096x1xf32> to vector<4096x128xf32>
    %mul3A_29 = vector.broadcast %get3A_28 : vector<1x128xf32> to vector<4096x128xf32>
    %mul3A_30 = arith.mulf %mul3A, %mul3A_29 : vector<4096x128xf32>
    %add3A_31 = arith.addf %add3A_25, %mul3A_30 : vector<4096x128xf32>
    %get3A_32 = arith.constant 0 : index
    %get3A_33 = arith.constant 0 : index
    %get3A_34 = vector.load %arg4[%get3A_32, %get3A_33] : memref<4096x1xf32, #tpu.memory_space<vmem>>, vector<4096x1xf32>
    %sub3A = arith.subf %get3A_4, %get3A_34 : vector<4096x1xf32>
    %get3A_35 = arith.constant 0 : index
    %get3A_36 = arith.constant 0 : index
    %get3A_37 = vector.load %arg9[%get3A_35, %get3A_36] : memref<1x128xf32, #tpu.memory_space<vmem>>, vector<1x128xf32>
    %mul3A_38 = vector.broadcast %sub3A : vector<4096x1xf32> to vector<4096x128xf32>
    %mul3A_39 = vector.broadcast %get3A_37 : vector<1x128xf32> to vector<4096x128xf32>
    %mul3A_40 = arith.mulf %mul3A_38, %mul3A_39 : vector<4096x128xf32>
    %add3A_41 = arith.addf %add3A_31, %mul3A_40 : vector<4096x128xf32>
    %get3A_42 = arith.constant 0 : index
    %get3A_43 = arith.constant 0 : index
    %get3A_44 = vector.load %arg10[%get3A_42, %get3A_43] : memref<1x128xf32, #tpu.memory_space<vmem>>, vector<1x128xf32>
    %add3A_45 = vector.broadcast %get3A_44 : vector<1x128xf32> to vector<4096x128xf32>
    %add3A_46 = arith.addf %add3A_41, %add3A_45 : vector<4096x128xf32>
    %max3A = arith.constant 0.000000e+00 : f32
    %max3A_47 = vector.broadcast %max3A : f32 to vector<4096x128xf32>
    %max3A_48 = arith.maximumf %add3A_46, %max3A_47 : vector<4096x128xf32>
    %get3A_49 = arith.constant 0 : index
    %get3A_50 = arith.constant 0 : index
    %get3A_51 = vector.load %arg11[%get3A_49, %get3A_50] : memref<128x128xf32, #tpu.memory_space<vmem>>, vector<128x128xf32>
    %dot_general3A_52 = arith.constant dense<0.000000e+00> : vector<4096x128xf32>
    %dot_general3A_53 = tpu.matmul %max3A_48, %get3A_51, %dot_general3A_52 {dimension_numbers = #tpu.dot_dimension_numbers<[1], [0], [0], [1], [0, 0, 1, 1], [], []>, transpose_lhs_hint = false} : vector<4096x128xf32>, vector<128x128xf32>, vector<4096x128xf32> -> vector<4096x128xf32>
    %get3A_54 = arith.constant 0 : index
    %get3A_55 = arith.constant 0 : index
    %get3A_56 = vector.load %arg12[%get3A_54, %get3A_55] : memref<1x128xf32, #tpu.memory_space<vmem>>, vector<1x128xf32>
    %add3A_57 = vector.broadcast %get3A_56 : vector<1x128xf32> to vector<4096x128xf32>
    %add3A_58 = arith.addf %dot_general3A_53, %add3A_57 : vector<4096x128xf32>
    %get3A_59 = arith.constant 0 : index
    %get3A_60 = arith.constant 0 : index
    %get3A_61 = vector.load %arg13[%get3A_59, %get3A_60] : memref<128x384xf32, #tpu.memory_space<vmem>>, vector<128x384xf32>
    %dot_general3A_62 = arith.constant dense<0.000000e+00> : vector<4096x384xf32>
    %dot_general3A_63 = tpu.matmul %add3A_58, %get3A_61, %dot_general3A_62 {dimension_numbers = #tpu.dot_dimension_numbers<[1], [0], [0], [1], [0, 0, 1, 1], [], []>, transpose_lhs_hint = false} : vector<4096x128xf32>, vector<128x384xf32>, vector<4096x384xf32> -> vector<4096x384xf32>
    %get3A_64 = arith.constant 0 : index
    %get3A_65 = arith.constant 0 : index
    %get3A_66 = vector.load %arg15[%get3A_64, %get3A_65] : memref<1x384xf32, #tpu.memory_space<vmem>>, vector<1x384xf32>
    %add3A_67 = vector.broadcast %get3A_66 : vector<1x384xf32> to vector<4096x384xf32>
    %add3A_68 = arith.addf %dot_general3A_63, %add3A_67 : vector<4096x384xf32>
    %get3A_69 = arith.constant 0 : index
    %get3A_70 = arith.constant 0 : index
    %get3A_71 = vector.load %arg14[%get3A_69, %get3A_70] : memref<128x384xf32, #tpu.memory_space<vmem>>, vector<128x384xf32>
    %dot_general3A_72 = arith.constant dense<0.000000e+00> : vector<4096x384xf32>
    %dot_general3A_73 = tpu.matmul %get3A_1, %get3A_71, %dot_general3A_72 {dimension_numbers = #tpu.dot_dimension_numbers<[1], [0], [0], [1], [0, 0, 1, 1], [], []>, transpose_lhs_hint = false} : vector<4096x128xf32>, vector<128x384xf32>, vector<4096x384xf32> -> vector<4096x384xf32>
    %get3A_74 = arith.constant 0 : index
    %get3A_75 = arith.constant 0 : index
    %get3A_76 = vector.load %arg16[%get3A_74, %get3A_75] : memref<1x384xf32, #tpu.memory_space<vmem>>, vector<1x384xf32>
    %add3A_77 = vector.broadcast %get3A_76 : vector<1x384xf32> to vector<4096x384xf32>
    %add3A_78 = arith.addf %dot_general3A_73, %add3A_77 : vector<4096x384xf32>
    %slice3A = vector.extract_strided_slice %add3A_68 {offsets = [0, 0], sizes = [4096, 128], strides = [1, 1]} : vector<4096x384xf32> to vector<4096x128xf32>
    %slice3A_79 = vector.extract_strided_slice %add3A_78 {offsets = [0, 0], sizes = [4096, 128], strides = [1, 1]} : vector<4096x384xf32> to vector<4096x128xf32>
    %add3A_80 = arith.addf %slice3A, %slice3A_79 : vector<4096x128xf32>
    %logistic3A = arith.negf %add3A_80 : vector<4096x128xf32>
    %logistic3A_81 = math.exp %logistic3A : vector<4096x128xf32>
    %logistic3A_82 = arith.constant 1.000000e+00 : f32
    %logistic3A_83 = vector.broadcast %logistic3A_82 : f32 to vector<4096x128xf32>
    %logistic3A_84 = arith.addf %logistic3A_83, %logistic3A_81 : vector<4096x128xf32>
    %logistic3A_85 = arith.divf %logistic3A_83, %logistic3A_84 : vector<4096x128xf32>
    %slice3A_86 = vector.extract_strided_slice %add3A_68 {offsets = [0, 128], sizes = [4096, 128], strides = [1, 1]} : vector<4096x384xf32> to vector<4096x128xf32>
    %slice3A_87 = vector.extract_strided_slice %add3A_78 {offsets = [0, 128], sizes = [4096, 128], strides = [1, 1]} : vector<4096x384xf32> to vector<4096x128xf32>
    %add3A_88 = arith.addf %slice3A_86, %slice3A_87 : vector<4096x128xf32>
    %logistic3A_89 = arith.negf %add3A_88 : vector<4096x128xf32>
    %logistic3A_90 = math.exp %logistic3A_89 : vector<4096x128xf32>
    %logistic3A_91 = arith.constant 1.000000e+00 : f32
    %logistic3A_92 = vector.broadcast %logistic3A_91 : f32 to vector<4096x128xf32>
    %logistic3A_93 = arith.addf %logistic3A_92, %logistic3A_90 : vector<4096x128xf32>
    %logistic3A_94 = arith.divf %logistic3A_92, %logistic3A_93 : vector<4096x128xf32>
    %slice3A_95 = vector.extract_strided_slice %add3A_68 {offsets = [0, 256], sizes = [4096, 128], strides = [1, 1]} : vector<4096x384xf32> to vector<4096x128xf32>
    %slice3A_96 = vector.extract_strided_slice %add3A_78 {offsets = [0, 256], sizes = [4096, 128], strides = [1, 1]} : vector<4096x384xf32> to vector<4096x128xf32>
    %mul3A_97 = arith.mulf %logistic3A_85, %slice3A_96 : vector<4096x128xf32>
    %add3A_98 = arith.addf %slice3A_95, %mul3A_97 : vector<4096x128xf32>
    %tanh3A = math.tanh %add3A_98 : vector<4096x128xf32>
    %sub3A_99 = arith.constant 1.000000e+00 : f32
    %sub3A_100 = vector.broadcast %sub3A_99 : f32 to vector<4096x128xf32>
    %sub3A_101 = arith.subf %sub3A_100, %logistic3A_94 : vector<4096x128xf32>
    %mul3A_102 = arith.mulf %sub3A_101, %tanh3A : vector<4096x128xf32>
    %mul3A_103 = arith.mulf %logistic3A_94, %get3A_1 : vector<4096x128xf32>
    %add3A_104 = arith.addf %mul3A_102, %mul3A_103 : vector<4096x128xf32>
    %swap3A = arith.constant 0 : index
    %swap3A_105 = arith.constant 0 : index
    %swap3A_106 = vector.load %arg17[%swap3A, %swap3A_105] : memref<4096x128xf32, #tpu.memory_space<vmem>>, vector<4096x128xf32>
    tpu.vector_store %arg17[%swap3A, %swap3A_105], %add3A_104 {strides = array<i32>} : memref<4096x128xf32, #tpu.memory_space<vmem>>, vector<4096x128xf32>,
    return
  }
}

module attributes {stable_mosaic.version = 14 : i64} {
  func.func @_tc_fold(%arg0: memref<384x384xf32, #tpu.memory_space<vmem>>, %arg1: memref<1x384xf32, #tpu.memory_space<vmem>>, %arg2: memref<384x384xf32, #tpu.memory_space<vmem>>, %arg3: memref<1x384xf32, #tpu.memory_space<vmem>>, %arg4: memref<384x128xf32, #tpu.memory_space<vmem>>, %arg5: memref<1x128xf32, #tpu.memory_space<vmem>>, %arg6: memref<128x128xf32, #tpu.memory_space<vmem>>, %arg7: memref<1x128xf32, #tpu.memory_space<vmem>>, %arg8: memref<128x128xf32, #tpu.memory_space<vmem>>, %arg9: memref<1x128xf32, #tpu.memory_space<vmem>>, %arg10: memref<128x128xf32, #tpu.memory_space<vmem>>, %arg11: memref<128x128xf32, #tpu.memory_space<vmem>>, %arg12: memref<1x128xf32, #tpu.memory_space<vmem>>, %arg13: memref<384x128xf32, #tpu.memory_space<vmem>>, %arg14: memref<384x128xf32, #tpu.memory_space<vmem>>, %arg15: memref<128x128xf32, #tpu.memory_space<vmem>>, %arg16: memref<128x128xf32, #tpu.memory_space<vmem>>, %arg17: memref<1x128xf32, #tpu.memory_space<vmem>>) attributes {dimension_semantics = [], scalar_prefetch = 0 : i64, scratch_operands = 0 : i64, tpu.core_type = #tpu.core_type<tc>} {
    %get3A = arith.constant 0 : index
    %get3A_0 = arith.constant 0 : index
    %get3A_1 = vector.load %arg0[%get3A, %get3A_0] : memref<384x384xf32, #tpu.memory_space<vmem>>, vector<384x384xf32>
    %get3A_2 = arith.constant 0 : index
    %get3A_3 = arith.constant 0 : index
    %get3A_4 = vector.load %arg2[%get3A_2, %get3A_3] : memref<384x384xf32, #tpu.memory_space<vmem>>, vector<384x384xf32>
    %dot_general3A = arith.constant dense<0.000000e+00> : vector<384x384xf32>
    %dot_general3A_5 = tpu.matmul %get3A_1, %get3A_4, %dot_general3A {dimension_numbers = #tpu.dot_dimension_numbers<[1], [0], [0], [1], [0, 0, 1, 1], [], []>, transpose_lhs_hint = false} : vector<384x384xf32>, vector<384x384xf32>, vector<384x384xf32> -> vector<384x384xf32>
    %get3A_6 = arith.constant 0 : index
    %get3A_7 = arith.constant 0 : index
    %get3A_8 = vector.load %arg4[%get3A_6, %get3A_7] : memref<384x128xf32, #tpu.memory_space<vmem>>, vector<384x128xf32>
    %dot_general3A_9 = arith.constant dense<0.000000e+00> : vector<384x128xf32>
    %dot_general3A_10 = tpu.matmul %dot_general3A_5, %get3A_8, %dot_general3A_9 {dimension_numbers = #tpu.dot_dimension_numbers<[1], [0], [0], [1], [0, 0, 1, 1], [], []>, transpose_lhs_hint = false} : vector<384x384xf32>, vector<384x128xf32>, vector<384x128xf32> -> vector<384x128xf32>
    %get3A_11 = arith.constant 0 : index
    %get3A_12 = arith.constant 0 : index
    %get3A_13 = vector.load %arg6[%get3A_11, %get3A_12] : memref<128x128xf32, #tpu.memory_space<vmem>>, vector<128x128xf32>
    %dot_general3A_14 = arith.constant dense<0.000000e+00> : vector<384x128xf32>
    %dot_general3A_15 = tpu.matmul %dot_general3A_10, %get3A_13, %dot_general3A_14 {dimension_numbers = #tpu.dot_dimension_numbers<[1], [0], [0], [1], [0, 0, 1, 1], [], []>, transpose_lhs_hint = false} : vector<384x128xf32>, vector<128x128xf32>, vector<384x128xf32> -> vector<384x128xf32>
    %get3A_16 = arith.constant 0 : index
    %get3A_17 = arith.constant 0 : index
    %get3A_18 = vector.load %arg1[%get3A_16, %get3A_17] : memref<1x384xf32, #tpu.memory_space<vmem>>, vector<1x384xf32>
    %get3A_19 = arith.constant 0 : index
    %get3A_20 = arith.constant 0 : index
    %get3A_21 = vector.load %arg2[%get3A_19, %get3A_20] : memref<384x384xf32, #tpu.memory_space<vmem>>, vector<384x384xf32>
    %dot_general3A_22 = arith.constant dense<0.000000e+00> : vector<1x384xf32>
    %dot_general3A_23 = tpu.matmul %get3A_18, %get3A_21, %dot_general3A_22 {dimension_numbers = #tpu.dot_dimension_numbers<[1], [0], [0], [1], [0, 0, 1, 1], [], []>, transpose_lhs_hint = false} : vector<1x384xf32>, vector<384x384xf32>, vector<1x384xf32> -> vector<1x384xf32>
    %get3A_24 = arith.constant 0 : index
    %get3A_25 = arith.constant 0 : index
    %get3A_26 = vector.load %arg3[%get3A_24, %get3A_25] : memref<1x384xf32, #tpu.memory_space<vmem>>, vector<1x384xf32>
    %add3A = arith.addf %dot_general3A_23, %get3A_26 : vector<1x384xf32>
    %get3A_27 = arith.constant 0 : index
    %get3A_28 = arith.constant 0 : index
    %get3A_29 = vector.load %arg4[%get3A_27, %get3A_28] : memref<384x128xf32, #tpu.memory_space<vmem>>, vector<384x128xf32>
    %dot_general3A_30 = arith.constant dense<0.000000e+00> : vector<1x128xf32>
    %dot_general3A_31 = tpu.matmul %add3A, %get3A_29, %dot_general3A_30 {dimension_numbers = #tpu.dot_dimension_numbers<[1], [0], [0], [1], [0, 0, 1, 1], [], []>, transpose_lhs_hint = false} : vector<1x384xf32>, vector<384x128xf32>, vector<1x128xf32> -> vector<1x128xf32>
    %get3A_32 = arith.constant 0 : index
    %get3A_33 = arith.constant 0 : index
    %get3A_34 = vector.load %arg5[%get3A_32, %get3A_33] : memref<1x128xf32, #tpu.memory_space<vmem>>, vector<1x128xf32>
    %add3A_35 = arith.addf %dot_general3A_31, %get3A_34 : vector<1x128xf32>
    %get3A_36 = arith.constant 0 : index
    %get3A_37 = arith.constant 0 : index
    %get3A_38 = vector.load %arg6[%get3A_36, %get3A_37] : memref<128x128xf32, #tpu.memory_space<vmem>>, vector<128x128xf32>
    %dot_general3A_39 = arith.constant dense<0.000000e+00> : vector<1x128xf32>
    %dot_general3A_40 = tpu.matmul %add3A_35, %get3A_38, %dot_general3A_39 {dimension_numbers = #tpu.dot_dimension_numbers<[1], [0], [0], [1], [0, 0, 1, 1], [], []>, transpose_lhs_hint = false} : vector<1x128xf32>, vector<128x128xf32>, vector<1x128xf32> -> vector<1x128xf32>
    %get3A_41 = arith.constant 0 : index
    %get3A_42 = arith.constant 0 : index
    %get3A_43 = vector.load %arg7[%get3A_41, %get3A_42] : memref<1x128xf32, #tpu.memory_space<vmem>>, vector<1x128xf32>
    %add3A_44 = arith.addf %dot_general3A_40, %get3A_43 : vector<1x128xf32>
    %get3A_45 = arith.constant 0 : index
    %get3A_46 = arith.constant 0 : index
    %get3A_47 = vector.load %arg10[%get3A_45, %get3A_46] : memref<128x128xf32, #tpu.memory_space<vmem>>, vector<128x128xf32>
    %dot_general3A_48 = arith.constant dense<0.000000e+00> : vector<384x128xf32>
    %dot_general3A_49 = tpu.matmul %dot_general3A_15, %get3A_47, %dot_general3A_48 {dimension_numbers = #tpu.dot_dimension_numbers<[1], [0], [0], [1], [0, 0, 1, 1], [], []>, transpose_lhs_hint = false} : vector<384x128xf32>, vector<128x128xf32>, vector<384x128xf32> -> vector<384x128xf32>
    %get3A_50 = arith.constant 0 : index
    %get3A_51 = arith.constant 0 : index
    %get3A_52 = vector.load %arg11[%get3A_50, %get3A_51] : memref<128x128xf32, #tpu.memory_space<vmem>>, vector<128x128xf32>
    %dot_general3A_53 = arith.constant dense<0.000000e+00> : vector<384x128xf32>
    %dot_general3A_54 = tpu.matmul %dot_general3A_15, %get3A_52, %dot_general3A_53 {dimension_numbers = #tpu.dot_dimension_numbers<[1], [0], [0], [1], [0, 0, 1, 1], [], []>, transpose_lhs_hint = false} : vector<384x128xf32>, vector<128x128xf32>, vector<384x128xf32> -> vector<384x128xf32>
    %swap3A = arith.constant 0 : index
    %swap3A_55 = arith.constant 0 : index
    %swap3A_56 = vector.load %arg13[%swap3A, %swap3A_55] : memref<384x128xf32, #tpu.memory_space<vmem>>, vector<384x128xf32>
    tpu.vector_store %arg13[%swap3A, %swap3A_55], %dot_general3A_49 {strides = array<i32>} : memref<384x128xf32, #tpu.memory_space<vmem>>, vector<384x128xf32>,
    %swap3A_57 = arith.constant 0 : index
    %swap3A_58 = arith.constant 0 : index
    %swap3A_59 = vector.load %arg14[%swap3A_57, %swap3A_58] : memref<384x128xf32, #tpu.memory_space<vmem>>, vector<384x128xf32>
    tpu.vector_store %arg14[%swap3A_57, %swap3A_58], %dot_general3A_54 {strides = array<i32>} : memref<384x128xf32, #tpu.memory_space<vmem>>, vector<384x128xf32>,
    %get3A_60 = arith.constant 0 : index
    %get3A_61 = arith.constant 0 : index
    %get3A_62 = vector.load %arg8[%get3A_60, %get3A_61] : memref<128x128xf32, #tpu.memory_space<vmem>>, vector<128x128xf32>
    %slice3A = vector.extract_strided_slice %dot_general3A_49 {offsets = [256, 0], sizes = [128, 128], strides = [1, 1]} : vector<384x128xf32> to vector<128x128xf32>
    %dot_general3A_63 = arith.constant dense<0.000000e+00> : vector<128x128xf32>
    %dot_general3A_64 = tpu.matmul %get3A_62, %slice3A, %dot_general3A_63 {dimension_numbers = #tpu.dot_dimension_numbers<[1], [0], [0], [1], [0, 0, 1, 1], [], []>, transpose_lhs_hint = false} : vector<128x128xf32>, vector<128x128xf32>, vector<128x128xf32> -> vector<128x128xf32>
    %swap3A_65 = arith.constant 0 : index
    %swap3A_66 = arith.constant 0 : index
    %swap3A_67 = vector.load %arg15[%swap3A_65, %swap3A_66] : memref<128x128xf32, #tpu.memory_space<vmem>>, vector<128x128xf32>
    tpu.vector_store %arg15[%swap3A_65, %swap3A_66], %dot_general3A_64 {strides = array<i32>} : memref<128x128xf32, #tpu.memory_space<vmem>>, vector<128x128xf32>,
    %get3A_68 = arith.constant 0 : index
    %get3A_69 = arith.constant 0 : index
    %get3A_70 = vector.load %arg8[%get3A_68, %get3A_69] : memref<128x128xf32, #tpu.memory_space<vmem>>, vector<128x128xf32>
    %slice3A_71 = vector.extract_strided_slice %dot_general3A_54 {offsets = [256, 0], sizes = [128, 128], strides = [1, 1]} : vector<384x128xf32> to vector<128x128xf32>
    %dot_general3A_72 = arith.constant dense<0.000000e+00> : vector<128x128xf32>
    %dot_general3A_73 = tpu.matmul %get3A_70, %slice3A_71, %dot_general3A_72 {dimension_numbers = #tpu.dot_dimension_numbers<[1], [0], [0], [1], [0, 0, 1, 1], [], []>, transpose_lhs_hint = false} : vector<128x128xf32>, vector<128x128xf32>, vector<128x128xf32> -> vector<128x128xf32>
    %swap3A_74 = arith.constant 0 : index
    %swap3A_75 = arith.constant 0 : index
    %swap3A_76 = vector.load %arg16[%swap3A_74, %swap3A_75] : memref<128x128xf32, #tpu.memory_space<vmem>>, vector<128x128xf32>
    tpu.vector_store %arg16[%swap3A_74, %swap3A_75], %dot_general3A_73 {strides = array<i32>} : memref<128x128xf32, #tpu.memory_space<vmem>>, vector<128x128xf32>,
    %get3A_77 = arith.constant 0 : index
    %get3A_78 = arith.constant 0 : index
    %get3A_79 = vector.load %arg10[%get3A_77, %get3A_78] : memref<128x128xf32, #tpu.memory_space<vmem>>, vector<128x128xf32>
    %dot_general3A_80 = arith.constant dense<0.000000e+00> : vector<1x128xf32>
    %dot_general3A_81 = tpu.matmul %add3A_44, %get3A_79, %dot_general3A_80 {dimension_numbers = #tpu.dot_dimension_numbers<[1], [0], [0], [1], [0, 0, 1, 1], [], []>, transpose_lhs_hint = false} : vector<1x128xf32>, vector<128x128xf32>, vector<1x128xf32> -> vector<1x128xf32>
    %get3A_82 = arith.constant 0 : index
    %get3A_83 = arith.constant 0 : index
    %get3A_84 = vector.load %arg11[%get3A_82, %get3A_83] : memref<128x128xf32, #tpu.memory_space<vmem>>, vector<128x128xf32>
    %dot_general3A_85 = arith.constant dense<0.000000e+00> : vector<1x128xf32>
    %dot_general3A_86 = tpu.matmul %add3A_44, %get3A_84, %dot_general3A_85 {dimension_numbers = #tpu.dot_dimension_numbers<[1], [0], [0], [1], [0, 0, 1, 1], [], []>, transpose_lhs_hint = false} : vector<1x128xf32>, vector<128x128xf32>, vector<1x128xf32> -> vector<1x128xf32>
    %add3A_87 = arith.addf %dot_general3A_81, %dot_general3A_86 : vector<1x128xf32>
    %get3A_88 = arith.constant 0 : index
    %get3A_89 = arith.constant 0 : index
    %get3A_90 = vector.load %arg12[%get3A_88, %get3A_89] : memref<1x128xf32, #tpu.memory_space<vmem>>, vector<1x128xf32>
    %add3A_91 = arith.addf %add3A_87, %get3A_90 : vector<1x128xf32>
    %get3A_92 = arith.constant 0 : index
    %get3A_93 = arith.constant 0 : index
    %get3A_94 = vector.load %arg9[%get3A_92, %get3A_93] : memref<1x128xf32, #tpu.memory_space<vmem>>, vector<1x128xf32>
    %slice3A_95 = vector.extract_strided_slice %dot_general3A_49 {offsets = [256, 0], sizes = [128, 128], strides = [1, 1]} : vector<384x128xf32> to vector<128x128xf32>
    %dot_general3A_96 = arith.constant dense<0.000000e+00> : vector<1x128xf32>
    %dot_general3A_97 = tpu.matmul %get3A_94, %slice3A_95, %dot_general3A_96 {dimension_numbers = #tpu.dot_dimension_numbers<[1], [0], [0], [1], [0, 0, 1, 1], [], []>, transpose_lhs_hint = false} : vector<1x128xf32>, vector<128x128xf32>, vector<1x128xf32> -> vector<1x128xf32>
    %add3A_98 = arith.addf %add3A_91, %dot_general3A_97 : vector<1x128xf32>
    %get3A_99 = arith.constant 0 : index
    %get3A_100 = arith.constant 0 : index
    %get3A_101 = vector.load %arg9[%get3A_99, %get3A_100] : memref<1x128xf32, #tpu.memory_space<vmem>>, vector<1x128xf32>
    %slice3A_102 = vector.extract_strided_slice %dot_general3A_54 {offsets = [256, 0], sizes = [128, 128], strides = [1, 1]} : vector<384x128xf32> to vector<128x128xf32>
    %dot_general3A_103 = arith.constant dense<0.000000e+00> : vector<1x128xf32>
    %dot_general3A_104 = tpu.matmul %get3A_101, %slice3A_102, %dot_general3A_103 {dimension_numbers = #tpu.dot_dimension_numbers<[1], [0], [0], [1], [0, 0, 1, 1], [], []>, transpose_lhs_hint = false} : vector<1x128xf32>, vector<128x128xf32>, vector<1x128xf32> -> vector<1x128xf32>
    %add3A_105 = arith.addf %add3A_98, %dot_general3A_104 : vector<1x128xf32>
    %swap3A_106 = arith.constant 0 : index
    %swap3A_107 = arith.constant 0 : index
    %swap3A_108 = vector.load %arg17[%swap3A_106, %swap3A_107] : memref<1x128xf32, #tpu.memory_space<vmem>>, vector<1x128xf32>
    tpu.vector_store %arg17[%swap3A_106, %swap3A_107], %add3A_105 {strides = array<i32>} : memref<1x128xf32, #tpu.memory_space<vmem>>, vector<1x128xf32>,
    return
  }
}

module attributes {stable_mosaic.version = 14 : i64} {
  func.func @_tc_embed_lp(%arg0: memref<4096x128xf32, #tpu.memory_space<vmem>>, %arg1: memref<4096x128xf32, #tpu.memory_space<vmem>>, %arg2: memref<4096x1xf32, #tpu.memory_space<vmem>>, %arg3: memref<4096x1xf32, #tpu.memory_space<vmem>>, %arg4: memref<4096x1xi32, #tpu.memory_space<vmem>>, %arg5: memref<4096x128xf32, #tpu.memory_space<vmem>>, %arg6: memref<4096x1xf32, #tpu.memory_space<vmem>>, %arg7: memref<4096x128xf32, #tpu.memory_space<vmem>>, %arg8: memref<4096x128xf32, #tpu.memory_space<vmem>>, %arg9: memref<4096x1xf32, #tpu.memory_space<vmem>>, %arg10: memref<384x128xf32, #tpu.memory_space<vmem>>, %arg11: memref<384x128xf32, #tpu.memory_space<vmem>>, %arg12: memref<128x128xf32, #tpu.memory_space<vmem>>, %arg13: memref<128x128xf32, #tpu.memory_space<vmem>>, %arg14: memref<1x128xf32, #tpu.memory_space<vmem>>, %arg15: memref<1x128xf32, #tpu.memory_space<vmem>>, %arg16: memref<1x128xf32, #tpu.memory_space<vmem>>, %arg17: memref<128x64xf32, #tpu.memory_space<vmem>>, %arg18: memref<1x64xf32, #tpu.memory_space<vmem>>, %arg19: memref<64x1xf32, #tpu.memory_space<vmem>>, %arg20: memref<1x1xf32, #tpu.memory_space<vmem>>, %arg21: memref<4096x1xf32, #tpu.memory_space<vmem>>) attributes {dimension_semantics = [], scalar_prefetch = 0 : i64, scratch_operands = 0 : i64, tpu.core_type = #tpu.core_type<tc>} {
    %get3A = arith.constant 0 : index
    %get3A_0 = arith.constant 0 : index
    %get3A_1 = vector.load %arg10[%get3A, %get3A_0] : memref<384x128xf32, #tpu.memory_space<vmem>>, vector<384x128xf32>
    %get3A_2 = arith.constant 0 : index
    %get3A_3 = arith.constant 0 : index
    %get3A_4 = vector.load %arg11[%get3A_2, %get3A_3] : memref<384x128xf32, #tpu.memory_space<vmem>>, vector<384x128xf32>
    %get3A_5 = arith.constant 0 : index
    %get3A_6 = arith.constant 0 : index
    %get3A_7 = vector.load %arg9[%get3A_5, %get3A_6] : memref<4096x1xf32, #tpu.memory_space<vmem>>, vector<4096x1xf32>
    %get3A_8 = arith.constant 0 : index
    %get3A_9 = arith.constant 0 : index
    %get3A_10 = vector.load %arg4[%get3A_8, %get3A_9] : memref<4096x1xi32, #tpu.memory_space<vmem>>, vector<4096x1xi32>
    %gt3A = arith.constant 0 : i32
    %gt3A_11 = vector.broadcast %gt3A : i32 to vector<4096x1xi32>
    %gt3A_12 = arith.cmpi sgt, %get3A_10, %gt3A_11 : vector<4096x1xi32>
    %get3A_13 = arith.constant 0 : index
    %get3A_14 = arith.constant 0 : index
    %get3A_15 = vector.load %arg0[%get3A_13, %get3A_14] : memref<4096x128xf32, #tpu.memory_space<vmem>>, vector<4096x128xf32>
    %get3A_16 = arith.constant 0 : index
    %get3A_17 = arith.constant 0 : index
    %get3A_18 = vector.load %arg2[%get3A_16, %get3A_17] : memref<4096x1xf32, #tpu.memory_space<vmem>>, vector<4096x1xf32>
    %get3A_19 = arith.constant 0 : index
    %get3A_20 = arith.constant 0 : index
    %get3A_21 = vector.load %arg1[%get3A_19, %get3A_20] : memref<4096x128xf32, #tpu.memory_space<vmem>>, vector<4096x128xf32>
    %get3A_22 = arith.constant 0 : index
    %get3A_23 = arith.constant 0 : index
    %get3A_24 = vector.load %arg5[%get3A_22, %get3A_23] : memref<4096x128xf32, #tpu.memory_space<vmem>>, vector<4096x128xf32>
    %broadcast_in_dim3A = vector.shape_cast %gt3A_12 : vector<4096x1xi1> to vector<4096x1xi1>
    %broadcast_in_dim3A_25 = vector.broadcast %broadcast_in_dim3A : vector<4096x1xi1> to vector<4096x128xi1>
    %select_n3A = arith.select %broadcast_in_dim3A_25, %get3A_21, %get3A_24 : vector<4096x128xi1>, vector<4096x128xf32>
    %get3A_26 = arith.constant 0 : index
    %get3A_27 = arith.constant 0 : index
    %get3A_28 = vector.load %arg3[%get3A_26, %get3A_27] : memref<4096x1xf32, #tpu.memory_space<vmem>>, vector<4096x1xf32>
    %get3A_29 = arith.constant 0 : index
    %get3A_30 = arith.constant 0 : index
    %get3A_31 = vector.load %arg6[%get3A_29, %get3A_30] : memref<4096x1xf32, #tpu.memory_space<vmem>>, vector<4096x1xf32>
    %select_n3A_32 = arith.select %gt3A_12, %get3A_28, %get3A_31 : vector<4096x1xi1>, vector<4096x1xf32>
    %sub3A = arith.subf %get3A_7, %get3A_18 : vector<4096x1xf32>
    %get3A_33 = arith.constant 0 : index
    %get3A_34 = arith.constant 0 : index
    %get3A_35 = vector.load %arg15[%get3A_33, %get3A_34] : memref<1x128xf32, #tpu.memory_space<vmem>>, vector<1x128xf32>
    %mul3A = vector.broadcast %sub3A : vector<4096x1xf32> to vector<4096x128xf32>
    %mul3A_36 = vector.broadcast %get3A_35 : vector<1x128xf32> to vector<4096x128xf32>
    %mul3A_37 = arith.mulf %mul3A, %mul3A_36 : vector<4096x128xf32>
    %get3A_38 = arith.constant 0 : index
    %get3A_39 = arith.constant 0 : index
    %get3A_40 = vector.load %arg16[%get3A_38, %get3A_39] : memref<1x128xf32, #tpu.memory_space<vmem>>, vector<1x128xf32>
    %add3A = vector.broadcast %get3A_40 : vector<1x128xf32> to vector<4096x128xf32>
    %add3A_41 = arith.addf %mul3A_37, %add3A : vector<4096x128xf32>
    %max3A = arith.constant 0.000000e+00 : f32
    %max3A_42 = vector.broadcast %max3A : f32 to vector<4096x128xf32>
    %max3A_43 = arith.maximumf %add3A_41, %max3A_42 : vector<4096x128xf32>
    %sub3A_44 = arith.subf %get3A_7, %select_n3A_32 : vector<4096x1xf32>
    %get3A_45 = arith.constant 0 : index
    %get3A_46 = arith.constant 0 : index
    %get3A_47 = vector.load %arg15[%get3A_45, %get3A_46] : memref<1x128xf32, #tpu.memory_space<vmem>>, vector<1x128xf32>
    %mul3A_48 = vector.broadcast %sub3A_44 : vector<4096x1xf32> to vector<4096x128xf32>
    %mul3A_49 = vector.broadcast %get3A_47 : vector<1x128xf32> to vector<4096x128xf32>
    %mul3A_50 = arith.mulf %mul3A_48, %mul3A_49 : vector<4096x128xf32>
    %get3A_51 = arith.constant 0 : index
    %get3A_52 = arith.constant 0 : index
    %get3A_53 = vector.load %arg16[%get3A_51, %get3A_52] : memref<1x128xf32, #tpu.memory_space<vmem>>, vector<1x128xf32>
    %add3A_54 = vector.broadcast %get3A_53 : vector<1x128xf32> to vector<4096x128xf32>
    %add3A_55 = arith.addf %mul3A_50, %add3A_54 : vector<4096x128xf32>
    %max3A_56 = arith.constant 0.000000e+00 : f32
    %max3A_57 = vector.broadcast %max3A_56 : f32 to vector<4096x128xf32>
    %max3A_58 = arith.maximumf %add3A_55, %max3A_57 : vector<4096x128xf32>
    %slice3A = vector.extract_strided_slice %get3A_1 {offsets = [0, 0], sizes = [128, 128], strides = [1, 1]} : vector<384x128xf32> to vector<128x128xf32>
    %dot_general3A = arith.constant dense<0.000000e+00> : vector<4096x128xf32>
    %dot_general3A_59 = tpu.matmul %get3A_15, %slice3A, %dot_general3A {dimension_numbers = #tpu.dot_dimension_numbers<[1], [0], [0], [1], [0, 0, 1, 1], [], []>, transpose_lhs_hint = false} : vector<4096x128xf32>, vector<128x128xf32>, vector<4096x128xf32> -> vector<4096x128xf32>
    %get3A_60 = arith.constant 0 : index
    %get3A_61 = arith.constant 0 : index
    %get3A_62 = vector.load %arg7[%get3A_60, %get3A_61] : memref<4096x128xf32, #tpu.memory_space<vmem>>, vector<4096x128xf32>
    %slice3A_63 = vector.extract_strided_slice %get3A_1 {offsets = [128, 0], sizes = [128, 128], strides = [1, 1]} : vector<384x128xf32> to vector<128x128xf32>
    %dot_general3A_64 = arith.constant dense<0.000000e+00> : vector<4096x128xf32>
    %dot_general3A_65 = tpu.matmul %get3A_62, %slice3A_63, %dot_general3A_64 {dimension_numbers = #tpu.dot_dimension_numbers<[1], [0], [0], [1], [0, 0, 1, 1], [], []>, transpose_lhs_hint = false} : vector<4096x128xf32>, vector<128x128xf32>, vector<4096x128xf32> -> vector<4096x128xf32>
    %add3A_66 = arith.addf %dot_general3A_59, %dot_general3A_65 : vector<4096x128xf32>
    %get3A_67 = arith.constant 0 : index
    %get3A_68 = arith.constant 0 : index
    %get3A_69 = vector.load %arg12[%get3A_67, %get3A_68] : memref<128x128xf32, #tpu.memory_space<vmem>>, vector<128x128xf32>
    %dot_general3A_70 = arith.constant dense<0.000000e+00> : vector<4096x128xf32>
    %dot_general3A_71 = tpu.matmul %max3A_43, %get3A_69, %dot_general3A_70 {dimension_numbers = #tpu.dot_dimension_numbers<[1], [0], [0], [1], [0, 0, 1, 1], [], []>, transpose_lhs_hint = false} : vector<4096x128xf32>, vector<128x128xf32>, vector<4096x128xf32> -> vector<4096x128xf32>
    %add3A_72 = arith.addf %add3A_66, %dot_general3A_71 : vector<4096x128xf32>
    %slice3A_73 = vector.extract_strided_slice %get3A_4 {offsets = [0, 0], sizes = [128, 128], strides = [1, 1]} : vector<384x128xf32> to vector<128x128xf32>
    %dot_general3A_74 = arith.constant dense<0.000000e+00> : vector<4096x128xf32>
    %dot_general3A_75 = tpu.matmul %select_n3A, %slice3A_73, %dot_general3A_74 {dimension_numbers = #tpu.dot_dimension_numbers<[1], [0], [0], [1], [0, 0, 1, 1], [], []>, transpose_lhs_hint = false} : vector<4096x128xf32>, vector<128x128xf32>, vector<4096x128xf32> -> vector<4096x128xf32>
    %add3A_76 = arith.addf %add3A_72, %dot_general3A_75 : vector<4096x128xf32>
    %get3A_77 = arith.constant 0 : index
    %get3A_78 = arith.constant 0 : index
    %get3A_79 = vector.load %arg8[%get3A_77, %get3A_78] : memref<4096x128xf32, #tpu.memory_space<vmem>>, vector<4096x128xf32>
    %slice3A_80 = vector.extract_strided_slice %get3A_4 {offsets = [128, 0], sizes = [128, 128], strides = [1, 1]} : vector<384x128xf32> to vector<128x128xf32>
    %dot_general3A_81 = arith.constant dense<0.000000e+00> : vector<4096x128xf32>
    %dot_general3A_82 = tpu.matmul %get3A_79, %slice3A_80, %dot_general3A_81 {dimension_numbers = #tpu.dot_dimension_numbers<[1], [0], [0], [1], [0, 0, 1, 1], [], []>, transpose_lhs_hint = false} : vector<4096x128xf32>, vector<128x128xf32>, vector<4096x128xf32> -> vector<4096x128xf32>
    %add3A_83 = arith.addf %add3A_76, %dot_general3A_82 : vector<4096x128xf32>
    %get3A_84 = arith.constant 0 : index
    %get3A_85 = arith.constant 0 : index
    %get3A_86 = vector.load %arg13[%get3A_84, %get3A_85] : memref<128x128xf32, #tpu.memory_space<vmem>>, vector<128x128xf32>
    %dot_general3A_87 = arith.constant dense<0.000000e+00> : vector<4096x128xf32>
    %dot_general3A_88 = tpu.matmul %max3A_58, %get3A_86, %dot_general3A_87 {dimension_numbers = #tpu.dot_dimension_numbers<[1], [0], [0], [1], [0, 0, 1, 1], [], []>, transpose_lhs_hint = false} : vector<4096x128xf32>, vector<128x128xf32>, vector<4096x128xf32> -> vector<4096x128xf32>
    %add3A_89 = arith.addf %add3A_83, %dot_general3A_88 : vector<4096x128xf32>
    %get3A_90 = arith.constant 0 : index
    %get3A_91 = arith.constant 0 : index
    %get3A_92 = vector.load %arg14[%get3A_90, %get3A_91] : memref<1x128xf32, #tpu.memory_space<vmem>>, vector<1x128xf32>
    %add3A_93 = vector.broadcast %get3A_92 : vector<1x128xf32> to vector<4096x128xf32>
    %add3A_94 = arith.addf %add3A_89, %add3A_93 : vector<4096x128xf32>
    %max3A_95 = arith.constant 0.000000e+00 : f32
    %max3A_96 = vector.broadcast %max3A_95 : f32 to vector<4096x128xf32>
    %max3A_97 = arith.maximumf %add3A_94, %max3A_96 : vector<4096x128xf32>
    %get3A_98 = arith.constant 0 : index
    %get3A_99 = arith.constant 0 : index
    %get3A_100 = vector.load %arg17[%get3A_98, %get3A_99] : memref<128x64xf32, #tpu.memory_space<vmem>>, vector<128x64xf32>
    %dot_general3A_101 = arith.constant dense<0.000000e+00> : vector<4096x64xf32>
    %dot_general3A_102 = tpu.matmul %max3A_97, %get3A_100, %dot_general3A_101 {dimension_numbers = #tpu.dot_dimension_numbers<[1], [0], [0], [1], [0, 0, 1, 1], [], []>, transpose_lhs_hint = false} : vector<4096x128xf32>, vector<128x64xf32>, vector<4096x64xf32> -> vector<4096x64xf32>
    %get3A_103 = arith.constant 0 : index
    %get3A_104 = arith.constant 0 : index
    %get3A_105 = vector.load %arg18[%get3A_103, %get3A_104] : memref<1x64xf32, #tpu.memory_space<vmem>>, vector<1x64xf32>
    %add3A_106 = vector.broadcast %get3A_105 : vector<1x64xf32> to vector<4096x64xf32>
    %add3A_107 = arith.addf %dot_general3A_102, %add3A_106 : vector<4096x64xf32>
    %max3A_108 = arith.constant 0.000000e+00 : f32
    %max3A_109 = vector.broadcast %max3A_108 : f32 to vector<4096x64xf32>
    %max3A_110 = arith.maximumf %add3A_107, %max3A_109 : vector<4096x64xf32>
    %get3A_111 = arith.constant 0 : index
    %get3A_112 = arith.constant 0 : index
    %get3A_113 = vector.load %arg19[%get3A_111, %get3A_112] : memref<64x1xf32, #tpu.memory_space<vmem>>, vector<64x1xf32>
    %dot_general3A_114 = arith.constant dense<0.000000e+00> : vector<4096x1xf32>
    %dot_general3A_115 = tpu.matmul %max3A_110, %get3A_113, %dot_general3A_114 {dimension_numbers = #tpu.dot_dimension_numbers<[1], [0], [0], [1], [0, 0, 1, 1], [], []>, transpose_lhs_hint = false} : vector<4096x64xf32>, vector<64x1xf32>, vector<4096x1xf32> -> vector<4096x1xf32>
    %get3A_116 = arith.constant 0 : index
    %get3A_117 = arith.constant 0 : index
    %get3A_118 = vector.load %arg20[%get3A_116, %get3A_117] : memref<1x1xf32, #tpu.memory_space<vmem>>, vector<1x1xf32>
    %add3A_119 = vector.broadcast %get3A_118 : vector<1x1xf32> to vector<4096x1xf32>
    %add3A_120 = arith.addf %dot_general3A_115, %add3A_119 : vector<4096x1xf32>
    %swap3A = arith.constant 0 : index
    %swap3A_121 = arith.constant 0 : index
    %swap3A_122 = vector.load %arg21[%swap3A, %swap3A_121] : memref<4096x1xf32, #tpu.memory_space<vmem>>, vector<4096x1xf32>
    tpu.vector_store %arg21[%swap3A, %swap3A_121], %add3A_120 {strides = array<i32>} : memref<4096x1xf32, #tpu.memory_space<vmem>>, vector<4096x1xf32>,
    return
  }
}

</mosaic_0001>

<sc_bundles>
// kernel: kernel.11.cloned.1.call-start
scs
__scs_entry_jumppad:
0x0: {  	(pc) =	sbr.rel $0x88, $3  }
0x1: {  	(tag) =	ssettag $0x0;
	lr =	simm.s32 $0x1  }
0x2: {  	[smem:$0x3F7F] =	sst lr;
	_ =	strace $0xD0000000  }
0x3: {  	_ = 	snop  }
0x4: {  	_ = 	snop  }
0x5: {  	_ = 	snop  }
0x6: {  	_ = 	snop  }
0x7: {  	_ = 	snop  }
__scs_overlays_trampoline_lowered:
0x8: {  	[smem:$0x3F8E] =	sst s0  }
0x9: {  	[smem:$0x3F8F] =	sst s1  }
0xa: {  	[smem:$0x3F90] =	sst s2  }
0xb: {  	[smem:$0x3F91] =	sst s3  }
0xc: {  	[smem:$0x3F92] =	sst s4  }
0xd: {  	[smem:$0x3F93] =	sst s5  }
0xe: {  	[smem:$0x3F94] =	sst s6  }
0xf: {  	[smem:$0x3F95] =	sst s7  }
0x10: {  	[smem:$0x3F96] =	sst s8  }
0x11: {  	[smem:$0x3F97] =	sst s9;
	s0 =	simm.s32 @!p0 $0x0  }
0x12: {  	s1 =	sld [smem:$0x3F7D];
	s0 =	simm.s32 @p0 $0x1  }
0x13: {  	[smem:$0x3F98] =	sst s0;
	s0 =	simm.s32 @!p1 $0x0  }
0x14: {  	s2 =	sld [smem:$0x3F7C];
	s0 =	simm.s32 @p1 $0x1  }
0x15: {  	[smem:$0x3F99] =	sst s0;
	s0 =	simm.s32 @!p2 $0x0  }
0x16: {  	s3 =	sld [smem:$0x3FDB];
	s0 =	simm.s32 @p2 $0x1  }
0x17: {  	s4 =	simm.s32 $0x1BF5;
	[smem:$0x3F9B] =	sst s0  }
0x18: {  	s0 =	sld [smem:$0x3F7E];
	_ =	swait.ge [sflag:s4], $0x0  }
0x19: {  	s7 =	sld [smem:$0x3F7F]  }
0x1a: {  	s8 =	sadd.s32 $0xFFFFE003, lr  }
0x1b: {  	s9 =	sadd.s32 $0xFFFFFEF7, lr;
	s5 =	simm.s32 $0xFFFFFFFF;
	p2 =	slt.u32 s8, $0xFFFFF086  }
0x1c: {  	p1 =	slt.u32 s9, $0xF7A;
	s5 =	simm.s32 @!p2 $0x0  }
0x1d: {  	s5 =	simm.s32 @p1 $0x1;
	p0 =	seq.s32 s7, s2  }
0x1e: {  	s7 =	smul.u32 @!p0 $0xF7A, s2;
	p2 =	seq.s32 @!p0 s5, $0x0  }
0x1f: {  	s9 =	smul.u32 $0xF7A, s1;
	s8 =	simm.s32 @!p0 $0x1BF5;
	p2 =	por !p2, p0  }
0x20: {  	[sflag:s8] =	ssyncset.s32 @!p0 $0xFFFFF086;
	s6 =	sadd.s32 @!p0 s3, s7;
	s7 =	simm.s32 @!p0 $0x108  }
0x21: {  	s3 =	sadd.s32 s3, s9;
	s6 =	sadd.s32 @!p0 $0x88, s6;
	s7 =	simm.s32 @p2 $0x1082  }
0x22: {  	[simem:s7], [sflag:s8] =	dma.local @!p0 [hbm:s6], $0xF7A  }
0x23: {  	s9 =	sor.u32 $0xD0000000, s2;
	s6 =	simm.s32 $0x108;
	_ =	swait.ge @!p0 [sflag:s8], $0x0  }
0x24: {  	s3 =	sadd.s32 $0x88, s3;
	s6 =	simm.s32 @!p1 $0x1082;
	[sflag:s4] =	ssyncset.s32 $0xFFFFF086  }
0x25: {  	[simem:s6], [sflag:s4] =	dma.local [hbm:s3], $0xF7A  }
0x26: {  	[smem:$0x3F7F] =	sst s1;
	(tag) =	ssettag s2;
	_ =	strace s9  }
0x27: {  	s1 =	sld [smem:$0x3F8F]  }
0x28: {  	s2 =	sld [smem:$0x3F90]  }
0x29: {  	s4 =	sld [smem:$0x3F92]  }
0x2a: {  	p0 =	seq.s32 s5, $0x0;
	s5 =	sld [smem:$0x3F93]  }
0x2b: {  	s6 =	sld [smem:$0x3F94]  }
0x2c: {  	s7 =	sld [smem:$0x3F95]  }
0x2d: {  	s3 =	simm.s32 $0x108;
	s8 =	sld [smem:$0x3F96]  }
0x2e: {  	s3 =	simm.s32 @!p0 $0x1082;
	s9 =	sld [smem:$0x3F97]  }
0x2f: {  	lr =	sadd.s32 s0, s3;
	s0 =	sld [smem:$0x3F8E]  }
0x30: {  	s3 =	sld [smem:$0x3F91]  }
0x31: {  	[smem:$0x3F9A] =	sst s10  }
0x32: {  	s10 =	sld [smem:$0x3F98];
	_ =	sdelay $0x3  }
0x33: {  	p0 =	seq.s32 s10, $0x1;
	s10 =	sld [smem:$0x3F9A];
	_ =	sdelay $0x3  }
0x34: {  	[smem:$0x3F9A] =	sst s10  }
0x35: {  	s10 =	sld [smem:$0x3F99];
	_ =	sdelay $0x3  }
0x36: {  	p1 =	seq.s32 s10, $0x1;
	s10 =	sld [smem:$0x3F9A];
	_ =	sdelay $0x3  }
0x37: {  	[smem:$0x3F9A] =	sst s10  }
0x38: {  	s10 =	sld [smem:$0x3F9B]  }
0x39: {  	_ = 	snop;
	(pc) =	sbr.ind lr, $3  }
0x3a: {  	_ = 	snop  }
0x3b: {  	_ = 	snop  }
0x3c: {  	p2 =	seq.s32 s10, $0x1;
	s10 =	sld [smem:$0x3F9A]  }
0x3d: {  	_ =	shalt  }
0x3e: {  	_ =	shalt  }
0x3f: {  	_ =	shalt  }
0x40: {  	_ =	shalt  }
0x41: {  	_ =	shalt  }
0x42: {  	_ =	shalt  }
0x43: {  	_ =	shalt  }
0x44: {  	_ =	shalt  }
0x45: {  	_ =	shalt  }
0x46: {  	_ =	shalt  }
0x47: {  	_ =	shalt  }
0x48: {  	_ =	shalt  }
0x49: {  	_ =	shalt  }
0x4a: {  	_ =	shalt  }
0x4b: {  	_ =	shalt  }
0x4c: {  	_ =	shalt  }
0x4d: {  	_ =	shalt  }
0x4e: {  	_ =	shalt  }
0x4f: {  	_ =	shalt  }
0x50: {  	_ =	shalt  }
0x51: {  	_ =	shalt  }
0x52: {  	_ =	shalt  }
0x53: {  	_ =	shalt  }
0x54: {  	_ =	shalt  }
0x55: {  	_ =	shalt  }
0x56: {  	_ =	shalt  }
0x57: {  	_ =	shalt  }
0x58: {  	_ =	shalt  }
0x59: {  	_ =	shalt  }
0x5a: {  	_ =	shalt  }
0x5b: {  	_ =	shalt  }
0x5c: {  	_ =	shalt  }
0x5d: {  	_ =	shalt  }
0x5e: {  	_ =	shalt  }
0x5f: {  	_ =	shalt  }
0x60: {  	_ =	shalt  }
0x61: {  	_ =	shalt  }
0x62: {  	_ =	shalt  }
0x63: {  	_ =	shalt  }
0x64: {  	_ =	shalt  }
0x65: {  	_ =	shalt  }
0x66: {  	_ =	shalt  }
0x67: {  	_ =	shalt  }
0x68: {  	_ =	shalt  }
0x69: {  	_ =	shalt  }
0x6a: {  	_ =	shalt  }
0x6b: {  	_ =	shalt  }
0x6c: {  	_ =	shalt  }
0x6d: {  	_ =	shalt  }
0x6e: {  	_ =	shalt  }
0x6f: {  	_ =	shalt  }
0x70: {  	_ =	shalt  }
0x71: {  	_ =	shalt  }
0x72: {  	_ =	shalt  }
0x73: {  	_ =	shalt  }
0x74: {  	_ =	shalt  }
0x75: {  	_ =	shalt  }
0x76: {  	_ =	shalt  }
0x77: {  	_ =	shalt  }
0x78: {  	_ =	shalt  }
0x79: {  	_ =	shalt  }
0x7a: {  	_ =	shalt  }
0x7b: {  	_ =	shalt  }
0x7c: {  	_ =	shalt  }
0x7d: {  	_ =	shalt  }
0x7e: {  	_ =	shalt  }
0x7f: {  	_ =	shalt  }
0x80: {  	_ =	shalt  }
0x81: {  	_ =	shalt  }
0x82: {  	_ =	shalt  }
0x83: {  	_ =	shalt  }
0x84: {  	_ =	shalt  }
0x85: {  	_ =	shalt  }
0x86: {  	_ =	shalt  }
0x87: {  	_ =	shalt  }
.Lfunc_end0:
.L_simem_size_0:
called_computation.1_lowered:
.L_overlay_start_0:
0x88: {  	s2 =	sld [smem:$0x3FD9]  }
0x89: {  	s3 =	sld [smem:$0x3FFE];
	_ =	sdelay $0x1  }
0x8a: {  	s1 =	srdreg.scid  }
0x8b: {  	s0 =	sand.u32 $0x1, s1  }
0x8c: {  	s18 =	sshll.u32 s0, $0xA;
	s2 =	sadd.s32 s3, s2  }
0x8d: {  	s3 =	sadd.s32 s2, s18  }
0x8e: {  	[smem:$0x3FA6] =	sst s3  }
0x8f: {  	_ = 	snop  }
0x90: {  	s4 =	sld [smem:$0x3FC9]  }
0x91: {  	s5 =	sld [smem:$0x3FC8]  }
0x92: {  	s6 =	sld [smem:$0x3FC5]  }
0x93: {  	s7 =	sld [smem:$0x3FC3];
	(tm) =	ssettm $0x1  }
0x94: {  	s19 =	sld [smem:$0x3FFB];
	_ =	sdelay $0x3  }
0x95: {  	_ =	strace s19  }
0x96: {  	s3 =	sld [smem:$0x3FFC];
	_ =	sdelay $0x3  }
0x97: {  	_ =	strace s3  }
0x98: {  	s3 =	sld [smem:$0x3FFD];
	_ =	sdelay $0x3  }
0x99: {  	_ =	strace s3  }
0x9a: {  	_ =	strace $0x8FFFFFFF  }
0x9b: {  	s20 =	sld [smem:$0x3FDB];
	_ =	sdelay $0x1  }
0x9c: {  	s8 =	simm.s32 $_scs_section_size  }
0x9d: {  	s9 =	simm.s32 $_size__tile_overlayer_lowered;
	s10 =	simm.s32 $_tile_overlayer_lowered  }
0x9e: {  	s11 =	simm.s32 $0x1BFF;
	s21 =	sshll.u32 s10, $0x1;
	s8 =	sadd.s32 s8, s20  }
0x9f: {  	s22 =	simm.s32 $0x0;
	s9 =	sshll.u32 s9, $0x1;
	s10 =	sadd.s32 s21, s8  }
0xa0: {  	[timem:s22], [sflag:s11] =	dma.local [hbm:s10], s9  }
0xa1: {  	_ =	swait.ge [sflag:s11], s9  }
0xa2: {  	s9 =	ssub.s32 $0x0, s9;
	[sflag:s11] =	ssyncset.done $0x0  }
0xa3: {  	[sflag:s11] =	ssyncadd.s32 s9;
	_ =	sdelay $0x1  }
0xa4: {  	s23 =	simm.s32 $0x1B8B  }
0xa5: {  	_ =	swait.ge [sflag:s23], $0x1  }
0xa6: {  	[sflag:s23] =	ssyncset.done $0x0  }
0xa7: {  	[sflag:s23] =	ssyncadd.s32 $0xFFFFFFFF  }
0xa8: {  	s9 =	sld [smem:$0x0]  }
0xa9: {  	s10 =	sand.u32 $0xFFFFFFFE, s1  }
0xaa: {  	p0 =	sne.s32 s1, s10  }
0xab: {  	s10 =	sshll.u32 @p0 s10, $0xE  }
0xac: {  	s10 =	sadd.s32 @p0 $0x11B8D, s10;
	s11 =	sshll.u32 @p0 s9, $0x11  }
0xad: {  	s10 =	sor.u32 @p0 s11, s10  }
0xae: {  	[sflag:s10] =	ssyncadd.remote.s32 @p0 $0x1;
	_ =	sdelay $0x1  }
0xaf: {  	s10 =	simm.s32 @p0 $0x1B8D  }
0xb0: {  	_ =	swait.eq @p0 [sflag:s10], $0x1  }
0xb1: {  	[sflag:s10] =	ssyncadd.s32 @p0 $0xFFFFFFFF  }
0xb2: {  	s11 =	sshll.u32 @!p0 s1, $0xE  }
0xb3: {  	s11 =	sor.u32 @!p0 $0x4000, s11;
	s10 =	simm.s32 @!p0 $0x1B8D  }
0xb4: {  	s9 =	sshll.u32 @!p0 s9, $0x11;
	s11 =	sadd.s32 @!p0 $0x11B8D, s11;
	_ =	swait.eq @!p0 [sflag:s10], $0x1  }
0xb5: {  	s9 =	sor.u32 @!p0 s9, s11;
	[sflag:s10] =	ssyncadd.s32 @!p0 $0xFFFFFFFF  }
0xb6: {  	s25 =	simm.s32 $0x1B8E;
	s24 =	sld [smem:$0x3FFE];
	[sflag:s9] =	ssyncadd.remote.s32 @!p0 $0x1  }
0xb7: {  	s26 =	simm.s32 $execute0_lowered;
	[smem:$0x3FD2] =	sst s25  }
0xb8: {  	s10 =	sshll.u32 s26, $0x1;
	_ =	strace $0x80000049;
	[dreg:$0x1] =	wrdreg $0xFFFFFFFF  }
0xb9: {  	s28 =	simm.s32 $_size_execute0_lowered;
	s8 =	sadd.s32 s8, s10;
	[dreg:$0x0] =	wrdreg $0x0  }
0xba: {  	s10 =	sshll.u32 s28, $0x1;
	[dreg:$0x2] =	wrdreg s8  }
0xbb: {  	[dreg:$0x3] =	wrdreg s10  }
0xbc: {  	[dreg:$0x4] =	wrdreg $0xC0  }
0xbd: {  	_ =	task [dreg:s22], $0x5FFFF  }
0xbe: {  	[dreg:$0x1] =	wrdreg $0xFFFFFFFF  }
0xbf: {  	[dreg:$0x0] =	wrdreg $0x60  }
0xc0: {  	[dreg:$0x2] =	wrdreg s4  }
0xc1: {  	[dreg:$0x3] =	wrdreg s5  }
0xc2: {  	[dreg:$0x4] =	wrdreg s6  }
0xc3: {  	[dreg:$0x5] =	wrdreg s7  }
0xc4: {  	s2 =	sadd.s32 $0x800, s2;
	[dreg:$0x6] =	wrdreg s24  }
0xc5: {  	[dreg:$0x7] =	wrdreg s2  }
0xc6: {  	[dreg:$0x8] =	wrdreg $0xA  }
0xc7: {  	_ =	task.clear_ibuf [dreg:s22], $0x9FFFF;
	_ =	strace $0x90000049  }
0xc8: {  	s29 =	simm.s32 $0xA;
	_ =	strace $0x8000004B  }
0xc9: {  	_ =	swait.ge [sflag:s29], $0x1  }
0xca: {  	[sflag:s29] =	ssyncadd.s32 $0xFFFFFFFF  }
0xcb: {  	_ =	strace $0x9000004B  }
0xcc: {  	_ =	sfence  }
0xcd: {  	s30 =	sld [smem:$0x0];
	_ =	sdelay $0x2  }
0xce: {  	s31 =	sshll.u32 s1, $0xD;
	s1 =	sshrl.u32 s1, $0x2  }
0xcf: {  	s4 =	sand.u32 $0x4000, s31;
	s1 =	sadd.s32 s1, s30  }
0xd0: {  	s0 =	sor.u32 s4, s0;
	s1 =	sshll.u32 s1, $0x11  }
0xd1: {  	s0 =	sor.u32 s1, s0  }
0xd2: {  	s0 =	sadd.s32 $0x8F2B, s0  }
0xd3: {  	[sflag:s0] =	ssyncadd.remote.s32 $0x1  }
0xd4: {  	_ =	sfence.sel $0xFFFF  }
0xd5: {  	[dreg:$0x0] =	wrdreg $0xFFFFFFFF;
	(pc) =	sbr.abs _section_cstart, $3  }
0xd6: {  	[dreg:$0x1] =	wrdreg $0xFFFFFFFF  }
0xd7: {  	_ =	task.clear_ibuf [dreg:s22], $0x2FFFF;
	_ =	strace $0x9FFFFFFF  }
0xd8: {  	(tm) =	ssettm $0x7FFFFFFF  }
0xd9: {  	_ =	shalt  }
tec
execute0_lowered:
.L_overlay_start_1:
0x0: {  	(tag) =	ssettag $0x1  }
0x1: {  	s10 =	rddreg [dreg:$0x0]  }
0x2: {  	s0 =	rddreg [dreg:$0x1]  }
0x3: {  	s1 =	rddreg [dreg:$0x4]  }
0x4: {  	s5 =	rddreg [dreg:$0x5];
	s2 =	srdreg.scid  }
0x5: {  	s6 =	simm.s32 $0x0;
	s11 =	stileid.u32;
	s19 =	simm.s32 $0x2C80  }
0x6: {  	s22 =	simm.s32 $0x6D80;
	s28 =	simm.s32 $0x2;
	s29 =	simm.s32 $0xAD80  }
0x7: {  	s30 =	simm.s32 $0x1;
	s2 =	sand.u32 $0x1, s2;
	[smem:$0x7FF] =	sst s6  }
0x8: {  	s3 =	sshll.u32 s11, $0x8;
	s7 =	sadd.s32 $0x6C00, s1;
	s14 =	smul.u32 $0x1C00, s11  }
0x9: {  	s24 =	smul.u32 $0x380, s11;
	s4 =	sshll.u32 s2, $0x7;
	s2 =	ssub.s32 $0x2, s2  }
0xa: {  	_ =	strace $0x8000004A;
	s3 =	sor.u32 s4, s3;
	s8 =	sshrl.u32 s2, $0x1  }
0xb: {  	s31 =	sadd.s32 $0x1C00, s14;
	s24 =	sadd.s32 s24, s5;
	s4 =	sshll.u32 s3, $0x4  }
0xc: {  	s9 =	sshrl.u32 s3, $0x3;
	s2 =	ssub.s32 s2, s8;
	s17 =	sor.u32 $0x10, s3  }
0xd: {  	v12 =	vlaneseq.u32;
	s18 =	sor.u32 $0x20, s3;
	s20 =	sor.u32 $0x30, s3;
	s21 =	sor.u32 $0x40, s3  }
0xe: {  	v7 =	vmul.u32 $0x80, v12;
	s23 =	sor.u32 $0x50, s3;
	s25 =	sor.u32 $0x60, s3;
	s26 =	sor.u32 $0x70, s3  }
0xf: {  	v2 =	vor.u32 s3, v12;
	s3 =	simm.s32 $0x0;
	s4 =	sadd.s32 s4, s1;
	s1 =	sadd.s32 s9, s1  }
0x10: {  	v11 =	vimm.s32 $0x0;
	v0 =	vmov s14;
	v13 =	vor.u32 $0x800, v7;
	s8 =	sadd.s32 s10, s9;
	s9 =	sadd.s32 s0, s9;
	s16 =	smax.u32 s2, $0x1  }
0x11: {  	v3 =	vor.u32 s17, v12;
	v4 =	vor.u32 s18, v12;
	s17 =	simm.s32 $0x2C00;
	s18 =	simm.s32 $0x3;
	v5 =	vor.u32 s20, v12;
	s20 =	simm.s32 $0x80  }
0x12: {  	v6 =	vor.u32 s21, v12;
	s21 =	simm.s32 $0x2D80;
	v8 =	vor.u32 s23, v12;
	v9 =	vor.u32 s25, v12;
	s23 =	simm.s32 $0x1000;
	s25 =	simm.s32 $0x2D00  }
0x13: {  	v14 =	vor.u32 $0x1000, v7;
	v15 =	vor.u32 $0x1800, v7;
	v10 =	vor.u32 s26, v12;
	s26 =	simm.s32 $0xED80;
	s2 =	simm.s32 $0x12F00;
	s10 =	sadd.s32 $0x3AC00, s4  }
0x14: {  	v16 =	vor.u32 $0x2000, v7;
	v17 =	vor.u32 $0x2800, v7;
	v18 =	vor.u32 $0x3000, v7;
	s11 =	sadd.s32 $0x4AC00, s4;
	s12 =	sadd.s32 $0x3A600, s1;
	s13 =	sadd.s32 $0x3A800, s1  }
0x15: {  	v19 =	vor.u32 $0x3800, v7;
	v1 =	vmov s31;
	v12 =	vadd.s32 $0x1, v12;
	s14 =	sadd.s32 $0x3AA00, s1;
	s15 =	sadd.s32 $0x3A400, s1;
	s4 =	simm.s32 $0x12E80  }
.LBB2_1:
0x16: {  	[tilespmem:s17], [sflag:$0x3] =	stream.linear.gather [hbm4b:s8+s6], $0x80, $0x38;
	[tilespmem:$0x12F80] =	vst v63  }
0x17: {  	_ =	swait.ge [sflag:s18], $0x80  }
0x18: {  	[sflag:s18] =	ssyncset.done $0x0  }
0x19: {  	[sflag:s18] =	ssyncadd.s32 $0xFFFFFF80  }
0x1a: {  	[tilespmem:s19], [sflag:$0x3] =	stream.linear.gather [hbm4b:s9+s6], $0x80, $0x38;
	[tilespmem:$0x12F80] =	vst v63  }
0x1b: {  	_ =	swait.ge [sflag:s18], $0x80  }
0x1c: {  	[sflag:s18] =	ssyncset.done $0x0  }
0x1d: {  	[sflag:s18] =	ssyncadd.s32 $0xFFFFFF80  }
0x1e: {  	s0 =	rddreg [dreg:$0x2]  }
0x1f: {  	[tilespmem:s21], [sflag:$0x1] =	stream.indirect.gather [hbm4b:s0+s20], $0x80, s17, s20, $0xb8;
	[tilespmem:$0x12F80] =	vst v63  }
0x20: {  	s1 =	rddreg [dreg:$0x3]  }
0x21: {  	[tilespmem:s22], [sflag:$0x1] =	stream.indirect.gather [hbm4b:s1+s20], $0x80, s19, s20, $0xb8;
	[tilespmem:$0x12F80] =	vst v63  }
0x22: {  	s1 =	rddreg [dreg:$0x0]  }
0x23: {  	[tilespmem:s6], [sflag:$0x3] =	stream.linear.gather [hbm4b:s1+s6], $0x1000, $0x38;
	[tilespmem:$0x12F80] =	vst v63  }
0x24: {  	_ =	swait.ge [sflag:s18], $0x1000  }
0x25: {  	[sflag:s18] =	ssyncset.done $0x0  }
0x26: {  	s31 =	simm.s32 $0x200;
	s1 =	simm.s32 $0x0;
	[sflag:s18] =	ssyncadd.s32 $0xFFFFF000  }
.LBB2_2:
0x27: {  	p0 =	sne.s32 s31, $0x6E00;
	[tilespmem:s1+$0x1070] =	vst v11  }
0x28: {  	[tilespmem:s1+$0x1000] =	vst v11  }
0x29: {  	[tilespmem:s1+$0x1010] =	vst v11  }
.Ltmp0:
0x2a: {  	[tilespmem:s1+$0x1020] =	vst v11;
	(pc) =	sbr.rel @p0 .LBB2_2-.Ltmp0, $4  }
0x2b: {  	[tilespmem:s1+$0x1030] =	vst v11  }
0x2c: {  	[tilespmem:s1+$0x1040] =	vst v11  }
0x2d: {  	[tilespmem:s1+$0x1050] =	vst v11  }
0x2e: {  	[tilespmem:s1+$0x1060] =	vst v11;
	s1 =	sshra.s32 s31, $0x2;
	s31 =	sadd.s32 $0x200, s31  }
0x2f: {  	[tilespmem:s1+$0x1070] =	vst v11  }
0x30: {  	[tilespmem:s1+$0x1000] =	vst v11  }
0x31: {  	[tilespmem:s1+$0x1010] =	vst v11  }
0x32: {  	[tilespmem:s1+$0x1020] =	vst v11  }
0x33: {  	[tilespmem:s1+$0x1030] =	vst v11  }
0x34: {  	[tilespmem:s1+$0x1040] =	vst v11  }
0x35: {  	[tilespmem:s1+$0x1050] =	vst v11  }
0x36: {  	[tilespmem:s1+$0x1060] =	vst v11;
	s1 =	simm.s32 $0x0;
	s31 =	simm.s32 $0x20  }
.LBB2_4:
0x37: {  	v20 =	vld [tilespmem:s31+$0xFFFFFFE0];
	_ =	sdelay $0x4  }
0x38: {  	vm0 =	vge.s32 v20, v0;
	vm1 =	vlt.s32 v20, v1  }
0x39: {  	vm0 =	vmand vm0, vm1  }
0x3a: {  	v21 =	vsel vm0, $0x1, v11  }
0x3b: {  	(xrf0) =	vadd.scan.msk.s32 $0xffff, v21;
	_ =	sdelay $0x5  }
0x3c: {  	v21, _, _ =	vpop (xrf0)  }
0x3d: {  	(v2sf) =	vpush v21, $0xF;
	_ =	sdelay $0xe  }
0x3e: {  	s0 =	spop (v2sf)  }
0x3f: {  	p0 =	slt.s32 s0, $0x2  }
0x40: {  	vm1 =	vmmov @!p0 $0x1  }
0x41: {  	v20 =	vsub.s32 v20, v0;
	vm2 =	vcmask @!p0 $0x704;
	vm1 =	vmand @!p0 vm0, vm1  }
0x42: {  	v20 =	vnsel vm0, $0x0, v20;
	vm3 =	vcmask @!p0 $0xB08;
	vm2 =	vmand @!p0 vm0, vm2  }
0x43: {  	vm4 =	vcmask @!p0 $0xF0C;
	vm3 =	vmand @!p0 vm0, vm3  }
0x44: {  	vm5 =	vcmask @!p0 $0x1310;
	vm4 =	vmand @!p0 vm0, vm4  }
0x45: {  	vm6 =	vcmask @!p0 $0x1714;
	vm5 =	vmand @!p0 vm0, vm5  }
0x46: {  	v21 =	vor.u32 s1, v12;
	s0 =	simm.s32 @!p0 $0x1000;
	vm7 =	vcmask @!p0 $0x1B18;
	vm6 =	vmand @!p0 vm0, vm6  }
0x47: {  	[tilespmem:v20+s0+$0x0] =	vst.idx.msk @!p0 vm1, v21;
	vm1 =	vmand @!p0 vm0, vm7;
	vm7 =	vcmask @!p0 $0x1F1C  }
0x48: {  	[tilespmem:v20+s0+$0x0] =	vst.idx.msk @!p0 vm2, v21;
	vm2 =	vmand @!p0 vm0, vm7;
	vm7 =	vcmask @!p0 $0x2320  }
0x49: {  	[tilespmem:v20+s0+$0x0] =	vst.idx.msk @!p0 vm3, v21;
	vm3 =	vmand @!p0 vm0, vm7;
	vm7 =	vcmask @!p0 $0x2724  }
0x4a: {  	[tilespmem:v20+s0+$0x0] =	vst.idx.msk @!p0 vm4, v21;
	vm4 =	vmand @!p0 vm0, vm7;
	vm7 =	vcmask @!p0 $0x2B28  }
0x4b: {  	[tilespmem:v20+s0+$0x0] =	vst.idx.msk @!p0 vm5, v21;
	vm5 =	vmand @!p0 vm0, vm7;
	vm7 =	vcmask @!p0 $0x2F2C  }
0x4c: {  	[tilespmem:v20+s0+$0x0] =	vst.idx.msk @!p0 vm6, v21;
	vm6 =	vmand @!p0 vm0, vm7;
	vm7 =	vcmask @!p0 $0x3330  }
0x4d: {  	[tilespmem:v20+s0+$0x0] =	vst.idx.msk @!p0 vm1, v21;
	vm1 =	vmand @!p0 vm0, vm7;
	vm7 =	vcmask @!p0 $0x3734  }
0x4e: {  	vm8 =	vcmask @!p0 $0x3F3C;
	[tilespmem:v20+s0+$0x0] =	vst.idx.msk @!p0 vm2, v21;
	vm2 =	vmand @!p0 vm0, vm7;
	vm7 =	vcmask @!p0 $0x3B38  }
0x4f: {  	[tilespmem:v20+s0+$0x0] =	vst.idx.msk @!p0 vm3, v21;
	vm3 =	vmand @!p0 vm0, vm7;
	vm7 =	vmand @!p0 vm0, vm8  }
0x50: {  	[tilespmem:v20+s0+$0x0] =	vst.idx.msk @!p0 vm4, v21;
	vm7 =	vmmov @p0 vm0  }
0x51: {  	[tilespmem:v20+s0+$0x0] =	vst.idx.msk @!p0 vm5, v21  }
0x52: {  	[tilespmem:v20+s0+$0x0] =	vst.idx.msk @!p0 vm6, v21  }
0x53: {  	[tilespmem:v20+s0+$0x0] =	vst.idx.msk @!p0 vm1, v21  }
0x54: {  	[tilespmem:v20+s0+$0x0] =	vst.idx.msk @!p0 vm2, v21  }
0x55: {  	[tilespmem:v20+s0+$0x0] =	vst.idx.msk @!p0 vm3, v21  }
0x56: {  	[tilespmem:v20+s23+$0x0] =	vst.idx.msk vm7, v21  }
0x57: {  	v20 =	vld [tilespmem:s31+$0xFFFFFFF0];
	_ =	sdelay $0x4  }
0x58: {  	vm10 =	vge.s32 v20, v0;
	vm11 =	vlt.s32 v20, v1  }
0x59: {  	vm0 =	vmand vm10, vm11  }
0x5a: {  	v61 =	vsel vm0, $0x1, v11  }
0x5b: {  	(xrf0) =	vadd.scan.msk.s32 $0xffff, v61;
	_ =	sdelay $0x5  }
0x5c: {  	v21, _, _ =	vpop (xrf0)  }
0x5d: {  	(v2sf) =	vpush v21, $0xF;
	_ =	sdelay $0xe  }
0x5e: {  	s0 =	spop (v2sf)  }
0x5f: {  	p0 =	slt.s32 s0, $0x2  }
0x60: {  	vm1 =	vmmov @!p0 $0x1  }
0x61: {  	v20 =	vsub.s32 v20, v0;
	vm2 =	vcmask @!p0 $0x704;
	vm1 =	vmand @!p0 vm0, vm1  }
0x62: {  	v20 =	vnsel vm0, $0x0, v20;
	vm3 =	vcmask @!p0 $0xB08;
	vm2 =	vmand @!p0 vm0, vm2  }
0x63: {  	vm4 =	vcmask @!p0 $0xF0C;
	vm3 =	vmand @!p0 vm0, vm3  }
0x64: {  	vm5 =	vcmask @!p0 $0x1310;
	vm4 =	vmand @!p0 vm0, vm4  }
0x65: {  	s0 =	sadd.s32 $0x10, s1;
	vm6 =	vcmask @!p0 $0x1714;
	vm5 =	vmand @!p0 vm0, vm5  }
0x66: {  	v21 =	vadd.s32 s0, v12;
	s0 =	simm.s32 @!p0 $0x1000;
	vm7 =	vcmask @!p0 $0x1B18;
	vm6 =	vmand @!p0 vm0, vm6  }
0x67: {  	[tilespmem:v20+s0+$0x0] =	vst.idx.msk @!p0 vm1, v21;
	vm1 =	vmand @!p0 vm0, vm7;
	vm7 =	vcmask @!p0 $0x1F1C  }
0x68: {  	[tilespmem:v20+s0+$0x0] =	vst.idx.msk @!p0 vm2, v21;
	vm2 =	vmand @!p0 vm0, vm7;
	vm7 =	vcmask @!p0 $0x2320  }
0x69: {  	[tilespmem:v20+s0+$0x0] =	vst.idx.msk @!p0 vm3, v21;
	vm3 =	vmand @!p0 vm0, vm7;
	vm7 =	vcmask @!p0 $0x2724  }
0x6a: {  	[tilespmem:v20+s0+$0x0] =	vst.idx.msk @!p0 vm4, v21;
	vm4 =	vmand @!p0 vm0, vm7;
	vm7 =	vcmask @!p0 $0x2B28  }
0x6b: {  	[tilespmem:v20+s0+$0x0] =	vst.idx.msk @!p0 vm5, v21;
	vm5 =	vmand @!p0 vm0, vm7;
	vm7 =	vcmask @!p0 $0x2F2C  }
0x6c: {  	[tilespmem:v20+s0+$0x0] =	vst.idx.msk @!p0 vm6, v21;
	vm6 =	vmand @!p0 vm0, vm7;
	vm7 =	vcmask @!p0 $0x3330  }
0x6d: {  	[tilespmem:v20+s0+$0x0] =	vst.idx.msk @!p0 vm1, v21;
	vm1 =	vmand @!p0 vm0, vm7;
	vm7 =	vcmask @!p0 $0x3734  }
0x6e: {  	vm8 =	vcmask @!p0 $0x3F3C;
	[tilespmem:v20+s0+$0x0] =	vst.idx.msk @!p0 vm2, v21;
	vm2 =	vmand @!p0 vm0, vm7;
	vm7 =	vcmask @!p0 $0x3B38  }
0x6f: {  	[tilespmem:v20+s0+$0x0] =	vst.idx.msk @!p0 vm3, v21;
	vm3 =	vmand @!p0 vm0, vm7;
	vm7 =	vmand @!p0 vm0, vm8  }
0x70: {  	[tilespmem:v20+s0+$0x0] =	vst.idx.msk @!p0 vm4, v21;
	vm7 =	vmmov @p0 vm0  }
0x71: {  	[tilespmem:v20+s0+$0x0] =	vst.idx.msk @!p0 vm5, v21  }
0x72: {  	[tilespmem:v20+s0+$0x0] =	vst.idx.msk @!p0 vm6, v21  }
0x73: {  	[tilespmem:v20+s0+$0x0] =	vst.idx.msk @!p0 vm1, v21  }
0x74: {  	[tilespmem:v20+s0+$0x0] =	vst.idx.msk @!p0 vm2, v21  }
0x75: {  	[tilespmem:v20+s0+$0x0] =	vst.idx.msk @!p0 vm3, v21  }
0x76: {  	[tilespmem:v20+s23+$0x0] =	vst.idx.msk vm7, v21  }
0x77: {  	v20 =	vld [tilespmem:s31+$0x0];
	_ =	sdelay $0x4  }
0x78: {  	vm12 =	vge.s32 v20, v0;
	vm13 =	vlt.s32 v20, v1  }
0x79: {  	vm0 =	vmand vm12, vm13  }
0x7a: {  	v62 =	vsel vm0, $0x1, v11  }
0x7b: {  	(xrf0) =	vadd.scan.msk.s32 $0xffff, v62;
	_ =	sdelay $0x5  }
0x7c: {  	v21, _, _ =	vpop (xrf0)  }
0x7d: {  	(v2sf) =	vpush v21, $0xF;
	_ =	sdelay $0xe  }
0x7e: {  	s0 =	spop (v2sf)  }
0x7f: {  	p0 =	slt.s32 s0, $0x2  }
0x80: {  	vm1 =	vmmov @!p0 $0x1  }
0x81: {  	v20 =	vsub.s32 v20, v0;
	vm2 =	vcmask @!p0 $0x704;
	vm1 =	vmand @!p0 vm0, vm1  }
0x82: {  	v20 =	vnsel vm0, $0x0, v20;
	vm3 =	vcmask @!p0 $0xB08;
	vm2 =	vmand @!p0 vm0, vm2  }
0x83: {  	vm4 =	vcmask @!p0 $0xF0C;
	vm3 =	vmand @!p0 vm0, vm3  }
0x84: {  	vm5 =	vcmask @!p0 $0x1310;
	vm4 =	vmand @!p0 vm0, vm4  }
0x85: {  	s0 =	sadd.s32 $0x20, s1;
	vm6 =	vcmask @!p0 $0x1714;
	vm5 =	vmand @!p0 vm0, vm5  }
0x86: {  	v21 =	vor.u32 s0, v12;
	s0 =	simm.s32 @!p0 $0x1000;
	vm7 =	vcmask @!p0 $0x1B18;
	vm6 =	vmand @!p0 vm0, vm6  }
0x87: {  	[tilespmem:v20+s0+$0x0] =	vst.idx.msk @!p0 vm1, v21;
	vm1 =	vmand @!p0 vm0, vm7;
	vm7 =	vcmask @!p0 $0x1F1C  }
0x88: {  	[tilespmem:v20+s0+$0x0] =	vst.idx.msk @!p0 vm2, v21;
	vm2 =	vmand @!p0 vm0, vm7;
	vm7 =	vcmask @!p0 $0x2320  }
0x89: {  	[tilespmem:v20+s0+$0x0] =	vst.idx.msk @!p0 vm3, v21;
	vm3 =	vmand @!p0 vm0, vm7;
	vm7 =	vcmask @!p0 $0x2724  }
0x8a: {  	[tilespmem:v20+s0+$0x0] =	vst.idx.msk @!p0 vm4, v21;
	vm4 =	vmand @!p0 vm0, vm7;
	vm7 =	vcmask @!p0 $0x2B28  }
0x8b: {  	[tilespmem:v20+s0+$0x0] =	vst.idx.msk @!p0 vm5, v21;
	vm5 =	vmand @!p0 vm0, vm7;
	vm7 =	vcmask @!p0 $0x2F2C  }
0x8c: {  	[tilespmem:v20+s0+$0x0] =	vst.idx.msk @!p0 vm6, v21;
	vm6 =	vmand @!p0 vm0, vm7;
	vm7 =	vcmask @!p0 $0x3330  }
0x8d: {  	[tilespmem:v20+s0+$0x0] =	vst.idx.msk @!p0 vm1, v21;
	vm1 =	vmand @!p0 vm0, vm7;
	vm7 =	vcmask @!p0 $0x3734  }
0x8e: {  	vm8 =	vcmask @!p0 $0x3F3C;
	[tilespmem:v20+s0+$0x0] =	vst.idx.msk @!p0 vm2, v21;
	vm2 =	vmand @!p0 vm0, vm7;
	vm7 =	vcmask @!p0 $0x3B38  }
0x8f: {  	[tilespmem:v20+s0+$0x0] =	vst.idx.msk @!p0 vm3, v21;
	vm3 =	vmand @!p0 vm0, vm7;
	vm7 =	vmand @!p0 vm0, vm8  }
0x90: {  	[tilespmem:v20+s0+$0x0] =	vst.idx.msk @!p0 vm4, v21;
	vm7 =	vmmov @p0 vm0  }
0x91: {  	[tilespmem:v20+s0+$0x0] =	vst.idx.msk @!p0 vm5, v21  }
0x92: {  	[tilespmem:v20+s0+$0x0] =	vst.idx.msk @!p0 vm6, v21  }
0x93: {  	[tilespmem:v20+s0+$0x0] =	vst.idx.msk @!p0 vm1, v21  }
0x94: {  	[tilespmem:v20+s0+$0x0] =	vst.idx.msk @!p0 vm2, v21  }
0x95: {  	[tilespmem:v20+s0+$0x0] =	vst.idx.msk @!p0 vm3, v21  }
0x96: {  	[tilespmem:v20+s23+$0x0] =	vst.idx.msk vm7, v21  }
0x97: {  	v20 =	vld [tilespmem:s31+$0x10];
	_ =	sdelay $0x4  }
0x98: {  	vm14 =	vge.s32 v20, v0;
	vm15 =	vlt.s32 v20, v1  }
0x99: {  	vm0 =	vmand vm14, vm15  }
0x9a: {  	v63 =	vsel vm0, $0x1, v11  }
0x9b: {  	(xrf0) =	vadd.scan.msk.s32 $0xffff, v63;
	_ =	sdelay $0x5  }
0x9c: {  	v21, _, _ =	vpop (xrf0)  }
0x9d: {  	(v2sf) =	vpush v21, $0xF;
	_ =	sdelay $0xe  }
0x9e: {  	s0 =	spop (v2sf)  }
0x9f: {  	p0 =	slt.s32 s0, $0x2  }
0xa0: {  	vm1 =	vmmov @!p0 $0x1  }
0xa1: {  	v20 =	vsub.s32 v20, v0;
	vm2 =	vcmask @!p0 $0x704;
	vm1 =	vmand @!p0 vm0, vm1  }
0xa2: {  	v20 =	vnsel vm0, $0x0, v20;
	vm3 =	vcmask @!p0 $0xB08;
	vm2 =	vmand @!p0 vm0, vm2  }
0xa3: {  	vm4 =	vcmask @!p0 $0xF0C;
	vm3 =	vmand @!p0 vm0, vm3  }
0xa4: {  	vm5 =	vcmask @!p0 $0x1310;
	vm4 =	vmand @!p0 vm0, vm4  }
0xa5: {  	s0 =	sadd.s32 $0x30, s1;
	vm6 =	vcmask @!p0 $0x1714;
	vm5 =	vmand @!p0 vm0, vm5  }
0xa6: {  	v21 =	vadd.s32 s0, v12;
	s0 =	simm.s32 @!p0 $0x1000;
	vm7 =	vcmask @!p0 $0x1B18;
	vm6 =	vmand @!p0 vm0, vm6  }
0xa7: {  	[tilespmem:v20+s0+$0x0] =	vst.idx.msk @!p0 vm1, v21;
	vm1 =	vmand @!p0 vm0, vm7;
	vm7 =	vcmask @!p0 $0x1F1C  }
0xa8: {  	[tilespmem:v20+s0+$0x0] =	vst.idx.msk @!p0 vm2, v21;
	vm2 =	vmand @!p0 vm0, vm7;
	vm7 =	vcmask @!p0 $0x2320  }
0xa9: {  	[tilespmem:v20+s0+$0x0] =	vst.idx.msk @!p0 vm3, v21;
	vm3 =	vmand @!p0 vm0, vm7;
	vm7 =	vcmask @!p0 $0x2724  }
0xaa: {  	[tilespmem:v20+s0+$0x0] =	vst.idx.msk @!p0 vm4, v21;
	vm4 =	vmand @!p0 vm0, vm7;
	vm7 =	vcmask @!p0 $0x2B28  }
0xab: {  	[tilespmem:v20+s0+$0x0] =	vst.idx.msk @!p0 vm5, v21;
	vm5 =	vmand @!p0 vm0, vm7;
	vm7 =	vcmask @!p0 $0x2F2C  }
0xac: {  	[tilespmem:v20+s0+$0x0] =	vst.idx.msk @!p0 vm6, v21;
	vm6 =	vmand @!p0 vm0, vm7;
	vm7 =	vcmask @!p0 $0x3330  }
0xad: {  	[tilespmem:v20+s0+$0x0] =	vst.idx.msk @!p0 vm1, v21;
	vm1 =	vmand @!p0 vm0, vm7;
	vm7 =	vcmask @!p0 $0x3734  }
0xae: {  	[tilespmem:v20+s0+$0x0] =	vst.idx.msk @!p0 vm2, v21;
	vm2 =	vmand @!p0 vm0, vm7;
	vm7 =	vcmask @!p0 $0x3B38  }
0xaf: {  	[tilespmem:v20+s0+$0x0] =	vst.idx.msk @!p0 vm3, v21;
	vm3 =	vmand @!p0 vm0, vm7  }
0xb0: {  	[tilespmem:v20+s0+$0x0] =	vst.idx.msk @!p0 vm4, v21  }
0xb1: {  	[tilespmem:v20+s0+$0x0] =	vst.idx.msk @!p0 vm5, v21  }
0xb2: {  	vm8 =	vcmask @!p0 $0x3F3C;
	[tilespmem:v20+s0+$0x0] =	vst.idx.msk @!p0 vm6, v21  }
0xb3: {  	vm7 =	vmand @!p0 vm0, vm8;
	[tilespmem:v20+s0+$0x0] =	vst.idx.msk @!p0 vm1, v21  }
0xb4: {  	s1 =	sadd.s32 $0x40, s1;
	vm7 =	vmmov @p0 vm0;
	[tilespmem:v20+s0+$0x0] =	vst.idx.msk @!p0 vm2, v21  }
0xb5: {  	[tilespmem:v20+s0+$0x0] =	vst.idx.msk @!p0 vm3, v21;
	p0 =	sne.s32 s1, $0x1000  }
.Ltmp1:
0xb6: {  	_ = 	snop;
	(pc) =	sbr.rel @p0 .LBB2_4-.Ltmp1, $2  }
0xb7: {  	_ =	sdelay $0x2  }
0xb8: {  	s31 =	sadd.s32 $0x40, s31;
	[tilespmem:v20+s23+$0x0] =	vst.idx.msk vm7, v21  }
0xb9: {  	[hbm4b:s24+s6] =	stream.linear.scatter [tilespmem:s23], [sflag:$0x3], $0x1C00, $0x38;
	[tilespmem:$0x12F80] =	vst v63  }
0xba: {  	_ =	swait.ge [sflag:s18], $0x1C00  }
0xbb: {  	[sflag:s18] =	ssyncset.done $0x0  }
0xbc: {  	[sflag:s18] =	ssyncadd.s32 $0xFFFFE400  }
0xbd: {  	[bflag:$0x0] =	sbarrier.arrive $0xFFFF  }
0xbe: {  	v20 =	vld [tilespmem:$0x2C00]  }
0xbf: {  	v21 =	vld [tilespmem:$0x2C10]  }
0xc0: {  	v22 =	vld [tilespmem:$0x2C20]  }
0xc1: {  	v23 =	vld [tilespmem:$0x2C30]  }
0xc2: {  	v24 =	vld [tilespmem:$0x2C40]  }
0xc3: {  	v25 =	vld [tilespmem:$0x2C50];
	v20 =	vshra.s32 v20, $0x7  }
0xc4: {  	v59 =	vld [tilespmem:$0x2C60];
	[tilespmem:$0x2D00] =	vst v20;
	v20 =	vshra.s32 v21, $0x7  }
0xc5: {  	v60 =	vld [tilespmem:$0x2C70];
	[tilespmem:$0x2D10] =	vst v20;
	v20 =	vshra.s32 v22, $0x7  }
0xc6: {  	[tilespmem:$0x2D20] =	vst v20;
	v20 =	vshra.s32 v23, $0x7  }
0xc7: {  	[tilespmem:$0x2D30] =	vst v20;
	v20 =	vshra.s32 v24, $0x7  }
0xc8: {  	[tilespmem:$0x2D40] =	vst v20;
	v20 =	vshra.s32 v25, $0x7  }
0xc9: {  	[tilespmem:$0x2D50] =	vst v20;
	v20 =	vshra.s32 v59, $0x7  }
0xca: {  	[tilespmem:$0x2D60] =	vst v20;
	v20 =	vshra.s32 v60, $0x7  }
0xcb: {  	[tilespmem:$0x2D70] =	vst v20  }
0xcc: {  	[tilespmem:s26], [sflag:$0x2] =	stream.indirect.gather [hbm4b:s5+s20], $0x80, s25, s20, $0xb8;
	[tilespmem:$0x12F80] =	vst v63  }
0xcd: {  	_ =	swait.ge [sflag:s28], $0x4000  }
0xce: {  	[sflag:s28] =	ssyncset.done $0x0  }
0xcf: {  	[sflag:s28] =	ssyncadd.s32 $0xFFFFC000  }
0xd0: {  	v20 =	vld [tilespmem:$0x2C00];
	_ =	sdelay $0x4  }
0xd1: {  	v20 =	vand.u32 $0x7F, v20  }
0xd2: {  	v20 =	vor.u32 v7, v20  }
0xd3: {  	v61 =	vld [tilespmem:$0x2C10];
	_ =	sdelay $0x3  }
0xd4: {  	v20 =	vld.idx.msk [tilespmem:v20+s26+$0x0], $0xffff  }
0xd5: {  	v21 =	vand.u32 $0x7F, v61  }
0xd6: {  	v21 =	vor.u32 v13, v21  }
0xd7: {  	v62 =	vld [tilespmem:$0x2C20];
	_ =	sdelay $0x1  }
0xd8: {  	v20 =	vadd.s32 $0xFFFFFFFF, v20  }
0xd9: {  	[tilespmem:$0x12E00] =	vst v20  }
0xda: {  	v20 =	vld.idx.msk [tilespmem:v21+s26+$0x0], $0xffff  }
0xdb: {  	v63 =	vand.u32 $0x7F, v62  }
0xdc: {  	v21 =	vor.u32 v14, v63  }
0xdd: {  	v24 =	vld [tilespmem:$0x2C30];
	_ =	sdelay $0x1  }
0xde: {  	v20 =	vadd.s32 $0xFFFFFFFF, v20  }
0xdf: {  	[tilespmem:$0x12E10] =	vst v20  }
0xe0: {  	v20 =	vld.idx.msk [tilespmem:v21+s26+$0x0], $0xffff  }
0xe1: {  	v25 =	vand.u32 $0x7F, v24  }
0xe2: {  	v21 =	vor.u32 v15, v25  }
0xe3: {  	v26 =	vld [tilespmem:$0x2C40];
	_ =	sdelay $0x1  }
0xe4: {  	v20 =	vadd.s32 $0xFFFFFFFF, v20  }
0xe5: {  	[tilespmem:$0x12E20] =	vst v20  }
0xe6: {  	v20 =	vld.idx.msk [tilespmem:v21+s26+$0x0], $0xffff  }
0xe7: {  	v27 =	vand.u32 $0x7F, v26  }
0xe8: {  	v21 =	vor.u32 v16, v27  }
0xe9: {  	v28 =	vld [tilespmem:$0x2C50];
	_ =	sdelay $0x1  }
0xea: {  	v20 =	vadd.s32 $0xFFFFFFFF, v20  }
0xeb: {  	[tilespmem:$0x12E30] =	vst v20  }
0xec: {  	v20 =	vld.idx.msk [tilespmem:v21+s26+$0x0], $0xffff  }
0xed: {  	v29 =	vand.u32 $0x7F, v28  }
0xee: {  	v21 =	vor.u32 v17, v29  }
0xef: {  	v30 =	vld [tilespmem:$0x2C60];
	_ =	sdelay $0x1  }
0xf0: {  	v20 =	vadd.s32 $0xFFFFFFFF, v20  }
0xf1: {  	[tilespmem:$0x12E40] =	vst v20  }
0xf2: {  	v20 =	vld.idx.msk [tilespmem:v21+s26+$0x0], $0xffff  }
0xf3: {  	v31 =	vand.u32 $0x7F, v30  }
0xf4: {  	v21 =	vor.u32 v18, v31  }
0xf5: {  	v32 =	vld [tilespmem:$0x2C70];
	_ =	sdelay $0x1  }
0xf6: {  	v20 =	vadd.s32 $0xFFFFFFFF, v20  }
0xf7: {  	[tilespmem:$0x12E50] =	vst v20  }
0xf8: {  	v20 =	vld.idx.msk [tilespmem:v21+s26+$0x0], $0xffff  }
0xf9: {  	v33 =	vand.u32 $0x7F, v32  }
0xfa: {  	v21 =	vor.u32 v19, v33;
	_ =	sdelay $0x2  }
0xfb: {  	v20 =	vadd.s32 $0xFFFFFFFF, v20  }
0xfc: {  	[tilespmem:$0x12E60] =	vst v20  }
0xfd: {  	v20 =	vld.idx.msk [tilespmem:v21+s26+$0x0], $0xffff  }
0xfe: {  	v34 =	vld [tilespmem:$0x2C80]  }
0xff: {  	v35 =	vld [tilespmem:$0x2C90]  }
0x100: {  	v36 =	vld [tilespmem:$0x2CA0]  }
0x101: {  	v37 =	vld [tilespmem:$0x2CB0]  }
0x102: {  	v38 =	vld [tilespmem:$0x2CC0];
	v20 =	vadd.s32 $0xFFFFFFFF, v20  }
0x103: {  	v39 =	vld [tilespmem:$0x2CD0];
	[tilespmem:$0x12E70] =	vst v20;
	v20 =	vshra.s32 v34, $0x7  }
0x104: {  	v40 =	vld [tilespmem:$0x2CE0];
	[tilespmem:$0x2D00] =	vst v20;
	v20 =	vshra.s32 v35, $0x7  }
0x105: {  	v41 =	vld [tilespmem:$0x2CF0];
	[tilespmem:$0x2D10] =	vst v20;
	v20 =	vshra.s32 v36, $0x7  }
0x106: {  	[tilespmem:$0x2D20] =	vst v20;
	v20 =	vshra.s32 v37, $0x7  }
0x107: {  	[tilespmem:$0x2D30] =	vst v20;
	v20 =	vshra.s32 v38, $0x7  }
0x108: {  	[tilespmem:$0x2D40] =	vst v20;
	v20 =	vshra.s32 v39, $0x7  }
0x109: {  	[tilespmem:$0x2D50] =	vst v20;
	v20 =	vshra.s32 v40, $0x7  }
0x10a: {  	[tilespmem:$0x2D60] =	vst v20;
	v20 =	vshra.s32 v41, $0x7  }
0x10b: {  	[tilespmem:$0x2D70] =	vst v20  }
0x10c: {  	[tilespmem:s29], [sflag:$0x2] =	stream.indirect.gather [hbm4b:s7+s20], $0x80, s25, s20, $0xb8;
	[tilespmem:$0x12F80] =	vst v63  }
0x10d: {  	_ = 	snop  }
0x10e: {  	[tilespmem:s26], [sflag:$0x2] =	stream.indirect.gather [hbm4b:s5+s20], $0x80, s25, s20, $0xb8;
	[tilespmem:$0x12F80] =	vst v63  }
0x10f: {  	_ =	swait.ge [sflag:s28], $0x4000  }
0x110: {  	[sflag:s28] =	ssyncset.done $0x0  }
0x111: {  	[sflag:s28] =	ssyncadd.s32 $0xFFFFC000  }
0x112: {  	_ =	swait.ge [sflag:s28], $0x4000  }
0x113: {  	[sflag:s28] =	ssyncset.done $0x0  }
0x114: {  	[sflag:s28] =	ssyncadd.s32 $0xFFFFC000  }
0x115: {  	v20 =	vld [tilespmem:$0x2C80];
	_ =	sdelay $0x4  }
0x116: {  	v20 =	vand.u32 $0x7F, v20  }
0x117: {  	v20 =	vor.u32 v7, v20;
	_ =	sdelay $0x4  }
0x118: {  	v42 =	vld.idx.msk [tilespmem:v20+s29+$0x0], $0xffff;
	_ =	sdelay $0x2  }
0x119: {  	v43 =	vld [tilespmem:$0x2C90];
	_ =	sdelay $0x1  }
0x11a: {  	[tilespmem:$0x12D80] =	vst v42  }
0x11b: {  	v20 =	vld.idx.msk [tilespmem:v20+s26+$0x0], $0xffff;
	_ =	sdelay $0x1  }
0x11c: {  	v44 =	vand.u32 $0x7F, v43  }
0x11d: {  	v21 =	vor.u32 v13, v44;
	_ =	sdelay $0x1  }
0x11e: {  	vm0 =	vgt.s32 v20, $0x0;
	v45 =	vadd.s32 $0xFFFFFFFF, v20  }
0x11f: {  	[tilespmem:$0x12F00] =	vst v20;
	v20 =	vsel vm0, v45, v2  }
0x120: {  	[tilespmem:$0x12E80] =	vst v20  }
0x121: {  	v20 =	vld.idx.msk [tilespmem:v21+s29+$0x0], $0xffff;
	_ =	sdelay $0x2  }
0x122: {  	v46 =	vld [tilespmem:$0x2CA0];
	_ =	sdelay $0x1  }
0x123: {  	[tilespmem:$0x12D90] =	vst v20  }
0x124: {  	v20 =	vld.idx.msk [tilespmem:v21+s26+$0x0], $0xffff;
	_ =	sdelay $0x1  }
0x125: {  	v47 =	vand.u32 $0x7F, v46  }
0x126: {  	v21 =	vor.u32 v14, v47;
	_ =	sdelay $0x1  }
0x127: {  	vm9 =	vgt.s32 v20, $0x0;
	v48 =	vadd.s32 $0xFFFFFFFF, v20  }
0x128: {  	[tilespmem:$0x12F10] =	vst v20;
	v20 =	vsel vm9, v48, v3  }
0x129: {  	[tilespmem:$0x12E90] =	vst v20  }
0x12a: {  	v20 =	vld.idx.msk [tilespmem:v21+s29+$0x0], $0xffff;
	_ =	sdelay $0x2  }
0x12b: {  	v49 =	vld [tilespmem:$0x2CB0];
	_ =	sdelay $0x1  }
0x12c: {  	[tilespmem:$0x12DA0] =	vst v20  }
0x12d: {  	v20 =	vld.idx.msk [tilespmem:v21+s26+$0x0], $0xffff;
	_ =	sdelay $0x1  }
0x12e: {  	v50 =	vand.u32 $0x7F, v49  }
0x12f: {  	v21 =	vor.u32 v15, v50;
	_ =	sdelay $0x1  }
0x130: {  	vm10 =	vgt.s32 v20, $0x0;
	v51 =	vadd.s32 $0xFFFFFFFF, v20  }
0x131: {  	[tilespmem:$0x12F20] =	vst v20;
	v20 =	vsel vm10, v51, v4  }
0x132: {  	[tilespmem:$0x12EA0] =	vst v20  }
0x133: {  	v20 =	vld.idx.msk [tilespmem:v21+s29+$0x0], $0xffff;
	_ =	sdelay $0x2  }
0x134: {  	v52 =	vld [tilespmem:$0x2CC0];
	_ =	sdelay $0x1  }
0x135: {  	[tilespmem:$0x12DB0] =	vst v20  }
0x136: {  	v20 =	vld.idx.msk [tilespmem:v21+s26+$0x0], $0xffff;
	_ =	sdelay $0x1  }
0x137: {  	v53 =	vand.u32 $0x7F, v52  }
0x138: {  	v21 =	vor.u32 v16, v53;
	_ =	sdelay $0x1  }
0x139: {  	vm11 =	vgt.s32 v20, $0x0;
	v54 =	vadd.s32 $0xFFFFFFFF, v20  }
0x13a: {  	[tilespmem:$0x12F30] =	vst v20;
	v20 =	vsel vm11, v54, v5  }
0x13b: {  	[tilespmem:$0x12EB0] =	vst v20  }
0x13c: {  	v20 =	vld.idx.msk [tilespmem:v21+s29+$0x0], $0xffff;
	_ =	sdelay $0x2  }
0x13d: {  	v55 =	vld [tilespmem:$0x2CD0];
	_ =	sdelay $0x1  }
0x13e: {  	[tilespmem:$0x12DC0] =	vst v20  }
0x13f: {  	v20 =	vld.idx.msk [tilespmem:v21+s26+$0x0], $0xffff;
	_ =	sdelay $0x1  }
0x140: {  	v56 =	vand.u32 $0x7F, v55  }
0x141: {  	v21 =	vor.u32 v17, v56;
	_ =	sdelay $0x1  }
0x142: {  	vm12 =	vgt.s32 v20, $0x0;
	v57 =	vadd.s32 $0xFFFFFFFF, v20  }
0x143: {  	[tilespmem:$0x12F40] =	vst v20;
	v20 =	vsel vm12, v57, v6  }
0x144: {  	[tilespmem:$0x12EC0] =	vst v20  }
0x145: {  	v20 =	vld.idx.msk [tilespmem:v21+s29+$0x0], $0xffff;
	_ =	sdelay $0x2  }
0x146: {  	v58 =	vld [tilespmem:$0x2CE0];
	_ =	sdelay $0x1  }
0x147: {  	[tilespmem:$0x12DD0] =	vst v20  }
0x148: {  	v20 =	vld.idx.msk [tilespmem:v21+s26+$0x0], $0xffff;
	_ =	sdelay $0x1  }
0x149: {  	v59 =	vand.u32 $0x7F, v58  }
0x14a: {  	v21 =	vor.u32 v18, v59;
	_ =	sdelay $0x1  }
0x14b: {  	vm13 =	vgt.s32 v20, $0x0;
	v60 =	vadd.s32 $0xFFFFFFFF, v20  }
0x14c: {  	[tilespmem:$0x12F50] =	vst v20;
	v20 =	vsel vm13, v60, v8  }
0x14d: {  	[tilespmem:$0x12ED0] =	vst v20  }
0x14e: {  	v20 =	vld.idx.msk [tilespmem:v21+s29+$0x0], $0xffff;
	_ =	sdelay $0x2  }
0x14f: {  	v61 =	vld [tilespmem:$0x2CF0];
	_ =	sdelay $0x1  }
0x150: {  	[tilespmem:$0x12DE0] =	vst v20  }
0x151: {  	v20 =	vld.idx.msk [tilespmem:v21+s26+$0x0], $0xffff;
	_ =	sdelay $0x1  }
0x152: {  	v62 =	vand.u32 $0x7F, v61  }
0x153: {  	v21 =	vor.u32 v19, v62;
	_ =	sdelay $0x1  }
0x154: {  	vm14 =	vgt.s32 v20, $0x0;
	v63 =	vadd.s32 $0xFFFFFFFF, v20  }
0x155: {  	[tilespmem:$0x12F60] =	vst v20;
	v20 =	vsel vm14, v63, v9  }
0x156: {  	[tilespmem:$0x12EE0] =	vst v20  }
0x157: {  	v20 =	vld.idx.msk [tilespmem:v21+s29+$0x0], $0xffff;
	_ =	sdelay $0x4  }
0x158: {  	[tilespmem:$0x12DF0] =	vst v20  }
0x159: {  	v20 =	vld.idx.msk [tilespmem:v21+s26+$0x0], $0xffff;
	_ =	sdelay $0x4  }
0x15a: {  	vm15 =	vgt.s32 v20, $0x0;
	v21 =	vadd.s32 $0xFFFFFFFF, v20  }
0x15b: {  	[tilespmem:$0x12F70] =	vst v20;
	v20 =	vsel vm15, v21, v10  }
0x15c: {  	[tilespmem:$0x12EF0] =	vst v20  }
0x15d: {  	_ =	swait.ge [sflag:s30], $0x4000  }
0x15e: {  	[sflag:s30] =	ssyncset.done $0x0  }
0x15f: {  	[sflag:s30] =	ssyncadd.s32 $0xFFFFC000  }
0x160: {  	_ =	swait.ge [sflag:s30], $0x4000  }
0x161: {  	[sflag:s30] =	ssyncset.done $0x0  }
0x162: {  	[sflag:s30] =	ssyncadd.s32 $0xFFFFC000  }
0x163: {  	[hbm4b:s10+s6] =	stream.linear.scatter [tilespmem:s21], [sflag:$0x3], $0x4000, $0x38;
	[tilespmem:$0x12F80] =	vst v63  }
0x164: {  	_ =	swait.ge [sflag:s18], $0x4000  }
0x165: {  	[sflag:s18] =	ssyncset.done $0x0  }
0x166: {  	[sflag:s18] =	ssyncadd.s32 $0xFFFFC000  }
0x167: {  	[hbm4b:s11+s6] =	stream.linear.scatter [tilespmem:s22], [sflag:$0x3], $0x4000, $0x38;
	[tilespmem:$0x12F80] =	vst v63  }
0x168: {  	_ =	swait.ge [sflag:s18], $0x4000  }
0x169: {  	[sflag:s18] =	ssyncset.done $0x0  }
0x16a: {  	s0 =	simm.s32 $0x12D80;
	[sflag:s18] =	ssyncadd.s32 $0xFFFFC000  }
0x16b: {  	[hbm4b:s12+s6] =	stream.linear.scatter [tilespmem:s0], [sflag:$0x3], $0x80, $0x38;
	[tilespmem:$0x12F80] =	vst v63  }
0x16c: {  	_ =	swait.ge [sflag:s18], $0x80  }
0x16d: {  	[sflag:s18] =	ssyncset.done $0x0  }
0x16e: {  	s31 =	simm.s32 $0x12E00;
	[sflag:s18] =	ssyncadd.s32 $0xFFFFFF80  }
0x16f: {  	[hbm4b:s13+s6] =	stream.linear.scatter [tilespmem:s31], [sflag:$0x3], $0x80, $0x38;
	[tilespmem:$0x12F80] =	vst v63  }
0x170: {  	_ =	swait.ge [sflag:s18], $0x80  }
0x171: {  	[sflag:s18] =	ssyncset.done $0x0  }
0x172: {  	[sflag:s18] =	ssyncadd.s32 $0xFFFFFF80  }
0x173: {  	[hbm4b:s14+s6] =	stream.linear.scatter [tilespmem:s4], [sflag:$0x3], $0x80, $0x38;
	[tilespmem:$0x12F80] =	vst v63  }
0x174: {  	s3 =	sadd.s32 $0x1, s3;
	_ =	swait.ge [sflag:s18], $0x80  }
0x175: {  	p0 =	sne.s32 s3, s16;
	[sflag:s18] =	ssyncset.done $0x0  }
.Ltmp2:
0x176: {  	[sflag:s18] =	ssyncadd.s32 $0xFFFFFF80;
	(pc) =	sbr.rel @p0 .LBB2_1-.Ltmp2, $4  }
0x177: {  	[hbm4b:s15+s6] =	stream.linear.scatter [tilespmem:s2], [sflag:$0x3], $0x80, $0x38;
	[tilespmem:$0x12F80] =	vst v63  }
0x178: {  	_ =	swait.ge [sflag:s18], $0x80  }
0x179: {  	[sflag:s18] =	ssyncset.done $0x0  }
0x17a: {  	[sflag:s18] =	ssyncadd.s32 $0xFFFFFF80  }
0x17b: {  	_ =	sfence.sel $0x180000  }
0x17c: {  	[bflag:$0x0] =	sbarrier.arrive $0xFFFF  }
0x17d: {  	_ =	strace $0x9000004A  }
0x17e: {  	s0 =	stileid.u32;
	[bflag:$0x2] =	sbarrier.arrive $0xFFFF  }
0x17f: {  	p0 =	sne.s32 s0, $0x0;
	s0 =	rddreg [dreg:$0x6]  }
0x180: {  	s0 =	sadd.s32 @!p0 $0x100000, s0  }
0x181: {  	[sflag:s0] =	ssyncadd.tile.s32 @!p0 $0x1;
	_ =	shalt  }
.Lfunc_end2:
_tile_overlayer_lowered:
.L_overlay_start_2:
0x182: {  	(tag) =	ssettag $0x2  }
0x183: {  	s0 =	rddreg [dreg:$0x0];
	s2 =	stileid.u32  }
0x184: {  	s1 =	rddreg [dreg:$0x1];
	p0 =	sne.s32 s2, $0x0  }
0x185: {  	s3 =	rddreg [dreg:$0x2];
	[bflag:$0x3] =	sbarrier.arrive $0xFFFF;
	s2 =	simm.s32 @!p0 $0x1C03  }
0x186: {  	[timem:s3], [sflag:s2] =	dma.local @!p0 [hbm:s0], s1  }
0x187: {  	s0 =	simm.s32 @!p0 $0x3  }
0x188: {  	_ =	swait.ge @!p0 [sflag:s0], s1  }
0x189: {  	s1 =	ssub.s32 @!p0 $0x0, s1;
	[sflag:s0] =	ssyncset.done @!p0 $0x0  }
0x18a: {  	[sflag:s0] =	ssyncadd.s32 @!p0 s1  }
0x18b: {  	[bflag:$0x3] =	sbarrier.arrive $0xFFFF  }
0x18c: {  	_ =	shalt  }

// kernel: kernel.14.cloned.1.call-start
scs
__scs_entry_jumppad:
0x0: {  	(pc) =	sbr.rel $0x88, $3  }
0x1: {  	(tag) =	ssettag $0x0;
	lr =	simm.s32 $0x1  }
0x2: {  	[smem:$0x3F7F] =	sst lr;
	_ =	strace $0xD0000000  }
0x3: {  	_ = 	snop  }
0x4: {  	_ = 	snop  }
0x5: {  	_ = 	snop  }
0x6: {  	_ = 	snop  }
0x7: {  	_ = 	snop  }
__scs_overlays_trampoline_lowered:
0x8: {  	[smem:$0x3F8E] =	sst s0  }
0x9: {  	[smem:$0x3F8F] =	sst s1  }
0xa: {  	[smem:$0x3F90] =	sst s2  }
0xb: {  	[smem:$0x3F91] =	sst s3  }
0xc: {  	[smem:$0x3F92] =	sst s4  }
0xd: {  	[smem:$0x3F93] =	sst s5  }
0xe: {  	[smem:$0x3F94] =	sst s6  }
0xf: {  	[smem:$0x3F95] =	sst s7  }
0x10: {  	[smem:$0x3F96] =	sst s8  }
0x11: {  	[smem:$0x3F97] =	sst s9;
	s0 =	simm.s32 @!p0 $0x0  }
0x12: {  	s1 =	sld [smem:$0x3F7D];
	s0 =	simm.s32 @p0 $0x1  }
0x13: {  	[smem:$0x3F98] =	sst s0;
	s0 =	simm.s32 @!p1 $0x0  }
0x14: {  	s2 =	sld [smem:$0x3F7C];
	s0 =	simm.s32 @p1 $0x1  }
0x15: {  	[smem:$0x3F99] =	sst s0;
	s0 =	simm.s32 @!p2 $0x0  }
0x16: {  	s3 =	sld [smem:$0x3FDB];
	s0 =	simm.s32 @p2 $0x1  }
0x17: {  	s4 =	simm.s32 $0x1BF5;
	[smem:$0x3F9B] =	sst s0  }
0x18: {  	s0 =	sld [smem:$0x3F7E];
	_ =	swait.ge [sflag:s4], $0x0  }
0x19: {  	s7 =	sld [smem:$0x3F7F]  }
0x1a: {  	s8 =	sadd.s32 $0xFFFFE003, lr  }
0x1b: {  	s9 =	sadd.s32 $0xFFFFFEF7, lr;
	s5 =	simm.s32 $0xFFFFFFFF;
	p2 =	slt.u32 s8, $0xFFFFF086  }
0x1c: {  	p1 =	slt.u32 s9, $0xF7A;
	s5 =	simm.s32 @!p2 $0x0  }
0x1d: {  	s5 =	simm.s32 @p1 $0x1;
	p0 =	seq.s32 s7, s2  }
0x1e: {  	s7 =	smul.u32 @!p0 $0xF7A, s2;
	p2 =	seq.s32 @!p0 s5, $0x0  }
0x1f: {  	s9 =	smul.u32 $0xF7A, s1;
	s8 =	simm.s32 @!p0 $0x1BF5;
	p2 =	por !p2, p0  }
0x20: {  	[sflag:s8] =	ssyncset.s32 @!p0 $0xFFFFF086;
	s6 =	sadd.s32 @!p0 s3, s7;
	s7 =	simm.s32 @!p0 $0x108  }
0x21: {  	s3 =	sadd.s32 s3, s9;
	s6 =	sadd.s32 @!p0 $0x88, s6;
	s7 =	simm.s32 @p2 $0x1082  }
0x22: {  	[simem:s7], [sflag:s8] =	dma.local @!p0 [hbm:s6], $0xF7A  }
0x23: {  	s9 =	sor.u32 $0xD0000000, s2;
	s6 =	simm.s32 $0x108;
	_ =	swait.ge @!p0 [sflag:s8], $0x0  }
0x24: {  	s3 =	sadd.s32 $0x88, s3;
	s6 =	simm.s32 @!p1 $0x1082;
	[sflag:s4] =	ssyncset.s32 $0xFFFFF086  }
0x25: {  	[simem:s6], [sflag:s4] =	dma.local [hbm:s3], $0xF7A  }
0x26: {  	[smem:$0x3F7F] =	sst s1;
	(tag) =	ssettag s2;
	_ =	strace s9  }
0x27: {  	s1 =	sld [smem:$0x3F8F]  }
0x28: {  	s2 =	sld [smem:$0x3F90]  }
0x29: {  	s4 =	sld [smem:$0x3F92]  }
0x2a: {  	p0 =	seq.s32 s5, $0x0;
	s5 =	sld [smem:$0x3F93]  }
0x2b: {  	s6 =	sld [smem:$0x3F94]  }
0x2c: {  	s7 =	sld [smem:$0x3F95]  }
0x2d: {  	s3 =	simm.s32 $0x108;
	s8 =	sld [smem:$0x3F96]  }
0x2e: {  	s3 =	simm.s32 @!p0 $0x1082;
	s9 =	sld [smem:$0x3F97]  }
0x2f: {  	lr =	sadd.s32 s0, s3;
	s0 =	sld [smem:$0x3F8E]  }
0x30: {  	s3 =	sld [smem:$0x3F91]  }
0x31: {  	[smem:$0x3F9A] =	sst s10  }
0x32: {  	s10 =	sld [smem:$0x3F98];
	_ =	sdelay $0x3  }
0x33: {  	p0 =	seq.s32 s10, $0x1;
	s10 =	sld [smem:$0x3F9A];
	_ =	sdelay $0x3  }
0x34: {  	[smem:$0x3F9A] =	sst s10  }
0x35: {  	s10 =	sld [smem:$0x3F99];
	_ =	sdelay $0x3  }
0x36: {  	p1 =	seq.s32 s10, $0x1;
	s10 =	sld [smem:$0x3F9A];
	_ =	sdelay $0x3  }
0x37: {  	[smem:$0x3F9A] =	sst s10  }
0x38: {  	s10 =	sld [smem:$0x3F9B]  }
0x39: {  	_ = 	snop;
	(pc) =	sbr.ind lr, $3  }
0x3a: {  	_ = 	snop  }
0x3b: {  	_ = 	snop  }
0x3c: {  	p2 =	seq.s32 s10, $0x1;
	s10 =	sld [smem:$0x3F9A]  }
0x3d: {  	_ =	shalt  }
0x3e: {  	_ =	shalt  }
0x3f: {  	_ =	shalt  }
0x40: {  	_ =	shalt  }
0x41: {  	_ =	shalt  }
0x42: {  	_ =	shalt  }
0x43: {  	_ =	shalt  }
0x44: {  	_ =	shalt  }
0x45: {  	_ =	shalt  }
0x46: {  	_ =	shalt  }
0x47: {  	_ =	shalt  }
0x48: {  	_ =	shalt  }
0x49: {  	_ =	shalt  }
0x4a: {  	_ =	shalt  }
0x4b: {  	_ =	shalt  }
0x4c: {  	_ =	shalt  }
0x4d: {  	_ =	shalt  }
0x4e: {  	_ =	shalt  }
0x4f: {  	_ =	shalt  }
0x50: {  	_ =	shalt  }
0x51: {  	_ =	shalt  }
0x52: {  	_ =	shalt  }
0x53: {  	_ =	shalt  }
0x54: {  	_ =	shalt  }
0x55: {  	_ =	shalt  }
0x56: {  	_ =	shalt  }
0x57: {  	_ =	shalt  }
0x58: {  	_ =	shalt  }
0x59: {  	_ =	shalt  }
0x5a: {  	_ =	shalt  }
0x5b: {  	_ =	shalt  }
0x5c: {  	_ =	shalt  }
0x5d: {  	_ =	shalt  }
0x5e: {  	_ =	shalt  }
0x5f: {  	_ =	shalt  }
0x60: {  	_ =	shalt  }
0x61: {  	_ =	shalt  }
0x62: {  	_ =	shalt  }
0x63: {  	_ =	shalt  }
0x64: {  	_ =	shalt  }
0x65: {  	_ =	shalt  }
0x66: {  	_ =	shalt  }
0x67: {  	_ =	shalt  }
0x68: {  	_ =	shalt  }
0x69: {  	_ =	shalt  }
0x6a: {  	_ =	shalt  }
0x6b: {  	_ =	shalt  }
0x6c: {  	_ =	shalt  }
0x6d: {  	_ =	shalt  }
0x6e: {  	_ =	shalt  }
0x6f: {  	_ =	shalt  }
0x70: {  	_ =	shalt  }
0x71: {  	_ =	shalt  }
0x72: {  	_ =	shalt  }
0x73: {  	_ =	shalt  }
0x74: {  	_ =	shalt  }
0x75: {  	_ =	shalt  }
0x76: {  	_ =	shalt  }
0x77: {  	_ =	shalt  }
0x78: {  	_ =	shalt  }
0x79: {  	_ =	shalt  }
0x7a: {  	_ =	shalt  }
0x7b: {  	_ =	shalt  }
0x7c: {  	_ =	shalt  }
0x7d: {  	_ =	shalt  }
0x7e: {  	_ =	shalt  }
0x7f: {  	_ =	shalt  }
0x80: {  	_ =	shalt  }
0x81: {  	_ =	shalt  }
0x82: {  	_ =	shalt  }
0x83: {  	_ =	shalt  }
0x84: {  	_ =	shalt  }
0x85: {  	_ =	shalt  }
0x86: {  	_ =	shalt  }
0x87: {  	_ =	shalt  }
.Lfunc_end0:
.L_simem_size_0:
called_computation.2_lowered:
.L_overlay_start_0:
0x88: {  	s2 =	sld [smem:$0x3FD9]  }
0x89: {  	s3 =	sld [smem:$0x3FFE];
	_ =	sdelay $0x1  }
0x8a: {  	s1 =	srdreg.scid  }
0x8b: {  	s0 =	sand.u32 $0x1, s1  }
0x8c: {  	s17 =	sshll.u32 s0, $0xA;
	s2 =	sadd.s32 s3, s2  }
0x8d: {  	s2 =	sadd.s32 s2, s17  }
0x8e: {  	[smem:$0x3FA6] =	sst s2  }
0x8f: {  	_ = 	snop  }
0x90: {  	s2 =	sld [smem:$0x3FC7]  }
0x91: {  	s18 =	sld [smem:$0x3FD0];
	(tm) =	ssettm $0x1  }
0x92: {  	s4 =	sld [smem:$0x3FFB];
	_ =	sdelay $0x3  }
0x93: {  	_ =	strace s4  }
0x94: {  	s4 =	sld [smem:$0x3FFC];
	_ =	sdelay $0x3  }
0x95: {  	_ =	strace s4  }
0x96: {  	s4 =	sld [smem:$0x3FFD];
	_ =	sdelay $0x3  }
0x97: {  	_ =	strace s4  }
0x98: {  	_ =	strace $0x8FFFFFFF  }
0x99: {  	s19 =	sld [smem:$0x3FDB];
	_ =	sdelay $0x1  }
0x9a: {  	s5 =	simm.s32 $_scs_section_size  }
0x9b: {  	s6 =	simm.s32 $_size__tile_overlayer_lowered;
	s7 =	simm.s32 $_tile_overlayer_lowered  }
0x9c: {  	s22 =	simm.s32 $0x1BFF;
	s21 =	sshll.u32 s7, $0x1;
	s4 =	sadd.s32 s5, s19  }
0x9d: {  	s8 =	simm.s32 $0x0;
	s20 =	sshll.u32 s6, $0x1;
	s6 =	sadd.s32 s21, s4  }
0x9e: {  	[timem:s8], [sflag:s22] =	dma.local [hbm:s6], s20  }
0x9f: {  	_ =	swait.ge [sflag:s22], s20  }
0xa0: {  	s5 =	ssub.s32 $0x0, s20;
	[sflag:s22] =	ssyncset.done $0x0  }
0xa1: {  	[sflag:s22] =	ssyncadd.s32 s5;
	_ =	sdelay $0x1  }
0xa2: {  	s23 =	simm.s32 $0x1B8B  }
0xa3: {  	_ =	swait.ge [sflag:s23], $0x1  }
0xa4: {  	[sflag:s23] =	ssyncset.done $0x0  }
0xa5: {  	s25 =	simm.s32 $0x1B8E;
	s24 =	sld [smem:$0x3FFE];
	[sflag:s23] =	ssyncadd.s32 $0xFFFFFFFF  }
0xa6: {  	s26 =	simm.s32 $execute0_lowered;
	[smem:$0x3FD2] =	sst s25  }
0xa7: {  	s6 =	sshll.u32 s26, $0x1;
	_ =	strace $0x8000004C;
	[dreg:$0x1] =	wrdreg $0xFFFFFFFF  }
0xa8: {  	s28 =	simm.s32 $_size_execute0_lowered;
	s4 =	sadd.s32 s4, s6;
	[dreg:$0x0] =	wrdreg $0x0  }
0xa9: {  	s6 =	sshll.u32 s28, $0x1;
	[dreg:$0x2] =	wrdreg s4  }
0xaa: {  	[dreg:$0x3] =	wrdreg s6  }
0xab: {  	[dreg:$0x4] =	wrdreg $0xC0  }
0xac: {  	_ =	task [dreg:s8], $0x5FFFF  }
0xad: {  	[dreg:$0x1] =	wrdreg $0xFFFFFFFF  }
0xae: {  	[dreg:$0x0] =	wrdreg $0x60  }
0xaf: {  	[dreg:$0x2] =	wrdreg s24  }
0xb0: {  	[dreg:$0x3] =	wrdreg s2  }
0xb1: {  	[dreg:$0x4] =	wrdreg s18  }
0xb2: {  	[dreg:$0x5] =	wrdreg $0x9  }
0xb3: {  	_ =	task.clear_ibuf [dreg:s8], $0x6FFFF;
	_ =	strace $0x9000004C  }
0xb4: {  	s29 =	simm.s32 $0x9;
	_ =	strace $0x8000004E  }
0xb5: {  	_ =	swait.ge [sflag:s29], $0x1  }
0xb6: {  	[sflag:s29] =	ssyncadd.s32 $0xFFFFFFFF  }
0xb7: {  	_ =	strace $0x9000004E  }
0xb8: {  	_ =	sfence  }
0xb9: {  	s30 =	sld [smem:$0x0];
	_ =	sdelay $0x2  }
0xba: {  	s31 =	sshll.u32 s1, $0xD;
	s1 =	sshrl.u32 s1, $0x2  }
0xbb: {  	s3 =	sand.u32 $0x4000, s31;
	s1 =	sadd.s32 s1, s30  }
0xbc: {  	s0 =	sor.u32 s3, s0;
	s1 =	sshll.u32 s1, $0x11  }
0xbd: {  	s0 =	sor.u32 s1, s0  }
0xbe: {  	s0 =	sadd.s32 $0x8F2B, s0  }
0xbf: {  	[sflag:s0] =	ssyncadd.remote.s32 $0x1  }
0xc0: {  	_ =	sfence.sel $0xFFFF  }
0xc1: {  	[dreg:$0x0] =	wrdreg $0xFFFFFFFF;
	(pc) =	sbr.abs _section_cstart, $3  }
0xc2: {  	[dreg:$0x1] =	wrdreg $0xFFFFFFFF  }
0xc3: {  	_ =	task.clear_ibuf [dreg:s8], $0x2FFFF;
	_ =	strace $0x9FFFFFFF  }
0xc4: {  	(tm) =	ssettm $0x7FFFFFFF  }
0xc5: {  	_ =	shalt  }
tec
execute0_lowered:
.L_overlay_start_1:
0x0: {  	(tag) =	ssettag $0x1  }
0x1: {  	s1 =	srdreg.scid  }
0x2: {  	s0 =	stileid.u32;
	s15 =	sand.u32 $0x1, s1  }
0x3: {  	s13 =	rddreg [dreg:$0x0];
	s30 =	sshll.u32 s0, $0x8;
	s3 =	sshll.u32 s15, $0x7  }
0x4: {  	s2 =	rddreg [dreg:$0x1];
	s14 =	sor.u32 s3, s30  }
0x5: {  	s16 =	rddreg [dreg:$0x2];
	s3 =	simm.s32 $0x0;
	s18 =	sshrl.u32 s14, $0x3  }
0x6: {  	s4 =	simm.s32 $0x2;
	[smem:$0x7FF] =	sst s3;
	s17 =	sadd.s32 s18, s13  }
0x7: {  	s1 =	rddreg [dreg:$0x3];
	_ =	strace $0x8000004D;
	s5 =	sadd.s32 $0x3A800, s17  }
0x8: {  	[tilespmem:s3], [sflag:$0x2] =	stream.linear.gather [hbm4b:s5+s3], $0x80, $0x38;
	[tilespmem:$0x9200] =	vst v63  }
0x9: {  	_ =	swait.ge [sflag:s4], $0x80  }
0xa: {  	[sflag:s4] =	ssyncset.done $0x0  }
0xb: {  	s7 =	simm.s32 $0x80;
	s6 =	sadd.s32 $0x3AA00, s17;
	[sflag:s4] =	ssyncadd.s32 $0xFFFFFF80  }
0xc: {  	[tilespmem:s7], [sflag:$0x2] =	stream.linear.gather [hbm4b:s6+s3], $0x80, $0x38;
	[tilespmem:$0x9200] =	vst v63  }
0xd: {  	_ =	swait.ge [sflag:s4], $0x80  }
0xe: {  	[sflag:s4] =	ssyncset.done $0x0  }
0xf: {  	s8 =	simm.s32 $0x100;
	[sflag:s4] =	ssyncadd.s32 $0xFFFFFF80  }
0x10: {  	[tilespmem:s8], [sflag:$0x2] =	stream.linear.gather [hbm4b:s2+s3], $0x1000, $0x38;
	[tilespmem:$0x9200] =	vst v63  }
0x11: {  	_ =	swait.ge [sflag:s4], $0x1000  }
0x12: {  	[sflag:s4] =	ssyncset.done $0x0  }
0x13: {  	s10 =	simm.s32 $0x1100;
	s9 =	sadd.s32 $0xA400, s13;
	[sflag:s4] =	ssyncadd.s32 $0xFFFFF000  }
0x14: {  	[tilespmem:s10], [sflag:$0x1] =	stream.indirect.gather [hbm4b:s9+s7], $0x80, s3, s7, $0xb8;
	[tilespmem:$0x9200] =	vst v63  }
0x15: {  	s11 =	simm.s32 $0x5100  }
0x16: {  	[tilespmem:s11], [sflag:$0x1] =	stream.indirect.gather [hbm4b:s9+s7], $0x80, s7, s7, $0xb8;
	[tilespmem:$0x9200] =	vst v63  }
0x17: {  	v0 =	vld [tilespmem:$0x0];
	_ =	sdelay $0x5  }
0x18: {  	v1 =	vld [tilespmem:$0x80];
	_ =	sdelay $0x1  }
0x19: {  	v0 =	vld.idx.msk [tilespmem:v0+s8+$0x0], $0xffff;
	_ =	sdelay $0x3  }
0x1a: {  	v2 =	vld [tilespmem:$0x10]  }
0x1b: {  	[tilespmem:$0x9100] =	vst v0  }
0x1c: {  	v0 =	vld.idx.msk [tilespmem:v1+s8+$0x0], $0xffff;
	_ =	sdelay $0x3  }
0x1d: {  	v51 =	vld [tilespmem:$0x90]  }
0x1e: {  	[tilespmem:$0x9180] =	vst v0  }
0x1f: {  	v0 =	vld.idx.msk [tilespmem:v2+s8+$0x0], $0xffff;
	_ =	sdelay $0x3  }
0x20: {  	v52 =	vld [tilespmem:$0x20]  }
0x21: {  	[tilespmem:$0x9110] =	vst v0  }
0x22: {  	v0 =	vld.idx.msk [tilespmem:v51+s8+$0x0], $0xffff;
	_ =	sdelay $0x3  }
0x23: {  	v53 =	vld [tilespmem:$0xA0]  }
0x24: {  	[tilespmem:$0x9190] =	vst v0  }
0x25: {  	v0 =	vld.idx.msk [tilespmem:v52+s8+$0x0], $0xffff;
	_ =	sdelay $0x3  }
0x26: {  	v54 =	vld [tilespmem:$0x30]  }
0x27: {  	[tilespmem:$0x9120] =	vst v0  }
0x28: {  	v0 =	vld.idx.msk [tilespmem:v53+s8+$0x0], $0xffff;
	_ =	sdelay $0x3  }
0x29: {  	v55 =	vld [tilespmem:$0xB0]  }
0x2a: {  	[tilespmem:$0x91A0] =	vst v0  }
0x2b: {  	v0 =	vld.idx.msk [tilespmem:v54+s8+$0x0], $0xffff;
	_ =	sdelay $0x3  }
0x2c: {  	v56 =	vld [tilespmem:$0x40]  }
0x2d: {  	[tilespmem:$0x9130] =	vst v0  }
0x2e: {  	v0 =	vld.idx.msk [tilespmem:v55+s8+$0x0], $0xffff;
	_ =	sdelay $0x3  }
0x2f: {  	v57 =	vld [tilespmem:$0xC0]  }
0x30: {  	[tilespmem:$0x91B0] =	vst v0  }
0x31: {  	v0 =	vld.idx.msk [tilespmem:v56+s8+$0x0], $0xffff;
	_ =	sdelay $0x3  }
0x32: {  	v58 =	vld [tilespmem:$0x50]  }
0x33: {  	[tilespmem:$0x9140] =	vst v0  }
0x34: {  	v0 =	vld.idx.msk [tilespmem:v57+s8+$0x0], $0xffff;
	_ =	sdelay $0x3  }
0x35: {  	v59 =	vld [tilespmem:$0xD0]  }
0x36: {  	[tilespmem:$0x91C0] =	vst v0  }
0x37: {  	v0 =	vld.idx.msk [tilespmem:v58+s8+$0x0], $0xffff;
	_ =	sdelay $0x3  }
0x38: {  	v60 =	vld [tilespmem:$0x60]  }
0x39: {  	[tilespmem:$0x9150] =	vst v0  }
0x3a: {  	v0 =	vld.idx.msk [tilespmem:v59+s8+$0x0], $0xffff;
	_ =	sdelay $0x3  }
0x3b: {  	v61 =	vld [tilespmem:$0xE0]  }
0x3c: {  	[tilespmem:$0x91D0] =	vst v0  }
0x3d: {  	v0 =	vld.idx.msk [tilespmem:v60+s8+$0x0], $0xffff;
	_ =	sdelay $0x3  }
0x3e: {  	v62 =	vld [tilespmem:$0x70]  }
0x3f: {  	[tilespmem:$0x9160] =	vst v0  }
0x40: {  	v0 =	vld.idx.msk [tilespmem:v61+s8+$0x0], $0xffff;
	_ =	sdelay $0x3  }
0x41: {  	v63 =	vld [tilespmem:$0xF0]  }
0x42: {  	[tilespmem:$0x91E0] =	vst v0  }
0x43: {  	v0 =	vld.idx.msk [tilespmem:v62+s8+$0x0], $0xffff;
	_ =	sdelay $0x4  }
0x44: {  	[tilespmem:$0x9170] =	vst v0  }
0x45: {  	v0 =	vld.idx.msk [tilespmem:v63+s8+$0x0], $0xffff;
	_ =	sdelay $0x4  }
0x46: {  	s12 =	simm.s32 $0x1;
	[tilespmem:$0x91F0] =	vst v0  }
0x47: {  	_ =	swait.ge [sflag:s12], $0x4000  }
0x48: {  	[sflag:s12] =	ssyncset.done $0x0  }
0x49: {  	[sflag:s12] =	ssyncadd.s32 $0xFFFFC000  }
0x4a: {  	s14 =	sshll.u32 s14, $0x4;
	_ =	swait.ge [sflag:s12], $0x4000  }
0x4b: {  	s14 =	sadd.s32 s14, s13;
	[sflag:s12] =	ssyncset.done $0x0  }
0x4c: {  	s13 =	sadd.s32 $0x1A400, s14;
	[sflag:s12] =	ssyncadd.s32 $0xFFFFC000  }
0x4d: {  	[hbm4b:s13+s3] =	stream.linear.scatter [tilespmem:s10], [sflag:$0x2], $0x4000, $0x38;
	[tilespmem:$0x9200] =	vst v63  }
0x4e: {  	_ =	swait.ge [sflag:s4], $0x4000  }
0x4f: {  	[sflag:s4] =	ssyncset.done $0x0  }
0x50: {  	s19 =	ssub.s32 $0x2, s15;
	s14 =	sadd.s32 $0x2A400, s14;
	[sflag:s4] =	ssyncadd.s32 $0xFFFFC000  }
0x51: {  	[hbm4b:s14+s3] =	stream.linear.scatter [tilespmem:s11], [sflag:$0x2], $0x4000, $0x38;
	[tilespmem:$0x9200] =	vst v63  }
0x52: {  	s31 =	sshrl.u32 s19, $0x1;
	_ =	swait.ge [sflag:s4], $0x4000  }
0x53: {  	s15 =	sadd.s32 s16, s18;
	s18 =	ssub.s32 s19, s31;
	[sflag:s4] =	ssyncset.done $0x0  }
0x54: {  	s16 =	simm.s32 $0x9100;
	s19 =	smax.u32 s18, $0x1;
	[sflag:s4] =	ssyncadd.s32 $0xFFFFC000  }
0x55: {  	[hbm4b:s15+s3] =	stream.linear.scatter [tilespmem:s16], [sflag:$0x2], $0x80, $0x38;
	[tilespmem:$0x9200] =	vst v63  }
0x56: {  	p0 =	sne.s32 s19, $0x1;
	_ =	swait.ge [sflag:s4], $0x80  }
.Ltmp0:
0x57: {  	[sflag:s4] =	ssyncset.done $0x0;
	(pc) =	sbr.rel @!p0 .LBB2_2-.Ltmp0, $4  }
0x58: {  	s17 =	sadd.s32 $0x6C00, s17;
	s18 =	simm.s32 $0x9180;
	[sflag:s4] =	ssyncadd.s32 $0xFFFFFF80  }
0x59: {  	[hbm4b:s17+s3] =	stream.linear.scatter [tilespmem:s18], [sflag:$0x2], $0x80, $0x38;
	[tilespmem:$0x9200] =	vst v63  }
0x5a: {  	_ =	swait.ge [sflag:s4], $0x80  }
0x5b: {  	s19 =	sadd.s32 $0xFFFFFFFF, s19;
	[sflag:s4] =	ssyncset.done $0x0  }
.LBB2_1:
0x5c: {  	p0 =	sne.s32 s19, $0x1;
	s19 =	sadd.s32 $0xFFFFFFFF, s19;
	[sflag:s4] =	ssyncadd.s32 $0xFFFFFF80  }
0x5d: {  	[tilespmem:s3], [sflag:$0x2] =	stream.linear.gather [hbm4b:s5+s3], $0x80, $0x38;
	[tilespmem:$0x9200] =	vst v63  }
0x5e: {  	_ =	swait.ge [sflag:s4], $0x80  }
0x5f: {  	[sflag:s4] =	ssyncset.done $0x0  }
0x60: {  	[sflag:s4] =	ssyncadd.s32 $0xFFFFFF80  }
0x61: {  	[tilespmem:s7], [sflag:$0x2] =	stream.linear.gather [hbm4b:s6+s3], $0x80, $0x38;
	[tilespmem:$0x9200] =	vst v63  }
0x62: {  	_ =	swait.ge [sflag:s4], $0x80  }
0x63: {  	[sflag:s4] =	ssyncset.done $0x0  }
0x64: {  	[sflag:s4] =	ssyncadd.s32 $0xFFFFFF80  }
0x65: {  	[tilespmem:s8], [sflag:$0x2] =	stream.linear.gather [hbm4b:s2+s3], $0x1000, $0x38;
	[tilespmem:$0x9200] =	vst v63  }
0x66: {  	_ =	swait.ge [sflag:s4], $0x1000  }
0x67: {  	[sflag:s4] =	ssyncset.done $0x0  }
0x68: {  	[sflag:s4] =	ssyncadd.s32 $0xFFFFF000  }
0x69: {  	[tilespmem:s10], [sflag:$0x1] =	stream.indirect.gather [hbm4b:s9+s7], $0x80, s3, s7, $0xb8;
	[tilespmem:$0x9200] =	vst v63  }
0x6a: {  	_ = 	snop  }
0x6b: {  	[tilespmem:s11], [sflag:$0x1] =	stream.indirect.gather [hbm4b:s9+s7], $0x80, s7, s7, $0xb8;
	[tilespmem:$0x9200] =	vst v63  }
0x6c: {  	v0 =	vld [tilespmem:$0x0]  }
0x6d: {  	v1 =	vld [tilespmem:$0x80]  }
0x6e: {  	v2 =	vld [tilespmem:$0x10]  }
0x6f: {  	v3 =	vld [tilespmem:$0x90]  }
0x70: {  	v4 =	vld [tilespmem:$0x20]  }
0x71: {  	v5 =	vld [tilespmem:$0xA0]  }
0x72: {  	v6 =	vld [tilespmem:$0x30]  }
0x73: {  	v7 =	vld [tilespmem:$0xB0]  }
0x74: {  	v0 =	vld.idx.msk [tilespmem:v0+s8+$0x0], $0xffff  }
0x75: {  	v8 =	vld [tilespmem:$0x40]  }
0x76: {  	v9 =	vld [tilespmem:$0xC0]  }
0x77: {  	v10 =	vld [tilespmem:$0x50]  }
0x78: {  	v11 =	vld [tilespmem:$0xD0]  }
0x79: {  	v12 =	vld [tilespmem:$0x60]  }
0x7a: {  	[tilespmem:$0x9100] =	vst v0;
	v0 =	vld [tilespmem:$0xE0]  }
0x7b: {  	v1 =	vld.idx.msk [tilespmem:v1+s8+$0x0], $0xffff  }
0x7c: {  	v13 =	vld [tilespmem:$0x70]  }
0x7d: {  	v14 =	vld [tilespmem:$0xF0];
	_ =	sdelay $0x3  }
0x7e: {  	[tilespmem:$0x9180] =	vst v1  }
0x7f: {  	v1 =	vld.idx.msk [tilespmem:v2+s8+$0x0], $0xffff;
	_ =	sdelay $0x5  }
0x80: {  	[tilespmem:$0x9110] =	vst v1  }
0x81: {  	v1 =	vld.idx.msk [tilespmem:v3+s8+$0x0], $0xffff;
	_ =	sdelay $0x5  }
0x82: {  	[tilespmem:$0x9190] =	vst v1  }
0x83: {  	v1 =	vld.idx.msk [tilespmem:v4+s8+$0x0], $0xffff;
	_ =	sdelay $0x5  }
0x84: {  	[tilespmem:$0x9120] =	vst v1  }
0x85: {  	v1 =	vld.idx.msk [tilespmem:v5+s8+$0x0], $0xffff;
	_ =	sdelay $0x5  }
0x86: {  	[tilespmem:$0x91A0] =	vst v1  }
0x87: {  	v1 =	vld.idx.msk [tilespmem:v6+s8+$0x0], $0xffff;
	_ =	sdelay $0x5  }
0x88: {  	[tilespmem:$0x9130] =	vst v1  }
0x89: {  	v1 =	vld.idx.msk [tilespmem:v7+s8+$0x0], $0xffff;
	_ =	sdelay $0x5  }
0x8a: {  	[tilespmem:$0x91B0] =	vst v1  }
0x8b: {  	v1 =	vld.idx.msk [tilespmem:v8+s8+$0x0], $0xffff;
	_ =	sdelay $0x5  }
0x8c: {  	[tilespmem:$0x9140] =	vst v1  }
0x8d: {  	v1 =	vld.idx.msk [tilespmem:v9+s8+$0x0], $0xffff;
	_ =	sdelay $0x5  }
0x8e: {  	[tilespmem:$0x91C0] =	vst v1  }
0x8f: {  	v1 =	vld.idx.msk [tilespmem:v10+s8+$0x0], $0xffff;
	_ =	sdelay $0x5  }
0x90: {  	[tilespmem:$0x9150] =	vst v1  }
0x91: {  	v1 =	vld.idx.msk [tilespmem:v11+s8+$0x0], $0xffff;
	_ =	sdelay $0x5  }
0x92: {  	[tilespmem:$0x91D0] =	vst v1  }
0x93: {  	v1 =	vld.idx.msk [tilespmem:v12+s8+$0x0], $0xffff;
	_ =	sdelay $0x5  }
0x94: {  	[tilespmem:$0x9160] =	vst v1  }
0x95: {  	v0 =	vld.idx.msk [tilespmem:v0+s8+$0x0], $0xffff;
	_ =	sdelay $0x5  }
0x96: {  	[tilespmem:$0x91E0] =	vst v0  }
0x97: {  	v0 =	vld.idx.msk [tilespmem:v13+s8+$0x0], $0xffff;
	_ =	sdelay $0x5  }
0x98: {  	[tilespmem:$0x9170] =	vst v0  }
0x99: {  	v0 =	vld.idx.msk [tilespmem:v14+s8+$0x0], $0xffff;
	_ =	sdelay $0x5  }
0x9a: {  	[tilespmem:$0x91F0] =	vst v0  }
0x9b: {  	_ =	swait.ge [sflag:s12], $0x4000  }
0x9c: {  	[sflag:s12] =	ssyncset.done $0x0  }
0x9d: {  	[sflag:s12] =	ssyncadd.s32 $0xFFFFC000  }
0x9e: {  	_ =	swait.ge [sflag:s12], $0x4000  }
0x9f: {  	[sflag:s12] =	ssyncset.done $0x0  }
0xa0: {  	[sflag:s12] =	ssyncadd.s32 $0xFFFFC000  }
0xa1: {  	[hbm4b:s13+s3] =	stream.linear.scatter [tilespmem:s10], [sflag:$0x2], $0x4000, $0x38;
	[tilespmem:$0x9200] =	vst v63  }
0xa2: {  	_ =	swait.ge [sflag:s4], $0x4000  }
0xa3: {  	[sflag:s4] =	ssyncset.done $0x0  }
0xa4: {  	[sflag:s4] =	ssyncadd.s32 $0xFFFFC000  }
0xa5: {  	[hbm4b:s14+s3] =	stream.linear.scatter [tilespmem:s11], [sflag:$0x2], $0x4000, $0x38;
	[tilespmem:$0x9200] =	vst v63  }
0xa6: {  	_ =	swait.ge [sflag:s4], $0x4000  }
0xa7: {  	[sflag:s4] =	ssyncset.done $0x0  }
0xa8: {  	[sflag:s4] =	ssyncadd.s32 $0xFFFFC000  }
0xa9: {  	[hbm4b:s15+s3] =	stream.linear.scatter [tilespmem:s16], [sflag:$0x2], $0x80, $0x38;
	[tilespmem:$0x9200] =	vst v63  }
0xaa: {  	_ =	swait.ge [sflag:s4], $0x80  }
.Ltmp1:
0xab: {  	[sflag:s4] =	ssyncset.done $0x0;
	(pc) =	sbr.rel @p0 .LBB2_1-.Ltmp1, $4  }
0xac: {  	[sflag:s4] =	ssyncadd.s32 $0xFFFFFF80  }
0xad: {  	[hbm4b:s17+s3] =	stream.linear.scatter [tilespmem:s18], [sflag:$0x2], $0x80, $0x38;
	[tilespmem:$0x9200] =	vst v63  }
0xae: {  	_ =	swait.ge [sflag:s4], $0x80  }
0xaf: {  	[sflag:s4] =	ssyncset.done $0x0  }
.LBB2_2:
0xb0: {  	[sflag:s4] =	ssyncadd.s32 $0xFFFFFF80  }
0xb1: {  	_ =	sfence.sel $0x180000  }
0xb2: {  	[bflag:$0x0] =	sbarrier.arrive $0xFFFF  }
0xb3: {  	p0 =	sne.s32 s0, $0x0;
	_ =	strace $0x9000004D  }
0xb4: {  	s0 =	sadd.s32 @!p0 $0x100000, s1;
	[bflag:$0x2] =	sbarrier.arrive $0xFFFF  }
0xb5: {  	[sflag:s0] =	ssyncadd.tile.s32 @!p0 $0x1;
	_ =	shalt  }
.Lfunc_end2:
_tile_overlayer_lowered:
.L_overlay_start_2:
0xb6: {  	(tag) =	ssettag $0x2  }
0xb7: {  	s0 =	rddreg [dreg:$0x0];
	s2 =	stileid.u32  }
0xb8: {  	s1 =	rddreg [dreg:$0x1];
	p0 =	sne.s32 s2, $0x0  }
0xb9: {  	s3 =	rddreg [dreg:$0x2];
	[bflag:$0x3] =	sbarrier.arrive $0xFFFF;
	s2 =	simm.s32 @!p0 $0x1C02  }
0xba: {  	[timem:s3], [sflag:s2] =	dma.local @!p0 [hbm:s0], s1  }
0xbb: {  	s0 =	simm.s32 @!p0 $0x2  }
0xbc: {  	_ =	swait.ge @!p0 [sflag:s0], s1  }
0xbd: {  	s1 =	ssub.s32 @!p0 $0x0, s1;
	[sflag:s0] =	ssyncset.done @!p0 $0x0  }
0xbe: {  	[sflag:s0] =	ssyncadd.s32 @!p0 s1  }
0xbf: {  	[bflag:$0x3] =	sbarrier.arrive $0xFFFF  }
0xc0: {  	_ =	shalt  }

// kernel: kernel.8.cloned.1.call-start
scs
__scs_entry_jumppad:
0x0: {  	(pc) =	sbr.rel $0x88, $3  }
0x1: {  	(tag) =	ssettag $0x0;
	lr =	simm.s32 $0x1  }
0x2: {  	[smem:$0x3F7F] =	sst lr;
	_ =	strace $0xD0000000  }
0x3: {  	_ = 	snop  }
0x4: {  	_ = 	snop  }
0x5: {  	_ = 	snop  }
0x6: {  	_ = 	snop  }
0x7: {  	_ = 	snop  }
__scs_overlays_trampoline_lowered:
0x8: {  	[smem:$0x3F8E] =	sst s0  }
0x9: {  	[smem:$0x3F8F] =	sst s1  }
0xa: {  	[smem:$0x3F90] =	sst s2  }
0xb: {  	[smem:$0x3F91] =	sst s3  }
0xc: {  	[smem:$0x3F92] =	sst s4  }
0xd: {  	[smem:$0x3F93] =	sst s5  }
0xe: {  	[smem:$0x3F94] =	sst s6  }
0xf: {  	[smem:$0x3F95] =	sst s7  }
0x10: {  	[smem:$0x3F96] =	sst s8  }
0x11: {  	[smem:$0x3F97] =	sst s9;
	s0 =	simm.s32 @!p0 $0x0  }
0x12: {  	s1 =	sld [smem:$0x3F7D];
	s0 =	simm.s32 @p0 $0x1  }
0x13: {  	[smem:$0x3F98] =	sst s0;
	s0 =	simm.s32 @!p1 $0x0  }
0x14: {  	s2 =	sld [smem:$0x3F7C];
	s0 =	simm.s32 @p1 $0x1  }
0x15: {  	[smem:$0x3F99] =	sst s0;
	s0 =	simm.s32 @!p2 $0x0  }
0x16: {  	s3 =	sld [smem:$0x3FDB];
	s0 =	simm.s32 @p2 $0x1  }
0x17: {  	s4 =	simm.s32 $0x1BF5;
	[smem:$0x3F9B] =	sst s0  }
0x18: {  	s0 =	sld [smem:$0x3F7E];
	_ =	swait.ge [sflag:s4], $0x0  }
0x19: {  	s7 =	sld [smem:$0x3F7F]  }
0x1a: {  	s8 =	sadd.s32 $0xFFFFE003, lr  }
0x1b: {  	s9 =	sadd.s32 $0xFFFFFEF7, lr;
	s5 =	simm.s32 $0xFFFFFFFF;
	p2 =	slt.u32 s8, $0xFFFFF086  }
0x1c: {  	p1 =	slt.u32 s9, $0xF7A;
	s5 =	simm.s32 @!p2 $0x0  }
0x1d: {  	s5 =	simm.s32 @p1 $0x1;
	p0 =	seq.s32 s7, s2  }
0x1e: {  	s7 =	smul.u32 @!p0 $0xF7A, s2;
	p2 =	seq.s32 @!p0 s5, $0x0  }
0x1f: {  	s9 =	smul.u32 $0xF7A, s1;
	s8 =	simm.s32 @!p0 $0x1BF5;
	p2 =	por !p2, p0  }
0x20: {  	[sflag:s8] =	ssyncset.s32 @!p0 $0xFFFFF086;
	s6 =	sadd.s32 @!p0 s3, s7;
	s7 =	simm.s32 @!p0 $0x108  }
0x21: {  	s3 =	sadd.s32 s3, s9;
	s6 =	sadd.s32 @!p0 $0x88, s6;
	s7 =	simm.s32 @p2 $0x1082  }
0x22: {  	[simem:s7], [sflag:s8] =	dma.local @!p0 [hbm:s6], $0xF7A  }
0x23: {  	s9 =	sor.u32 $0xD0000000, s2;
	s6 =	simm.s32 $0x108;
	_ =	swait.ge @!p0 [sflag:s8], $0x0  }
0x24: {  	s3 =	sadd.s32 $0x88, s3;
	s6 =	simm.s32 @!p1 $0x1082;
	[sflag:s4] =	ssyncset.s32 $0xFFFFF086  }
0x25: {  	[simem:s6], [sflag:s4] =	dma.local [hbm:s3], $0xF7A  }
0x26: {  	[smem:$0x3F7F] =	sst s1;
	(tag) =	ssettag s2;
	_ =	strace s9  }
0x27: {  	s1 =	sld [smem:$0x3F8F]  }
0x28: {  	s2 =	sld [smem:$0x3F90]  }
0x29: {  	s4 =	sld [smem:$0x3F92]  }
0x2a: {  	p0 =	seq.s32 s5, $0x0;
	s5 =	sld [smem:$0x3F93]  }
0x2b: {  	s6 =	sld [smem:$0x3F94]  }
0x2c: {  	s7 =	sld [smem:$0x3F95]  }
0x2d: {  	s3 =	simm.s32 $0x108;
	s8 =	sld [smem:$0x3F96]  }
0x2e: {  	s3 =	simm.s32 @!p0 $0x1082;
	s9 =	sld [smem:$0x3F97]  }
0x2f: {  	lr =	sadd.s32 s0, s3;
	s0 =	sld [smem:$0x3F8E]  }
0x30: {  	s3 =	sld [smem:$0x3F91]  }
0x31: {  	[smem:$0x3F9A] =	sst s10  }
0x32: {  	s10 =	sld [smem:$0x3F98];
	_ =	sdelay $0x3  }
0x33: {  	p0 =	seq.s32 s10, $0x1;
	s10 =	sld [smem:$0x3F9A];
	_ =	sdelay $0x3  }
0x34: {  	[smem:$0x3F9A] =	sst s10  }
0x35: {  	s10 =	sld [smem:$0x3F99];
	_ =	sdelay $0x3  }
0x36: {  	p1 =	seq.s32 s10, $0x1;
	s10 =	sld [smem:$0x3F9A];
	_ =	sdelay $0x3  }
0x37: {  	[smem:$0x3F9A] =	sst s10  }
0x38: {  	s10 =	sld [smem:$0x3F9B]  }
0x39: {  	_ = 	snop;
	(pc) =	sbr.ind lr, $3  }
0x3a: {  	_ = 	snop  }
0x3b: {  	_ = 	snop  }
0x3c: {  	p2 =	seq.s32 s10, $0x1;
	s10 =	sld [smem:$0x3F9A]  }
0x3d: {  	_ =	shalt  }
0x3e: {  	_ =	shalt  }
0x3f: {  	_ =	shalt  }
0x40: {  	_ =	shalt  }
0x41: {  	_ =	shalt  }
0x42: {  	_ =	shalt  }
0x43: {  	_ =	shalt  }
0x44: {  	_ =	shalt  }
0x45: {  	_ =	shalt  }
0x46: {  	_ =	shalt  }
0x47: {  	_ =	shalt  }
0x48: {  	_ =	shalt  }
0x49: {  	_ =	shalt  }
0x4a: {  	_ =	shalt  }
0x4b: {  	_ =	shalt  }
0x4c: {  	_ =	shalt  }
0x4d: {  	_ =	shalt  }
0x4e: {  	_ =	shalt  }
0x4f: {  	_ =	shalt  }
0x50: {  	_ =	shalt  }
0x51: {  	_ =	shalt  }
0x52: {  	_ =	shalt  }
0x53: {  	_ =	shalt  }
0x54: {  	_ =	shalt  }
0x55: {  	_ =	shalt  }
0x56: {  	_ =	shalt  }
0x57: {  	_ =	shalt  }
0x58: {  	_ =	shalt  }
0x59: {  	_ =	shalt  }
0x5a: {  	_ =	shalt  }
0x5b: {  	_ =	shalt  }
0x5c: {  	_ =	shalt  }
0x5d: {  	_ =	shalt  }
0x5e: {  	_ =	shalt  }
0x5f: {  	_ =	shalt  }
0x60: {  	_ =	shalt  }
0x61: {  	_ =	shalt  }
0x62: {  	_ =	shalt  }
0x63: {  	_ =	shalt  }
0x64: {  	_ =	shalt  }
0x65: {  	_ =	shalt  }
0x66: {  	_ =	shalt  }
0x67: {  	_ =	shalt  }
0x68: {  	_ =	shalt  }
0x69: {  	_ =	shalt  }
0x6a: {  	_ =	shalt  }
0x6b: {  	_ =	shalt  }
0x6c: {  	_ =	shalt  }
0x6d: {  	_ =	shalt  }
0x6e: {  	_ =	shalt  }
0x6f: {  	_ =	shalt  }
0x70: {  	_ =	shalt  }
0x71: {  	_ =	shalt  }
0x72: {  	_ =	shalt  }
0x73: {  	_ =	shalt  }
0x74: {  	_ =	shalt  }
0x75: {  	_ =	shalt  }
0x76: {  	_ =	shalt  }
0x77: {  	_ =	shalt  }
0x78: {  	_ =	shalt  }
0x79: {  	_ =	shalt  }
0x7a: {  	_ =	shalt  }
0x7b: {  	_ =	shalt  }
0x7c: {  	_ =	shalt  }
0x7d: {  	_ =	shalt  }
0x7e: {  	_ =	shalt  }
0x7f: {  	_ =	shalt  }
0x80: {  	_ =	shalt  }
0x81: {  	_ =	shalt  }
0x82: {  	_ =	shalt  }
0x83: {  	_ =	shalt  }
0x84: {  	_ =	shalt  }
0x85: {  	_ =	shalt  }
0x86: {  	_ =	shalt  }
0x87: {  	_ =	shalt  }
.Lfunc_end0:
.L_simem_size_0:
called_computation_lowered:
.L_overlay_start_0:
0x88: {  	s2 =	sld [smem:$0x3FD9]  }
0x89: {  	s3 =	sld [smem:$0x3FFE];
	_ =	sdelay $0x1  }
0x8a: {  	s1 =	srdreg.scid  }
0x8b: {  	s0 =	sand.u32 $0x1, s1  }
0x8c: {  	s17 =	sshll.u32 s0, $0xA;
	s2 =	sadd.s32 s3, s2  }
0x8d: {  	s2 =	sadd.s32 s2, s17  }
0x8e: {  	[smem:$0x3FA6] =	sst s2  }
0x8f: {  	_ = 	snop  }
0x90: {  	s2 =	sld [smem:$0x3FC9]  }
0x91: {  	s18 =	sld [smem:$0x3FC8]  }
0x92: {  	s4 =	sld [smem:$0x3FC6]  }
0x93: {  	s5 =	sld [smem:$0x3FC5]  }
0x94: {  	s6 =	sld [smem:$0x3FC4]  }
0x95: {  	s7 =	sld [smem:$0x3FC3]  }
0x96: {  	s8 =	sld [smem:$0x3FD0];
	(tm) =	ssettm $0x1  }
0x97: {  	s9 =	sld [smem:$0x3FFB];
	_ =	sdelay $0x3  }
0x98: {  	_ =	strace s9  }
0x99: {  	s9 =	sld [smem:$0x3FFC];
	_ =	sdelay $0x3  }
0x9a: {  	_ =	strace s9  }
0x9b: {  	s9 =	sld [smem:$0x3FFD];
	_ =	sdelay $0x3  }
0x9c: {  	_ =	strace s9  }
0x9d: {  	_ =	strace $0x8FFFFFFF  }
0x9e: {  	s19 =	sld [smem:$0x3FDB];
	_ =	sdelay $0x1  }
0x9f: {  	s10 =	simm.s32 $_scs_section_size  }
0xa0: {  	s11 =	simm.s32 $_size__tile_overlayer_lowered;
	s12 =	simm.s32 $_tile_overlayer_lowered  }
0xa1: {  	s22 =	simm.s32 $0x1BFF;
	s21 =	sshll.u32 s12, $0x1;
	s9 =	sadd.s32 s10, s19  }
0xa2: {  	s13 =	simm.s32 $0x0;
	s20 =	sshll.u32 s11, $0x1;
	s11 =	sadd.s32 s21, s9  }
0xa3: {  	[timem:s13], [sflag:s22] =	dma.local [hbm:s11], s20  }
0xa4: {  	_ =	swait.ge [sflag:s22], s20  }
0xa5: {  	s10 =	ssub.s32 $0x0, s20;
	[sflag:s22] =	ssyncset.done $0x0  }
0xa6: {  	[sflag:s22] =	ssyncadd.s32 s10;
	_ =	sdelay $0x1  }
0xa7: {  	s23 =	simm.s32 $0x1B8B  }
0xa8: {  	_ =	swait.ge [sflag:s23], $0x1  }
0xa9: {  	[sflag:s23] =	ssyncset.done $0x0  }
0xaa: {  	s25 =	simm.s32 $0x1B8E;
	s24 =	sld [smem:$0x3FFE];
	[sflag:s23] =	ssyncadd.s32 $0xFFFFFFFF  }
0xab: {  	s26 =	simm.s32 $execute0_lowered;
	[smem:$0x3FD2] =	sst s25  }
0xac: {  	s11 =	sshll.u32 s26, $0x1;
	_ =	strace $0x80000046;
	[dreg:$0x1] =	wrdreg $0xFFFFFFFF  }
0xad: {  	s28 =	simm.s32 $_size_execute0_lowered;
	s9 =	sadd.s32 s9, s11;
	[dreg:$0x0] =	wrdreg $0x0  }
0xae: {  	s11 =	sshll.u32 s28, $0x1;
	[dreg:$0x2] =	wrdreg s9  }
0xaf: {  	[dreg:$0x3] =	wrdreg s11  }
0xb0: {  	[dreg:$0x4] =	wrdreg $0xC0  }
0xb1: {  	_ =	task [dreg:s13], $0x5FFFF  }
0xb2: {  	[dreg:$0x1] =	wrdreg $0xFFFFFFFF  }
0xb3: {  	[dreg:$0x0] =	wrdreg $0x60  }
0xb4: {  	[dreg:$0x2] =	wrdreg s2  }
0xb5: {  	[dreg:$0x3] =	wrdreg s18  }
0xb6: {  	[dreg:$0x4] =	wrdreg s4  }
0xb7: {  	[dreg:$0x5] =	wrdreg s5  }
0xb8: {  	[dreg:$0x6] =	wrdreg s6  }
0xb9: {  	[dreg:$0x7] =	wrdreg s7  }
0xba: {  	[dreg:$0x8] =	wrdreg s24  }
0xbb: {  	[dreg:$0x9] =	wrdreg s8  }
0xbc: {  	[dreg:$0xa] =	wrdreg $0x9  }
0xbd: {  	_ =	task.clear_ibuf [dreg:s13], $0xBFFFF;
	_ =	strace $0x90000046  }
0xbe: {  	s29 =	simm.s32 $0x9;
	_ =	strace $0x80000048  }
0xbf: {  	_ =	swait.ge [sflag:s29], $0x1  }
0xc0: {  	[sflag:s29] =	ssyncadd.s32 $0xFFFFFFFF  }
0xc1: {  	_ =	strace $0x90000048  }
0xc2: {  	_ =	sfence  }
0xc3: {  	s30 =	sld [smem:$0x0];
	_ =	sdelay $0x2  }
0xc4: {  	s31 =	sshll.u32 s1, $0xD;
	s1 =	sshrl.u32 s1, $0x2  }
0xc5: {  	s3 =	sand.u32 $0x4000, s31;
	s1 =	sadd.s32 s1, s30  }
0xc6: {  	s0 =	sor.u32 s3, s0;
	s1 =	sshll.u32 s1, $0x11  }
0xc7: {  	s0 =	sor.u32 s1, s0  }
0xc8: {  	s0 =	sadd.s32 $0x8F2B, s0  }
0xc9: {  	[sflag:s0] =	ssyncadd.remote.s32 $0x1  }
0xca: {  	_ =	sfence.sel $0xFFFF  }
0xcb: {  	[dreg:$0x0] =	wrdreg $0xFFFFFFFF;
	(pc) =	sbr.abs _section_cstart, $3  }
0xcc: {  	[dreg:$0x1] =	wrdreg $0xFFFFFFFF  }
0xcd: {  	_ =	task.clear_ibuf [dreg:s13], $0x2FFFF;
	_ =	strace $0x9FFFFFFF  }
0xce: {  	(tm) =	ssettm $0x7FFFFFFF  }
0xcf: {  	_ =	shalt  }
tec
execute0_lowered:
.L_overlay_start_1:
0x0: {  	(tag) =	ssettag $0x1  }
0x1: {  	s6 =	rddreg [dreg:$0x0]  }
0x2: {  	s8 =	rddreg [dreg:$0x1]  }
0x3: {  	s10 =	rddreg [dreg:$0x2]  }
0x4: {  	s2 =	rddreg [dreg:$0x3]  }
0x5: {  	s3 =	rddreg [dreg:$0x4]  }
0x6: {  	s4 =	rddreg [dreg:$0x5];
	s1 =	srdreg.scid  }
0x7: {  	s20 =	rddreg [dreg:$0x6];
	s0 =	stileid.u32;
	s21 =	sand.u32 $0x1, s1  }
0x8: {  	s22 =	rddreg [dreg:$0x7];
	s7 =	sshll.u32 s0, $0x8;
	s9 =	sshll.u32 s21, $0x7  }
0x9: {  	s5 =	simm.s32 $0x0;
	s1 =	rddreg [dreg:$0x8];
	s23 =	sor.u32 s9, s7  }
0xa: {  	[smem:$0x7FF] =	sst s5;
	s24 =	sshrl.u32 s23, $0x3  }
0xb: {  	_ =	strace $0x80000047;
	s7 =	sadd.s32 s6, s24;
	s6 =	simm.s32 $0x3  }
0xc: {  	[tilespmem:s5], [sflag:$0x3] =	stream.linear.gather [hbm4b:s7+s5], $0x80, $0x38;
	[tilespmem:$0x10280] =	vst v63  }
0xd: {  	_ =	swait.ge [sflag:s6], $0x80  }
0xe: {  	[sflag:s6] =	ssyncset.done $0x0  }
0xf: {  	s9 =	simm.s32 $0x80;
	s8 =	sadd.s32 s8, s24;
	[sflag:s6] =	ssyncadd.s32 $0xFFFFFF80  }
0x10: {  	[tilespmem:s9], [sflag:$0x3] =	stream.linear.gather [hbm4b:s8+s5], $0x80, $0x38;
	[tilespmem:$0x10280] =	vst v63  }
0x11: {  	_ =	swait.ge [sflag:s6], $0x80  }
0x12: {  	[sflag:s6] =	ssyncset.done $0x0  }
0x13: {  	s11 =	simm.s32 $0x100;
	s10 =	sadd.s32 s10, s24;
	[sflag:s6] =	ssyncadd.s32 $0xFFFFFF80  }
0x14: {  	[tilespmem:s11], [sflag:$0x3] =	stream.linear.gather [hbm4b:s10+s5], $0x80, $0x38;
	[tilespmem:$0x10280] =	vst v63  }
0x15: {  	_ =	swait.ge [sflag:s6], $0x80  }
0x16: {  	[sflag:s6] =	ssyncset.done $0x0  }
0x17: {  	s12 =	simm.s32 $0x200;
	[sflag:s6] =	ssyncadd.s32 $0xFFFFFF80  }
0x18: {  	[tilespmem:s12], [sflag:$0x1] =	stream.indirect.gather [hbm4b:s4+s9], $0x80, s5, s9, $0xb8;
	[tilespmem:$0x10280] =	vst v63  }
0x19: {  	s13 =	simm.s32 $0x4200  }
0x1a: {  	[tilespmem:s13], [sflag:$0x1] =	stream.indirect.gather [hbm4b:s2+s9], $0x80, s9, s9, $0xb8;
	[tilespmem:$0x10280] =	vst v63  }
0x1b: {  	s14 =	simm.s32 $0x8200  }
0x1c: {  	[tilespmem:s14], [sflag:$0x1] =	stream.indirect.gather [hbm4b:s3+s9], $0x80, s11, s9, $0xb8;
	[tilespmem:$0x10280] =	vst v63  }
0x1d: {  	v0 =	vld [tilespmem:$0x70]  }
0x1e: {  	v1 =	vld [tilespmem:$0x60]  }
0x1f: {  	v2 =	vld [tilespmem:$0x50]  }
0x20: {  	v3 =	vld [tilespmem:$0x40]  }
0x21: {  	v4 =	vld [tilespmem:$0x30]  }
0x22: {  	v5 =	vld [tilespmem:$0x20];
	v0 =	vshra.s32 v0, $0x7  }
0x23: {  	v6 =	vld [tilespmem:$0x10];
	v1 =	vshra.s32 v1, $0x7;
	[tilespmem:$0x1F0] =	vst v0  }
0x24: {  	v2 =	vshra.s32 v2, $0x7;
	v0 =	vld [tilespmem:$0x0];
	[tilespmem:$0x1E0] =	vst v1  }
0x25: {  	v1 =	vshra.s32 v3, $0x7;
	[tilespmem:$0x1D0] =	vst v2  }
0x26: {  	v2 =	vshra.s32 v4, $0x7;
	[tilespmem:$0x1C0] =	vst v1  }
0x27: {  	v1 =	vshra.s32 v5, $0x7;
	[tilespmem:$0x1B0] =	vst v2  }
0x28: {  	v2 =	vshra.s32 v6, $0x7;
	[tilespmem:$0x1A0] =	vst v1  }
0x29: {  	s16 =	simm.s32 $0x180;
	[tilespmem:$0x190] =	vst v2;
	v0 =	vshra.s32 v0, $0x7  }
0x2a: {  	s17 =	simm.s32 $0xC200;
	s18 =	simm.s32 $0x2;
	s15 =	sadd.s32 $0x6C00, s20;
	[tilespmem:$0x180] =	vst v0  }
0x2b: {  	[tilespmem:s17], [sflag:$0x2] =	stream.indirect.gather [hbm4b:s15+s9], $0x80, s16, s9, $0xb8;
	[tilespmem:$0x10280] =	vst v63  }
0x2c: {  	_ =	swait.ge [sflag:s18], $0x4000  }
0x2d: {  	[sflag:s18] =	ssyncset.done $0x0  }
0x2e: {  	[sflag:s18] =	ssyncadd.s32 $0xFFFFC000  }
0x2f: {  	v1 =	vld [tilespmem:$0x0];
	_ =	sdelay $0x2  }
0x30: {  	v0 =	vlaneseq.u32  }
0x31: {  	v0 =	vmul.u32 $0x80, v0  }
0x32: {  	v1 =	vand.u32 $0x7F, v1  }
0x33: {  	v2 =	vld [tilespmem:$0x10];
	v3 =	vor.u32 v0, v1;
	_ =	sdelay $0x4  }
0x34: {  	v2 =	vand.u32 $0x7F, v2;
	v1 =	vor.u32 $0x800, v0;
	v3 =	vld.idx.msk [tilespmem:v3+s17+$0x0], $0xffff  }
0x35: {  	v4 =	vld [tilespmem:$0x20];
	v5 =	vor.u32 v1, v2;
	_ =	sdelay $0x3  }
0x36: {  	[tilespmem:$0x10200] =	vst v3  }
0x37: {  	v2 =	vor.u32 $0x1000, v0;
	v3 =	vand.u32 $0x7F, v4;
	v4 =	vld.idx.msk [tilespmem:v5+s17+$0x0], $0xffff  }
0x38: {  	v5 =	vld [tilespmem:$0x30];
	v6 =	vor.u32 v2, v3;
	_ =	sdelay $0x3  }
0x39: {  	[tilespmem:$0x10210] =	vst v4  }
0x3a: {  	v3 =	vor.u32 $0x1800, v0;
	v4 =	vand.u32 $0x7F, v5;
	v5 =	vld.idx.msk [tilespmem:v6+s17+$0x0], $0xffff  }
0x3b: {  	v6 =	vld [tilespmem:$0x40];
	v7 =	vor.u32 v3, v4;
	_ =	sdelay $0x3  }
0x3c: {  	[tilespmem:$0x10220] =	vst v5  }
0x3d: {  	v4 =	vor.u32 $0x2000, v0;
	v5 =	vand.u32 $0x7F, v6;
	v6 =	vld.idx.msk [tilespmem:v7+s17+$0x0], $0xffff  }
0x3e: {  	v7 =	vld [tilespmem:$0x50];
	v8 =	vor.u32 v4, v5;
	_ =	sdelay $0x3  }
0x3f: {  	[tilespmem:$0x10230] =	vst v6  }
0x40: {  	v5 =	vor.u32 $0x2800, v0;
	v6 =	vand.u32 $0x7F, v7;
	v7 =	vld.idx.msk [tilespmem:v8+s17+$0x0], $0xffff  }
0x41: {  	v8 =	vld [tilespmem:$0x60];
	v9 =	vor.u32 v5, v6;
	_ =	sdelay $0x3  }
0x42: {  	[tilespmem:$0x10240] =	vst v7  }
0x43: {  	v6 =	vor.u32 $0x3000, v0;
	v7 =	vand.u32 $0x7F, v8;
	v8 =	vld.idx.msk [tilespmem:v9+s17+$0x0], $0xffff  }
0x44: {  	v62 =	vld [tilespmem:$0x70];
	v10 =	vor.u32 v6, v7;
	_ =	sdelay $0x3  }
0x45: {  	[tilespmem:$0x10250] =	vst v8  }
0x46: {  	v7 =	vor.u32 $0x3800, v0;
	v8 =	vand.u32 $0x7F, v62;
	v63 =	vld.idx.msk [tilespmem:v10+s17+$0x0], $0xffff  }
0x47: {  	v8 =	vor.u32 v7, v8;
	_ =	sdelay $0x3  }
0x48: {  	[tilespmem:$0x10260] =	vst v63  }
0x49: {  	v8 =	vld.idx.msk [tilespmem:v8+s17+$0x0], $0xffff;
	_ =	sdelay $0x4  }
0x4a: {  	s19 =	simm.s32 $0x1;
	[tilespmem:$0x10270] =	vst v8  }
0x4b: {  	_ =	swait.ge [sflag:s19], $0x4000  }
0x4c: {  	[sflag:s19] =	ssyncset.done $0x0  }
0x4d: {  	[sflag:s19] =	ssyncadd.s32 $0xFFFFC000  }
0x4e: {  	_ =	swait.ge [sflag:s19], $0x4000  }
0x4f: {  	[sflag:s19] =	ssyncset.done $0x0  }
0x50: {  	[sflag:s19] =	ssyncadd.s32 $0xFFFFC000  }
0x51: {  	s21 =	ssub.s32 $0x2, s21;
	s23 =	sshll.u32 s23, $0x4;
	_ =	swait.ge [sflag:s19], $0x4000  }
0x52: {  	s25 =	sshrl.u32 s21, $0x1;
	s23 =	sadd.s32 s23, s20;
	[sflag:s19] =	ssyncset.done $0x0  }
0x53: {  	s25 =	ssub.s32 s21, s25;
	s20 =	sadd.s32 $0x1A400, s23;
	[sflag:s19] =	ssyncadd.s32 $0xFFFFC000  }
0x54: {  	[hbm4b:s20+s5] =	stream.linear.scatter [tilespmem:s12], [sflag:$0x3], $0x4000, $0x38;
	[tilespmem:$0x10280] =	vst v63  }
0x55: {  	s25 =	smax.u32 s25, $0x1;
	_ =	swait.ge [sflag:s6], $0x4000  }
0x56: {  	p0 =	sne.s32 s25, $0x1;
	[sflag:s6] =	ssyncset.done $0x0  }
.Ltmp0:
0x57: {  	s21 =	sadd.s32 $0xA400, s23;
	[sflag:s6] =	ssyncadd.s32 $0xFFFFC000;
	(pc) =	sbr.rel @!p0 .LBB2_2-.Ltmp0, $4  }
0x58: {  	[hbm4b:s21+s5] =	stream.linear.scatter [tilespmem:s13], [sflag:$0x3], $0x4000, $0x38;
	[tilespmem:$0x10280] =	vst v63  }
0x59: {  	_ =	swait.ge [sflag:s6], $0x4000  }
0x5a: {  	s22 =	sadd.s32 s22, s24;
	s24 =	simm.s32 $0x10200;
	[sflag:s6] =	ssyncset.done $0x0  }
0x5b: {  	s23 =	sadd.s32 $0x2A400, s23;
	s25 =	sadd.s32 $0xFFFFFFFF, s25;
	[sflag:s6] =	ssyncadd.s32 $0xFFFFC000  }
.LBB2_1:
0x5c: {  	[hbm4b:s23+s5] =	stream.linear.scatter [tilespmem:s14], [sflag:$0x3], $0x4000, $0x38;
	[tilespmem:$0x10280] =	vst v63  }
0x5d: {  	p0 =	sne.s32 s25, $0x1;
	s25 =	sadd.s32 $0xFFFFFFFF, s25;
	_ =	swait.ge [sflag:s6], $0x4000  }
0x5e: {  	[sflag:s6] =	ssyncset.done $0x0  }
0x5f: {  	[sflag:s6] =	ssyncadd.s32 $0xFFFFC000  }
0x60: {  	[hbm4b:s22+s5] =	stream.linear.scatter [tilespmem:s24], [sflag:$0x3], $0x80, $0x38;
	[tilespmem:$0x10280] =	vst v63  }
0x61: {  	_ =	swait.ge [sflag:s6], $0x80  }
0x62: {  	[sflag:s6] =	ssyncset.done $0x0  }
0x63: {  	[sflag:s6] =	ssyncadd.s32 $0xFFFFFF80  }
0x64: {  	[tilespmem:s5], [sflag:$0x3] =	stream.linear.gather [hbm4b:s7+s5], $0x80, $0x38;
	[tilespmem:$0x10280] =	vst v63  }
0x65: {  	_ =	swait.ge [sflag:s6], $0x80  }
0x66: {  	[sflag:s6] =	ssyncset.done $0x0  }
0x67: {  	[sflag:s6] =	ssyncadd.s32 $0xFFFFFF80  }
0x68: {  	[tilespmem:s9], [sflag:$0x3] =	stream.linear.gather [hbm4b:s8+s5], $0x80, $0x38;
	[tilespmem:$0x10280] =	vst v63  }
0x69: {  	_ =	swait.ge [sflag:s6], $0x80  }
0x6a: {  	[sflag:s6] =	ssyncset.done $0x0  }
0x6b: {  	[sflag:s6] =	ssyncadd.s32 $0xFFFFFF80  }
0x6c: {  	[tilespmem:s11], [sflag:$0x3] =	stream.linear.gather [hbm4b:s10+s5], $0x80, $0x38;
	[tilespmem:$0x10280] =	vst v63  }
0x6d: {  	_ =	swait.ge [sflag:s6], $0x80  }
0x6e: {  	[sflag:s6] =	ssyncset.done $0x0  }
0x6f: {  	[sflag:s6] =	ssyncadd.s32 $0xFFFFFF80  }
0x70: {  	[tilespmem:s12], [sflag:$0x1] =	stream.indirect.gather [hbm4b:s4+s9], $0x80, s5, s9, $0xb8;
	[tilespmem:$0x10280] =	vst v63  }
0x71: {  	_ = 	snop  }
0x72: {  	[tilespmem:s13], [sflag:$0x1] =	stream.indirect.gather [hbm4b:s2+s9], $0x80, s9, s9, $0xb8;
	[tilespmem:$0x10280] =	vst v63  }
0x73: {  	_ = 	snop  }
0x74: {  	[tilespmem:s14], [sflag:$0x1] =	stream.indirect.gather [hbm4b:s3+s9], $0x80, s11, s9, $0xb8;
	[tilespmem:$0x10280] =	vst v63  }
0x75: {  	v8 =	vld [tilespmem:$0x70]  }
0x76: {  	v9 =	vld [tilespmem:$0x60]  }
0x77: {  	v10 =	vld [tilespmem:$0x50]  }
0x78: {  	v11 =	vld [tilespmem:$0x40]  }
0x79: {  	v12 =	vld [tilespmem:$0x30]  }
0x7a: {  	v13 =	vld [tilespmem:$0x20];
	v8 =	vshra.s32 v8, $0x7  }
0x7b: {  	v14 =	vld [tilespmem:$0x10];
	v9 =	vshra.s32 v9, $0x7;
	[tilespmem:$0x1F0] =	vst v8  }
0x7c: {  	v8 =	vld [tilespmem:$0x0];
	v10 =	vshra.s32 v10, $0x7;
	[tilespmem:$0x1E0] =	vst v9  }
0x7d: {  	v9 =	vshra.s32 v11, $0x7;
	[tilespmem:$0x1D0] =	vst v10  }
0x7e: {  	v10 =	vshra.s32 v12, $0x7;
	[tilespmem:$0x1C0] =	vst v9  }
0x7f: {  	v9 =	vshra.s32 v13, $0x7;
	[tilespmem:$0x1B0] =	vst v10  }
0x80: {  	v10 =	vshra.s32 v14, $0x7;
	[tilespmem:$0x1A0] =	vst v9  }
0x81: {  	v8 =	vshra.s32 v8, $0x7;
	[tilespmem:$0x190] =	vst v10  }
0x82: {  	[tilespmem:$0x180] =	vst v8  }
0x83: {  	[tilespmem:s17], [sflag:$0x2] =	stream.indirect.gather [hbm4b:s15+s9], $0x80, s16, s9, $0xb8;
	[tilespmem:$0x10280] =	vst v63  }
0x84: {  	_ =	swait.ge [sflag:s18], $0x4000  }
0x85: {  	[sflag:s18] =	ssyncset.done $0x0  }
0x86: {  	[sflag:s18] =	ssyncadd.s32 $0xFFFFC000  }
0x87: {  	v8 =	vld [tilespmem:$0x0]  }
0x88: {  	v9 =	vld [tilespmem:$0x10]  }
0x89: {  	v10 =	vld [tilespmem:$0x20]  }
0x8a: {  	v11 =	vld [tilespmem:$0x30]  }
0x8b: {  	v12 =	vld [tilespmem:$0x40]  }
0x8c: {  	v8 =	vand.u32 $0x7F, v8;
	v13 =	vld [tilespmem:$0x50]  }
0x8d: {  	v8 =	vor.u32 v0, v8;
	v9 =	vand.u32 $0x7F, v9;
	v14 =	vld [tilespmem:$0x60]  }
0x8e: {  	v10 =	vand.u32 $0x7F, v10;
	v15 =	vld [tilespmem:$0x70]  }
0x8f: {  	v11 =	vand.u32 $0x7F, v11  }
0x90: {  	v12 =	vand.u32 $0x7F, v12  }
0x91: {  	v13 =	vand.u32 $0x7F, v13  }
0x92: {  	v8 =	vld.idx.msk [tilespmem:v8+s17+$0x0], $0xffff;
	v14 =	vand.u32 $0x7F, v14  }
0x93: {  	v15 =	vand.u32 $0x7F, v15  }
0x94: {  	v9 =	vor.u32 v1, v9;
	_ =	sdelay $0x3  }
0x95: {  	[tilespmem:$0x10200] =	vst v8  }
0x96: {  	v8 =	vld.idx.msk [tilespmem:v9+s17+$0x0], $0xffff;
	_ =	sdelay $0x1  }
0x97: {  	v9 =	vor.u32 v2, v10;
	_ =	sdelay $0x3  }
0x98: {  	[tilespmem:$0x10210] =	vst v8  }
0x99: {  	v8 =	vld.idx.msk [tilespmem:v9+s17+$0x0], $0xffff;
	_ =	sdelay $0x1  }
0x9a: {  	v9 =	vor.u32 v3, v11;
	_ =	sdelay $0x3  }
0x9b: {  	[tilespmem:$0x10220] =	vst v8  }
0x9c: {  	v8 =	vld.idx.msk [tilespmem:v9+s17+$0x0], $0xffff;
	_ =	sdelay $0x1  }
0x9d: {  	v9 =	vor.u32 v4, v12;
	_ =	sdelay $0x3  }
0x9e: {  	[tilespmem:$0x10230] =	vst v8  }
0x9f: {  	v8 =	vld.idx.msk [tilespmem:v9+s17+$0x0], $0xffff;
	_ =	sdelay $0x1  }
0xa0: {  	v9 =	vor.u32 v5, v13;
	_ =	sdelay $0x3  }
0xa1: {  	[tilespmem:$0x10240] =	vst v8  }
0xa2: {  	v8 =	vld.idx.msk [tilespmem:v9+s17+$0x0], $0xffff;
	_ =	sdelay $0x1  }
0xa3: {  	v9 =	vor.u32 v6, v14;
	_ =	sdelay $0x3  }
0xa4: {  	[tilespmem:$0x10250] =	vst v8  }
0xa5: {  	v8 =	vld.idx.msk [tilespmem:v9+s17+$0x0], $0xffff;
	_ =	sdelay $0x1  }
0xa6: {  	v9 =	vor.u32 v7, v15;
	_ =	sdelay $0x3  }
0xa7: {  	[tilespmem:$0x10260] =	vst v8  }
0xa8: {  	v8 =	vld.idx.msk [tilespmem:v9+s17+$0x0], $0xffff;
	_ =	sdelay $0x5  }
0xa9: {  	[tilespmem:$0x10270] =	vst v8  }
0xaa: {  	_ =	swait.ge [sflag:s19], $0x4000  }
0xab: {  	[sflag:s19] =	ssyncset.done $0x0  }
0xac: {  	[sflag:s19] =	ssyncadd.s32 $0xFFFFC000  }
0xad: {  	_ =	swait.ge [sflag:s19], $0x4000  }
0xae: {  	[sflag:s19] =	ssyncset.done $0x0  }
0xaf: {  	[sflag:s19] =	ssyncadd.s32 $0xFFFFC000  }
0xb0: {  	_ =	swait.ge [sflag:s19], $0x4000  }
0xb1: {  	[sflag:s19] =	ssyncset.done $0x0  }
0xb2: {  	[sflag:s19] =	ssyncadd.s32 $0xFFFFC000  }
0xb3: {  	[hbm4b:s20+s5] =	stream.linear.scatter [tilespmem:s12], [sflag:$0x3], $0x4000, $0x38;
	[tilespmem:$0x10280] =	vst v63  }
0xb4: {  	_ =	swait.ge [sflag:s6], $0x4000  }
0xb5: {  	[sflag:s6] =	ssyncset.done $0x0  }
.Ltmp1:
0xb6: {  	[sflag:s6] =	ssyncadd.s32 $0xFFFFC000;
	(pc) =	sbr.rel @p0 .LBB2_1-.Ltmp1, $4  }
0xb7: {  	[hbm4b:s21+s5] =	stream.linear.scatter [tilespmem:s13], [sflag:$0x3], $0x4000, $0x38;
	[tilespmem:$0x10280] =	vst v63  }
0xb8: {  	_ =	swait.ge [sflag:s6], $0x4000  }
0xb9: {  	[sflag:s6] =	ssyncset.done $0x0  }
0xba: {  	[sflag:s6] =	ssyncadd.s32 $0xFFFFC000  }
.LBB2_2:
0xbb: {  	[hbm4b:s23+s5] =	stream.linear.scatter [tilespmem:s14], [sflag:$0x3], $0x4000, $0x38;
	[tilespmem:$0x10280] =	vst v63  }
0xbc: {  	_ =	swait.ge [sflag:s6], $0x4000  }
0xbd: {  	[sflag:s6] =	ssyncset.done $0x0  }
0xbe: {  	[sflag:s6] =	ssyncadd.s32 $0xFFFFC000  }
0xbf: {  	[hbm4b:s22+s5] =	stream.linear.scatter [tilespmem:s24], [sflag:$0x3], $0x80, $0x38;
	[tilespmem:$0x10280] =	vst v63  }
0xc0: {  	_ =	swait.ge [sflag:s6], $0x80  }
0xc1: {  	[sflag:s6] =	ssyncset.done $0x0  }
0xc2: {  	[sflag:s6] =	ssyncadd.s32 $0xFFFFFF80  }
0xc3: {  	_ =	sfence.sel $0x180000  }
0xc4: {  	[bflag:$0x0] =	sbarrier.arrive $0xFFFF  }
0xc5: {  	p0 =	sne.s32 s0, $0x0;
	_ =	strace $0x90000047  }
0xc6: {  	s0 =	sadd.s32 @!p0 $0x100000, s1;
	[bflag:$0x2] =	sbarrier.arrive $0xFFFF  }
0xc7: {  	[sflag:s0] =	ssyncadd.tile.s32 @!p0 $0x1;
	_ =	shalt  }
.Lfunc_end2:
_tile_overlayer_lowered:
.L_overlay_start_2:
0xc8: {  	(tag) =	ssettag $0x2  }
0xc9: {  	s0 =	rddreg [dreg:$0x0];
	s2 =	stileid.u32  }
0xca: {  	s1 =	rddreg [dreg:$0x1];
	p0 =	sne.s32 s2, $0x0  }
0xcb: {  	s3 =	rddreg [dreg:$0x2];
	[bflag:$0x3] =	sbarrier.arrive $0xFFFF;
	s2 =	simm.s32 @!p0 $0x1C03  }
0xcc: {  	[timem:s3], [sflag:s2] =	dma.local @!p0 [hbm:s0], s1  }
0xcd: {  	s0 =	simm.s32 @!p0 $0x3  }
0xce: {  	_ =	swait.ge @!p0 [sflag:s0], s1  }
0xcf: {  	s1 =	ssub.s32 @!p0 $0x0, s1;
	[sflag:s0] =	ssyncset.done @!p0 $0x0  }
0xd0: {  	[sflag:s0] =	ssyncadd.s32 @!p0 s1  }
0xd1: {  	[bflag:$0x3] =	sbarrier.arrive $0xFFFF  }
0xd2: {  	_ =	shalt  }

</sc_bundles>
